<compile_context>
chip_gen: v7x
topology: tpu7x:2x2x1
jax: 0.10.2.dev20260603
libtpu: 0.0.44.dev20260713+nightly
codegen_flags: <defaults>
</compile_context>

<pallas_src>
import functools

import jax
import jax.numpy as jnp
from jax.experimental import pallas as pl
from jax.experimental.pallas import tpu as pltpu
from jax.experimental.pallas import tpu_sc as plsc

THR = 1e-20


def _pick_tile(E):
    for t in (200, 8):
        if E % t == 0:
            return t
    return E



def _attn_body(qq_ref, emb_ref, WihT_ref, WhhT_ref, bih_ref, bhh_ref,
               WlinT_ref, blin_ref, out_ref):
    B = qq_ref.shape[1]
    NQ1, EM = emb_ref.shape
    K, _, _, H4 = WihT_ref.shape
    H = H4 // 4

    qv = qq_ref[0, :]
    cols = jax.lax.broadcasted_iota(jnp.int32, (B, NQ1), 1)
    oh = jnp.where(cols == qv[:, None], 1.0, 0.0).astype(jnp.float32)
    q01 = jnp.dot(oh, emb_ref[...], preferred_element_type=jnp.float32)
    q2 = jnp.broadcast_to(emb_ref[NQ1 - 1:NQ1, :], (B, EM))
    xs_f = (q01, q01, q2)
    xs_b = (q2, q01, q01)

    for k in range(K):
        hs = [[None] * 3, [None] * 3]
        for d, xs in ((0, xs_f), (1, xs_b)):
            h = jnp.zeros((B, H), jnp.float32)
            c = jnp.zeros((B, H), jnp.float32)
            for t in range(3):
                g = (jnp.dot(xs[t], WihT_ref[k, d], preferred_element_type=jnp.float32)
                     + jnp.dot(h, WhhT_ref[k, d], preferred_element_type=jnp.float32)
                     + bih_ref[k, d] + bhh_ref[k, d])
                ig = jax.nn.sigmoid(g[:, 0:H])
                fg = jax.nn.sigmoid(g[:, H:2 * H])
                gg = jnp.tanh(g[:, 2 * H:3 * H])
                og = jax.nn.sigmoid(g[:, 3 * H:4 * H])
                c = fg * c + ig * gg
                h = og * jnp.tanh(c)
                hs[d][t] = h
        for t in range(2):
            out_t = jnp.concatenate([hs[0][t], hs[1][2 - t]], axis=1)
            logits = jnp.dot(out_t, WlinT_ref[...],
                             preferred_element_type=jnp.float32) + blin_ref[0, :]
            m = jnp.max(logits, axis=1, keepdims=True)
            e = jnp.exp(logits - m)
            a = e / jnp.sum(e, axis=1, keepdims=True)
            out_ref[k, t, :, :] = a


def _attention(qq, emb, Wih, Whh, bih, bhh, Wlin, blin):
    K, _, H4, EM = Wih.shape
    B = qq.shape[0]
    NOP1 = Wlin.shape[0]
    return pl.pallas_call(
        _attn_body,
        out_shape=jax.ShapeDtypeStruct((K, 2, B, NOP1), jnp.float32),
    )(qq.reshape(1, B).astype(jnp.int32), emb,
      Wih.transpose(0, 1, 3, 2), Whh.transpose(0, 1, 3, 2),
      bih.reshape(K, 2, 1, H4), bhh.reshape(K, 2, 1, H4),
      Wlin.T, blin.reshape(1, NOP1))



def _onehot_body(tt_ref, out_ref):
    T, C = out_ref.shape
    B = tt_ref.shape[1]
    i = pl.program_id(0)
    rows = i * T + jax.lax.broadcasted_iota(jnp.int32, (T, B), 0)
    m = jnp.where(rows == tt_ref[0, :][None, :], 1.0, 0.0).astype(jnp.float32)
    out_ref[...] = jnp.concatenate([m] * (C // B), axis=1)


def _onehot_rhs(tt, E, K):
    B = tt.shape[0]
    T = _pick_tile(E)
    return pl.pallas_call(
        _onehot_body,
        grid=(E // T,),
        in_specs=[pl.BlockSpec((1, B), lambda i: (0, 0))],
        out_specs=pl.BlockSpec((T, K * B), lambda i: (i, 0)),
        out_shape=jax.ShapeDtypeStruct((E, K * B), jnp.float32),
    )(tt.reshape(1, B).astype(jnp.int32))




def _sc_gather(tt, mdb):
    R, E, _ = mdb.shape
    B = tt.shape[0]
    E_pad = ((E + 2047) // 2048) * 2048
    mdb_flat = mdb.reshape(R * E * E)
    tt16 = jnp.broadcast_to(tt.astype(jnp.int32)[:, None], (B, 16))
    info = plsc.get_sparse_core_info()
    NW = info.num_cores * info.num_subcores
    per_w = (R * B) // NW
    mesh = plsc.VectorSubcoreMesh(core_axis_name="c", subcore_axis_name="s")

    @functools.partial(
        pl.kernel, mesh=mesh,
        out_type=jax.ShapeDtypeStruct((R, B, E_pad), jnp.float32),
        compiler_params=pltpu.CompilerParams(use_tc_tiling_on_sc=False),
        scratch_types=[
            pltpu.VMEM((16,), jnp.int32),
            pltpu.VMEM((E,), jnp.int32),
            pltpu.VMEM((E,), jnp.float32),
            pltpu.SemaphoreType.DMA,
        ],
    )
    def gk(tt16_hbm, flat_hbm, out_hbm, tts_v, idx_v, col_v, sem):
        wid = jax.lax.axis_index("s") * info.num_cores + jax.lax.axis_index("c")
        lane = jax.lax.iota(jnp.int32, 16)
        for j in range(per_w):
            p = wid * per_w + j
            r = p // B
            b = p % B
            pltpu.sync_copy(tt16_hbm.at[b], tts_v)
            base = tts_v[...] + r * (E * E)

            def build(g, _):
                idx_v[pl.ds(g * 16, 16)] = base + (g * 16 + lane) * E
                return 0

            jax.lax.fori_loop(0, E // 16, build, 0)
            pltpu.async_copy(flat_hbm.at[idx_v], col_v, sem).wait()
            pltpu.sync_copy(col_v, out_hbm.at[r, b, pl.ds(0, E)])

    out = gk(tt16, mdb_flat)
    return out.reshape(R, B, E_pad)



def _combine_body(E, Gt_ref, tt_ref, A0_ref, acc_ref, norms_ref):
    R = Gt_ref.shape[0]
    B = Gt_ref.shape[1]
    TS = Gt_ref.shape[2]
    K = A0_ref.shape[0] // B
    i = pl.program_id(0)
    lanes = i * TS + jax.lax.broadcasted_iota(jnp.int32, (B, TS), 1)
    ttv = tt_ref[0, :]
    onehot = jnp.where(lanes == ttv[:, None], 1.0, 0.0).astype(jnp.float32)
    lane_ok = lanes < E

    @pl.when(i == 0)
    def _():
        norms_ref[...] = jnp.zeros_like(norms_ref)

    for k in range(K):
        acc_k = onehot * A0_ref[k * B:(k + 1) * B, 4][:, None]
        for r in range(R):
            acc_k = acc_k + Gt_ref[r] * A0_ref[k * B:(k + 1) * B, r][:, None]
        contrib = jnp.sum(jnp.where(lane_ok, jnp.abs(acc_k), 0.0),
                          axis=1)[None, :]
        norms_ref[0:1, k * B:(k + 1) * B] += contrib
        acc_ref[:, k * B:(k + 1) * B] = acc_k.T


def _combine(Gt, tt, A0, E):
    R, B, E_pad = Gt.shape
    C = A0.shape[0]
    K = C // B
    TS = 256
    n = (E + TS - 1) // TS
    return pl.pallas_call(
        functools.partial(_combine_body, E),
        grid=(n,),
        in_specs=[
            pl.BlockSpec((R, B, TS), lambda i: (0, 0, i)),
            pl.BlockSpec((1, B), lambda i: (0, 0)),
            pl.BlockSpec((C, 5), lambda i: (0, 0)),
        ],
        out_specs=[
            pl.BlockSpec((TS, C), lambda i: (i, 0)),
            pl.BlockSpec((1, C), lambda i: (0, 0)),
        ],
        out_shape=[
            jax.ShapeDtypeStruct((E, C), jnp.float32),
            jax.ShapeDtypeStruct((1, C), jnp.float32),
        ],
        compiler_params=pltpu.CompilerParams(
            dimension_semantics=("arbitrary",)),
    )(Gt, tt.reshape(1, B).astype(jnp.int32), A0)



def _prop_body(mdb_ref, rhs_ref, Ar_ref, Askip_ref, normin_ref,
               acc_ref, norms_ref):
    T = acc_ref.shape[0]
    i = pl.program_id(0)
    r = pl.program_id(1)
    R = pl.num_programs(1)
    ninv = 1.0 / jnp.maximum(normin_ref[0, :], THR)
    w = Ar_ref[0, 0, :] * ninv
    part = jnp.dot(mdb_ref[0], rhs_ref[...],
                   preferred_element_type=jnp.float32) * w[None, :]

    @pl.when(r == 0)
    def _():
        wskip = Askip_ref[0, :] * ninv
        acc_ref[...] = part + rhs_ref[pl.ds(i * T, T), :] * wskip[None, :]

    @pl.when(r > 0)
    def _():
        acc_ref[...] += part

    @pl.when(r == R - 1)
    def _():
        colsum = jnp.sum(jnp.abs(acc_ref[...]), axis=0, keepdims=True)

        @pl.when(i == 0)
        def _():
            norms_ref[...] = colsum

        @pl.when(i > 0)
        def _():
            norms_ref[...] += colsum


def _propagate(mdb, rhs, A, norm_in):
    R, E, _ = mdb.shape
    C = rhs.shape[1]
    T = _pick_tile(E)
    Ar = A.T.reshape(R + 1, 1, C)
    return pl.pallas_call(
        _prop_body,
        grid=(E // T, R),
        in_specs=[
            pl.BlockSpec((1, T, E), lambda i, r: (r, i, 0)),
            pl.BlockSpec((E, C), lambda i, r: (0, 0)),
            pl.BlockSpec((1, 1, C), lambda i, r: (r, 0, 0)),
            pl.BlockSpec((1, C), lambda i, r: (0, 0)),
            pl.BlockSpec((1, C), lambda i, r: (0, 0)),
        ],
        out_specs=[
            pl.BlockSpec((T, C), lambda i, r: (i, 0)),
            pl.BlockSpec((1, C), lambda i, r: (0, 0)),
        ],
        out_shape=[
            jax.ShapeDtypeStruct((E, C), jnp.float32),
            jax.ShapeDtypeStruct((1, C), jnp.float32),
        ],
        compiler_params=pltpu.CompilerParams(
            dimension_semantics=("arbitrary", "arbitrary")),
    )(mdb, rhs, Ar[:R], Ar[R], norm_in)



def _epi_body(acc_ref, norms_ref, out_ref):
    B = out_ref.shape[1]
    K = acc_ref.shape[1] // B
    t = acc_ref[...] / jnp.maximum(norms_ref[0, :], THR)[None, :]
    s = t[:, 0:B]
    for k in range(1, K):
        s = s + t[:, k * B:(k + 1) * B]
    out_ref[...] = s


def _epilogue(acc, norms, B):
    E, C = acc.shape
    T = _pick_tile(E)
    return pl.pallas_call(
        _epi_body,
        grid=(E // T,),
        in_specs=[
            pl.BlockSpec((T, C), lambda i: (i, 0)),
            pl.BlockSpec((1, C), lambda i: (0, 0)),
        ],
        out_specs=pl.BlockSpec((T, B), lambda i: (i, 0)),
        out_shape=jax.ShapeDtypeStruct((E, B), jnp.float32),
    )(acc, norms)



def kernel(qq, tt, mdb, emb, Wih, Whh, bih, bhh, Wlin, blin):
    R, E, _ = mdb.shape
    B = qq.shape[0]
    K = Wih.shape[0]
    C = K * B

    attn = _attention(qq, emb, Wih, Whh, bih, bhh, Wlin, blin)
    A0 = attn[:, 0].reshape(C, R + 1)
    A1 = attn[:, 1].reshape(C, R + 1)

    info = plsc.get_sparse_core_info()
    NW = info.num_cores * info.num_subcores
    sc_ok = (E % 16 == 0) and ((R * B) % NW == 0)
    if sc_ok:
        Gt = _sc_gather(tt, mdb)
        acc0, norms0 = _combine(Gt, tt, A0, E)
    else:
        rhs0 = _onehot_rhs(tt, E, K)
        ones = jnp.ones((1, C), jnp.float32)
        acc0, norms0 = _propagate(mdb, rhs0, A0, ones)
    acc1, norms1 = _propagate(mdb, acc0, A1, norms0)
    predT = _epilogue(acc1, norms1, B)
    return predT.T

# --- scband reference (transcript-rebuilt; emitter-appended) ---
"""Pipeline reference for scband-learner-13082470383917 (READ-ONLY COPY).

The authoritative reference and input builder live on the scoring server;
editing this copy changes nothing except your own understanding.
"""

import jax, jax.numpy as jnp
import numpy as np

NUM_ENTITY = 10000
NUM_QUERY = 24
NUM_OPERATOR = 4
NUM_STEP = 3
RANK = 3
EMBED = 128
HID = 128
THR = 1e-20
BATCH = 64


def _lstm_dir(x, Wih, Whh, bih, bhh):
    B = x.shape[0]
    H = Whh.shape[1]

    def step(carry, xt):
        h, c = carry
        g = xt @ Wih.T + h @ Whh.T + bih + bhh
        i, f, gg, o = jnp.split(g, 4, axis=-1)
        c = jax.nn.sigmoid(f) * c + jax.nn.sigmoid(i) * jnp.tanh(gg)
        h = jax.nn.sigmoid(o) * jnp.tanh(c)
        return (h, c), h

    init = (jnp.zeros((B, H), x.dtype), jnp.zeros((B, H), x.dtype))
    _, ys = jax.lax.scan(step, init, jnp.swapaxes(x, 0, 1))
    return jnp.swapaxes(ys, 0, 1)


def _bilstm(x, Wih, Whh, bih, bhh):
    fwd = _lstm_dir(x, Wih[0], Whh[0], bih[0], bhh[0])
    bwd = _lstm_dir(x[:, ::-1, :], Wih[1], Whh[1], bih[1], bhh[1])[:, ::-1, :]
    return jnp.concatenate([fwd, bwd], axis=-1)


def _forward(mdb, emb, Wih, Whh, bih, bhh, Wlin, blin, qq, tt):
    B = qq.shape[0]
    # queries = [[q]*(num_step-1) + [num_query] for q in qq]
    queries = jnp.concatenate([jnp.tile(qq[:, None], (1, NUM_STEP - 1)),
                               jnp.full((B, 1), NUM_QUERY, dtype=qq.dtype)], axis=1)
    qin = jnp.take(emb, queries, axis=0)  # [B, num_step, EMBED]
    tails = jax.nn.one_hot(tt, NUM_ENTITY, dtype=jnp.float32)  # [B, E]
    prediction = jnp.zeros((B, NUM_ENTITY), jnp.float32)
    for i in range(RANK):
        out = _bilstm(qin, Wih[i], Whh[i], bih[i], bhh[i])  # [B, num_step, 2H]
        attn = jax.nn.softmax(out @ Wlin.T + blin, axis=-1)  # [B, num_step, num_op+1]
        memory_read = tails
        for t in range(NUM_STEP):
            a = attn[:, t, :]
            if t < NUM_STEP - 1:
                mrt = memory_read.T  # [E, B]
                acc = jnp.zeros_like(memory_read)
                for r in range(NUM_OPERATOR):
                    acc = acc + (mdb[r] @ mrt).T * a[:, r:r + 1]
                acc = acc + memory_read * a[:, -1:]
                # F.normalize(x, p=1, dim=1, eps=thr)
                norm = jnp.maximum(jnp.sum(jnp.abs(acc), axis=1, keepdims=True), THR)
                memory_read = acc / norm
        prediction = prediction + memory_read
    return prediction


def setup_inputs(seed: int = 0):
    key = jax.random.key(seed)
    ks = jax.random.split(key, 8)
    qq = jax.random.randint(ks[0], (BATCH,), 0, NUM_QUERY)
    tt = jax.random.randint(ks[1], (BATCH,), 0, NUM_ENTITY)
    mdb = jax.random.uniform(ks[2], (NUM_OPERATOR, NUM_ENTITY, NUM_ENTITY), dtype=jnp.float32)
    emb = jax.random.normal(ks[3], (NUM_QUERY + 1, EMBED), dtype=jnp.float32) * 0.1
    Wih = jax.random.normal(ks[4], (RANK, 2, 4 * HID, EMBED), dtype=jnp.float32) * 0.05
    Whh = jax.random.normal(ks[5], (RANK, 2, 4 * HID, HID), dtype=jnp.float32) * 0.05
    bih = jnp.zeros((RANK, 2, 4 * HID), jnp.float32)
    bhh = jnp.zeros((RANK, 2, 4 * HID), jnp.float32)
    Wlin = jax.random.normal(ks[6], (NUM_OPERATOR + 1, 2 * HID), dtype=jnp.float32) * 0.05
    blin = jnp.zeros((NUM_OPERATOR + 1,), jnp.float32)
    return {"qq": qq, "tt": tt, "mdb": mdb, "emb": emb, "Wih": Wih, "Whh": Whh,
            "bih": bih, "bhh": bhh, "Wlin": Wlin, "blin": blin}


def reference(qq, tt, mdb, emb, Wih, Whh, bih, bhh, Wlin, blin):
    return _forward(mdb, emb, Wih, Whh, bih, bhh, Wlin, blin, qq, tt)

if __name__ == "__main__":
    import jax
    _d = setup_inputs()
    print(jax.jit(kernel)(*tuple(_d.values())))

</pallas_src>

<mosaic_0001>
#map = affine_map<(d0, d1) -> (0, 0)>
#map1 = affine_map<(d0, d1) -> (0)>
#map2 = affine_map<(d0, d1) -> (0, 0, 0)>
module attributes {stable_mosaic.version = 14 : i64} {
  func.func @gk(%arg0: i32, %arg1: i32, %arg2: memref<64x16xi32, #tpu.memory_space<hbm>>, %arg3: memref<400000000xf32, #tpu.memory_space<hbm>>, %arg4: memref<4x64x10240xf32, #tpu.memory_space<hbm>>, %arg5: memref<16xi32, #tpu.memory_space<vmem>>, %arg6: memref<10000xi32, #tpu.memory_space<vmem>>, %arg7: memref<10000xf32, #tpu.memory_space<vmem>>, %arg8: memref<!tpu.dma_semaphore, #tpu.memory_space<semaphore_mem>>) attributes {dimension_semantics = [#tpu.dimension_semantics<core_parallel>, #tpu.dimension_semantics<subcore_parallel>], iteration_bounds = array<i64: 2, 16>, scalar_prefetch = 0 : i64, scratch_operands = 4 : i64, tpu.core_type = #tpu.core_type<sc_vector_subcore>, window_params = [{transform_indices = #map}, {transform_indices = #map1}, {transform_indices = #map2}]} {
    %mul3A = arith.constant 2 : i32
    %mul3A_0 = arith.muli %arg1, %mul3A : i32
    %add3A = arith.addi %mul3A_0, %arg0 : i32
    %iota3A = tpu.iota {dimensions = array<i32: 0>} : vector<16xi32>
    %mul3A_1 = arith.constant 8 : i32
    %mul3A_2 = arith.muli %add3A, %mul3A_1 : i32
    %add3A_3 = arith.constant 0 : i32
    %add3A_4 = arith.addi %mul3A_2, %add3A_3 : i32
    %jit3A = arith.constant 64 : i32
    %div3A = arith.divsi %add3A_4, %jit3A : i32
    %sign3A = arith.constant 0 : i32
    %sign3A_5 = arith.cmpi sgt, %add3A_4, %sign3A : i32
    %sign3A_6 = arith.extui %sign3A_5 : i1 to i32
    %sign3A_7 = arith.constant 0 : i32
    %sign3A_8 = arith.cmpi slt, %add3A_4, %sign3A_7 : i32
    %sign3A_9 = arith.extui %sign3A_8 : i1 to i32
    %sign3A_10 = arith.subi %sign3A_6, %sign3A_9 : i32
    %sign3A_11 = arith.constant 0 : i32
    %sign3A_12 = arith.cmpi sgt, %jit3A, %sign3A_11 : i32
    %sign3A_13 = arith.extui %sign3A_12 : i1 to i32
    %sign3A_14 = arith.constant 0 : i32
    %sign3A_15 = arith.cmpi slt, %jit3A, %sign3A_14 : i32
    %sign3A_16 = arith.extui %sign3A_15 : i1 to i32
    %sign3A_17 = arith.subi %sign3A_13, %sign3A_16 : i32
    %ne3A = arith.cmpi ne, %sign3A_10, %sign3A_17 : i32
    %rem3A = arith.remsi %add3A_4, %jit3A : i32
    %ne3A_18 = arith.constant 0 : i32
    %ne3A_19 = arith.cmpi ne, %rem3A, %ne3A_18 : i32
    %and3A = arith.andi %ne3A, %ne3A_19 : i1
    %sub3A = arith.constant 1 : i32
    %sub3A_20 = arith.subi %div3A, %sub3A : i32
    %select_n3A = arith.select %and3A, %sub3A_20, %div3A : i32
    %jit3A_21 = arith.constant 64 : i32
    %eq3A = arith.constant 0 : i32
    %eq3A_22 = arith.cmpi eq, %jit3A_21, %eq3A : i32
    %jit3A_23 = arith.constant 1 : i32
    %select_n3A_24 = arith.select %eq3A_22, %jit3A_23, %jit3A_21 : i32
    %rem3A_25 = arith.remsi %add3A_4, %select_n3A_24 : i32
    %ne3A_26 = arith.constant 0 : i32
    %ne3A_27 = arith.cmpi ne, %rem3A_25, %ne3A_26 : i32
    %lt3A = arith.constant 0 : i32
    %lt3A_28 = arith.cmpi slt, %rem3A_25, %lt3A : i32
    %lt3A_29 = arith.constant 0 : i32
    %lt3A_30 = arith.cmpi slt, %select_n3A_24, %lt3A_29 : i32
    %ne3A_31 = arith.xori %lt3A_28, %lt3A_30 : i1
    %and3A_32 = arith.andi %ne3A_31, %ne3A_27 : i1
    %add3A_33 = arith.addi %rem3A_25, %select_n3A_24 : i32
    %select_n3A_34 = arith.select %and3A_32, %add3A_33, %rem3A_25 : i32
    "tpu.region"() ({
      %run_scoped3A = tpu.sem_alloc : memref<!tpu.dma_semaphore, #tpu.memory_space<semaphore_mem>>
      %dma_start3A_483 = arith.constant 0 : i32
      %dma_start3A_484 = tpu.memref_slice %arg2[%select_n3A_34, %dma_start3A_483] : memref<64x16xi32, #tpu.memory_space<hbm>> -> memref<1x16xi32, #tpu.memory_space<hbm>>
      %dma_start3A_485 = tpu.memref_squeeze %dma_start3A_484 : memref<1x16xi32, #tpu.memory_space<hbm>> -> memref<16xi32, #tpu.memory_space<hbm>>
      %dma_start3A_486 = arith.constant 0 : i32
      %dma_start3A_487 = tpu.memref_slice %arg2[%select_n3A_34, %dma_start3A_486] : memref<64x16xi32, #tpu.memory_space<hbm>> -> memref<1x16xi32, #tpu.memory_space<hbm>>
      %dma_start3A_488 = tpu.memref_squeeze %dma_start3A_487 : memref<1x16xi32, #tpu.memory_space<hbm>> -> memref<16xi32, #tpu.memory_space<hbm>>
      tpu.enqueue_dma source(%dma_start3A_488 : memref<16xi32, #tpu.memory_space<hbm>>) target(%arg5 : memref<16xi32, #tpu.memory_space<vmem>>) target_semaphore(%run_scoped3A : memref<!tpu.dma_semaphore, #tpu.memory_space<semaphore_mem>>)
      %dma_wait3A_489 = arith.constant 0 : i32
      %dma_wait3A_490 = tpu.memref_slice %arg2[%select_n3A_34, %dma_wait3A_489] : memref<64x16xi32, #tpu.memory_space<hbm>> -> memref<1x16xi32, #tpu.memory_space<hbm>>
      %dma_wait3A_491 = tpu.memref_squeeze %dma_wait3A_490 : memref<1x16xi32, #tpu.memory_space<hbm>> -> memref<16xi32, #tpu.memory_space<hbm>>
      %dma_wait3A_492 = arith.constant 0 : i32
      %dma_wait3A_493 = tpu.memref_slice %arg2[%select_n3A_34, %dma_wait3A_492] : memref<64x16xi32, #tpu.memory_space<hbm>> -> memref<1x16xi32, #tpu.memory_space<hbm>>
      %dma_wait3A_494 = tpu.memref_squeeze %dma_wait3A_493 : memref<1x16xi32, #tpu.memory_space<hbm>> -> memref<16xi32, #tpu.memory_space<hbm>>
      tpu.wait_dma2 semaphore(%run_scoped3A : memref<!tpu.dma_semaphore, #tpu.memory_space<semaphore_mem>>) src(%dma_wait3A_494 : memref<16xi32, #tpu.memory_space<hbm>>) dst(%arg5 : memref<16xi32, #tpu.memory_space<vmem>>)
      tpu.yield
    }) : () -> ()
    %get3A = arith.constant 0 : index
    %get3A_35 = tpu.vector_load %arg5[%get3A] {strides = array<i32>} : memref<16xi32, #tpu.memory_space<vmem>>, vector<16xi32>,
    %get3A_36 = vector.shape_cast %get3A_35 : vector<16xi32> to vector<16xi32>
    %mul3A_37 = arith.constant 100000000 : i32
    %mul3A_38 = arith.muli %select_n3A, %mul3A_37 : i32
    %add3A_39 = vector.broadcast %mul3A_38 : i32 to vector<16xi32>
    %add3A_40 = arith.addi %get3A_36, %add3A_39 : vector<16xi32>
    %scan3A = arith.constant 0 : i32
    %scan3A_41 = arith.constant 0 : i32
    %scan3A_42 = arith.constant 625 : i32
    %scan3A_43 = arith.addi %scan3A_41, %scan3A_42 : i32
    %scan3A_44 = arith.constant 1 : i32
    %scan3A_45 = scf.for %scan3A_483 = %scan3A_41 to %scan3A_43 step %scan3A_44 iter_args(%scan3A_484 = %scan3A) -> (i32)  : i32 {
      %mul3A_485 = arith.constant 16 : i32
      %mul3A_486 = arith.muli %scan3A_483, %mul3A_485 : i32
      %add3A_487 = vector.broadcast %mul3A_486 : i32 to vector<16xi32>
      %add3A_488 = arith.addi %add3A_487, %iota3A : vector<16xi32>
      %mul3A_489 = arith.constant 10000 : i32
      %mul3A_490 = vector.broadcast %mul3A_489 : i32 to vector<16xi32>
      %mul3A_491 = arith.muli %add3A_488, %mul3A_490 : vector<16xi32>
      %add3A_492 = arith.addi %add3A_40, %mul3A_491 : vector<16xi32>
      %mul3A_493 = arith.constant 16 : i32
      %mul3A_494 = arith.muli %scan3A_483, %mul3A_493 : i32
      %swap3A = arith.index_cast %mul3A_494 : i32 to index
      %swap3A_495 = tpu.vector_load %arg6[%swap3A] {strides = array<i32>} : memref<10000xi32, #tpu.memory_space<vmem>>, vector<16xi32>,
      %swap3A_496 = vector.shape_cast %swap3A_495 : vector<16xi32> to vector<16xi32>
      %swap3A_497 = vector.shape_cast %add3A_492 : vector<16xi32> to vector<16xi32>
      tpu.vector_store %arg6[%swap3A], %swap3A_497 {strides = array<i32>} : memref<10000xi32, #tpu.memory_space<vmem>>, vector<16xi32>,
      %scan3A_498 = arith.constant 0 : i32
      scf.yield %scan3A_498 : i32
    }
    %scan3A_46 = arith.constant 625 : i32
    %dma_start3A = arith.constant 0 : i32
    %dma_start3A_47 = tpu.memref_slice %arg3[%dma_start3A] : memref<400000000xf32, #tpu.memory_space<hbm>> -> memref<400000000xf32, #tpu.memory_space<hbm>>
    tpu.enqueue_indirect_dma source(%dma_start3A_47 : memref<400000000xf32, #tpu.memory_space<hbm>>) target(%arg7 : memref<10000xf32, #tpu.memory_space<vmem>>) offsets(%arg6 : memref<10000xi32, #tpu.memory_space<vmem>>) semaphore(%arg8 : memref<!tpu.dma_semaphore, #tpu.memory_space<semaphore_mem>>)
    %dma_wait3A = arith.constant 0 : i32
    %dma_wait3A_48 = tpu.memref_slice %arg3[%dma_wait3A] : memref<400000000xf32, #tpu.memory_space<hbm>> -> memref<400000000xf32, #tpu.memory_space<hbm>>
    tpu.wait_indirect_dma semaphore(%arg8 : memref<!tpu.dma_semaphore, #tpu.memory_space<semaphore_mem>>) src(%dma_wait3A_48 : memref<400000000xf32, #tpu.memory_space<hbm>>) dst(%arg7 : memref<10000xf32, #tpu.memory_space<vmem>>)
    "tpu.region"() ({
      %run_scoped3A = tpu.sem_alloc : memref<!tpu.dma_semaphore, #tpu.memory_space<semaphore_mem>>
      %dma_start3A_483 = arith.constant 0 : i32
      %dma_start3A_484 = tpu.memref_slice %arg4[%select_n3A, %select_n3A_34, %dma_start3A_483] : memref<4x64x10240xf32, #tpu.memory_space<hbm>> -> memref<1x1x10000xf32, #tpu.memory_space<hbm>>
      %dma_start3A_485 = tpu.memref_squeeze %dma_start3A_484 : memref<1x1x10000xf32, #tpu.memory_space<hbm>> -> memref<10000xf32, #tpu.memory_space<hbm>>
      %dma_start3A_486 = arith.constant 0 : i32
      %dma_start3A_487 = tpu.memref_slice %arg4[%select_n3A, %select_n3A_34, %dma_start3A_486] : memref<4x64x10240xf32, #tpu.memory_space<hbm>> -> memref<1x1x10000xf32, #tpu.memory_space<hbm>>
      %dma_start3A_488 = tpu.memref_squeeze %dma_start3A_487 : memref<1x1x10000xf32, #tpu.memory_space<hbm>> -> memref<10000xf32, #tpu.memory_space<hbm>>
      tpu.enqueue_dma source(%arg7 : memref<10000xf32, #tpu.memory_space<vmem>>) target(%dma_start3A_488 : memref<10000xf32, #tpu.memory_space<hbm>>) target_semaphore(%run_scoped3A : memref<!tpu.dma_semaphore, #tpu.memory_space<semaphore_mem>>)
      %dma_wait3A_489 = arith.constant 0 : i32
      %dma_wait3A_490 = tpu.memref_slice %arg4[%select_n3A, %select_n3A_34, %dma_wait3A_489] : memref<4x64x10240xf32, #tpu.memory_space<hbm>> -> memref<1x1x10000xf32, #tpu.memory_space<hbm>>
      %dma_wait3A_491 = tpu.memref_squeeze %dma_wait3A_490 : memref<1x1x10000xf32, #tpu.memory_space<hbm>> -> memref<10000xf32, #tpu.memory_space<hbm>>
      %dma_wait3A_492 = arith.constant 0 : i32
      %dma_wait3A_493 = tpu.memref_slice %arg4[%select_n3A, %select_n3A_34, %dma_wait3A_492] : memref<4x64x10240xf32, #tpu.memory_space<hbm>> -> memref<1x1x10000xf32, #tpu.memory_space<hbm>>
      %dma_wait3A_494 = tpu.memref_squeeze %dma_wait3A_493 : memref<1x1x10000xf32, #tpu.memory_space<hbm>> -> memref<10000xf32, #tpu.memory_space<hbm>>
      tpu.wait_dma2 semaphore(%run_scoped3A : memref<!tpu.dma_semaphore, #tpu.memory_space<semaphore_mem>>) src(%arg7 : memref<10000xf32, #tpu.memory_space<vmem>>) dst(%dma_wait3A_494 : memref<10000xf32, #tpu.memory_space<hbm>>)
      tpu.yield
    }) : () -> ()
    %mul3A_49 = arith.constant 8 : i32
    %mul3A_50 = arith.muli %add3A, %mul3A_49 : i32
    %add3A_51 = arith.constant 1 : i32
    %add3A_52 = arith.addi %mul3A_50, %add3A_51 : i32
    %jit3A_53 = arith.constant 64 : i32
    %div3A_54 = arith.divsi %add3A_52, %jit3A_53 : i32
    %sign3A_55 = arith.constant 0 : i32
    %sign3A_56 = arith.cmpi sgt, %add3A_52, %sign3A_55 : i32
    %sign3A_57 = arith.extui %sign3A_56 : i1 to i32
    %sign3A_58 = arith.constant 0 : i32
    %sign3A_59 = arith.cmpi slt, %add3A_52, %sign3A_58 : i32
    %sign3A_60 = arith.extui %sign3A_59 : i1 to i32
    %sign3A_61 = arith.subi %sign3A_57, %sign3A_60 : i32
    %sign3A_62 = arith.constant 0 : i32
    %sign3A_63 = arith.cmpi sgt, %jit3A_53, %sign3A_62 : i32
    %sign3A_64 = arith.extui %sign3A_63 : i1 to i32
    %sign3A_65 = arith.constant 0 : i32
    %sign3A_66 = arith.cmpi slt, %jit3A_53, %sign3A_65 : i32
    %sign3A_67 = arith.extui %sign3A_66 : i1 to i32
    %sign3A_68 = arith.subi %sign3A_64, %sign3A_67 : i32
    %ne3A_69 = arith.cmpi ne, %sign3A_61, %sign3A_68 : i32
    %rem3A_70 = arith.remsi %add3A_52, %jit3A_53 : i32
    %ne3A_71 = arith.constant 0 : i32
    %ne3A_72 = arith.cmpi ne, %rem3A_70, %ne3A_71 : i32
    %and3A_73 = arith.andi %ne3A_69, %ne3A_72 : i1
    %sub3A_74 = arith.constant 1 : i32
    %sub3A_75 = arith.subi %div3A_54, %sub3A_74 : i32
    %select_n3A_76 = arith.select %and3A_73, %sub3A_75, %div3A_54 : i32
    %jit3A_77 = arith.constant 64 : i32
    %eq3A_78 = arith.constant 0 : i32
    %eq3A_79 = arith.cmpi eq, %jit3A_77, %eq3A_78 : i32
    %jit3A_80 = arith.constant 1 : i32
    %select_n3A_81 = arith.select %eq3A_79, %jit3A_80, %jit3A_77 : i32
    %rem3A_82 = arith.remsi %add3A_52, %select_n3A_81 : i32
    %ne3A_83 = arith.constant 0 : i32
    %ne3A_84 = arith.cmpi ne, %rem3A_82, %ne3A_83 : i32
    %lt3A_85 = arith.constant 0 : i32
    %lt3A_86 = arith.cmpi slt, %rem3A_82, %lt3A_85 : i32
    %lt3A_87 = arith.constant 0 : i32
    %lt3A_88 = arith.cmpi slt, %select_n3A_81, %lt3A_87 : i32
    %ne3A_89 = arith.xori %lt3A_86, %lt3A_88 : i1
    %and3A_90 = arith.andi %ne3A_89, %ne3A_84 : i1
    %add3A_91 = arith.addi %rem3A_82, %select_n3A_81 : i32
    %select_n3A_92 = arith.select %and3A_90, %add3A_91, %rem3A_82 : i32
    "tpu.region"() ({
      %run_scoped3A = tpu.sem_alloc : memref<!tpu.dma_semaphore, #tpu.memory_space<semaphore_mem>>
      %dma_start3A_483 = arith.constant 0 : i32
      %dma_start3A_484 = tpu.memref_slice %arg2[%select_n3A_92, %dma_start3A_483] : memref<64x16xi32, #tpu.memory_space<hbm>> -> memref<1x16xi32, #tpu.memory_space<hbm>>
      %dma_start3A_485 = tpu.memref_squeeze %dma_start3A_484 : memref<1x16xi32, #tpu.memory_space<hbm>> -> memref<16xi32, #tpu.memory_space<hbm>>
      %dma_start3A_486 = arith.constant 0 : i32
      %dma_start3A_487 = tpu.memref_slice %arg2[%select_n3A_92, %dma_start3A_486] : memref<64x16xi32, #tpu.memory_space<hbm>> -> memref<1x16xi32, #tpu.memory_space<hbm>>
      %dma_start3A_488 = tpu.memref_squeeze %dma_start3A_487 : memref<1x16xi32, #tpu.memory_space<hbm>> -> memref<16xi32, #tpu.memory_space<hbm>>
      tpu.enqueue_dma source(%dma_start3A_488 : memref<16xi32, #tpu.memory_space<hbm>>) target(%arg5 : memref<16xi32, #tpu.memory_space<vmem>>) target_semaphore(%run_scoped3A : memref<!tpu.dma_semaphore, #tpu.memory_space<semaphore_mem>>)
      %dma_wait3A_489 = arith.constant 0 : i32
      %dma_wait3A_490 = tpu.memref_slice %arg2[%select_n3A_92, %dma_wait3A_489] : memref<64x16xi32, #tpu.memory_space<hbm>> -> memref<1x16xi32, #tpu.memory_space<hbm>>
      %dma_wait3A_491 = tpu.memref_squeeze %dma_wait3A_490 : memref<1x16xi32, #tpu.memory_space<hbm>> -> memref<16xi32, #tpu.memory_space<hbm>>
      %dma_wait3A_492 = arith.constant 0 : i32
      %dma_wait3A_493 = tpu.memref_slice %arg2[%select_n3A_92, %dma_wait3A_492] : memref<64x16xi32, #tpu.memory_space<hbm>> -> memref<1x16xi32, #tpu.memory_space<hbm>>
      %dma_wait3A_494 = tpu.memref_squeeze %dma_wait3A_493 : memref<1x16xi32, #tpu.memory_space<hbm>> -> memref<16xi32, #tpu.memory_space<hbm>>
      tpu.wait_dma2 semaphore(%run_scoped3A : memref<!tpu.dma_semaphore, #tpu.memory_space<semaphore_mem>>) src(%dma_wait3A_494 : memref<16xi32, #tpu.memory_space<hbm>>) dst(%arg5 : memref<16xi32, #tpu.memory_space<vmem>>)
      tpu.yield
    }) : () -> ()
    %get3A_93 = arith.constant 0 : index
    %get3A_94 = tpu.vector_load %arg5[%get3A_93] {strides = array<i32>} : memref<16xi32, #tpu.memory_space<vmem>>, vector<16xi32>,
    %get3A_95 = vector.shape_cast %get3A_94 : vector<16xi32> to vector<16xi32>
    %mul3A_96 = arith.constant 100000000 : i32
    %mul3A_97 = arith.muli %select_n3A_76, %mul3A_96 : i32
    %add3A_98 = vector.broadcast %mul3A_97 : i32 to vector<16xi32>
    %add3A_99 = arith.addi %get3A_95, %add3A_98 : vector<16xi32>
    %scan3A_100 = arith.constant 0 : i32
    %scan3A_101 = arith.constant 0 : i32
    %scan3A_102 = arith.constant 625 : i32
    %scan3A_103 = arith.addi %scan3A_101, %scan3A_102 : i32
    %scan3A_104 = arith.constant 1 : i32
    %scan3A_105 = scf.for %scan3A_483 = %scan3A_101 to %scan3A_103 step %scan3A_104 iter_args(%scan3A_484 = %scan3A_100) -> (i32)  : i32 {
      %mul3A_485 = arith.constant 16 : i32
      %mul3A_486 = arith.muli %scan3A_483, %mul3A_485 : i32
      %add3A_487 = vector.broadcast %mul3A_486 : i32 to vector<16xi32>
      %add3A_488 = arith.addi %add3A_487, %iota3A : vector<16xi32>
      %mul3A_489 = arith.constant 10000 : i32
      %mul3A_490 = vector.broadcast %mul3A_489 : i32 to vector<16xi32>
      %mul3A_491 = arith.muli %add3A_488, %mul3A_490 : vector<16xi32>
      %add3A_492 = arith.addi %add3A_99, %mul3A_491 : vector<16xi32>
      %mul3A_493 = arith.constant 16 : i32
      %mul3A_494 = arith.muli %scan3A_483, %mul3A_493 : i32
      %swap3A = arith.index_cast %mul3A_494 : i32 to index
      %swap3A_495 = tpu.vector_load %arg6[%swap3A] {strides = array<i32>} : memref<10000xi32, #tpu.memory_space<vmem>>, vector<16xi32>,
      %swap3A_496 = vector.shape_cast %swap3A_495 : vector<16xi32> to vector<16xi32>
      %swap3A_497 = vector.shape_cast %add3A_492 : vector<16xi32> to vector<16xi32>
      tpu.vector_store %arg6[%swap3A], %swap3A_497 {strides = array<i32>} : memref<10000xi32, #tpu.memory_space<vmem>>, vector<16xi32>,
      %scan3A_498 = arith.constant 0 : i32
      scf.yield %scan3A_498 : i32
    }
    %scan3A_106 = arith.constant 625 : i32
    %dma_start3A_107 = arith.constant 0 : i32
    %dma_start3A_108 = tpu.memref_slice %arg3[%dma_start3A_107] : memref<400000000xf32, #tpu.memory_space<hbm>> -> memref<400000000xf32, #tpu.memory_space<hbm>>
    tpu.enqueue_indirect_dma source(%dma_start3A_108 : memref<400000000xf32, #tpu.memory_space<hbm>>) target(%arg7 : memref<10000xf32, #tpu.memory_space<vmem>>) offsets(%arg6 : memref<10000xi32, #tpu.memory_space<vmem>>) semaphore(%arg8 : memref<!tpu.dma_semaphore, #tpu.memory_space<semaphore_mem>>)
    %dma_wait3A_109 = arith.constant 0 : i32
    %dma_wait3A_110 = tpu.memref_slice %arg3[%dma_wait3A_109] : memref<400000000xf32, #tpu.memory_space<hbm>> -> memref<400000000xf32, #tpu.memory_space<hbm>>
    tpu.wait_indirect_dma semaphore(%arg8 : memref<!tpu.dma_semaphore, #tpu.memory_space<semaphore_mem>>) src(%dma_wait3A_110 : memref<400000000xf32, #tpu.memory_space<hbm>>) dst(%arg7 : memref<10000xf32, #tpu.memory_space<vmem>>)
    "tpu.region"() ({
      %run_scoped3A = tpu.sem_alloc : memref<!tpu.dma_semaphore, #tpu.memory_space<semaphore_mem>>
      %dma_start3A_483 = arith.constant 0 : i32
      %dma_start3A_484 = tpu.memref_slice %arg4[%select_n3A_76, %select_n3A_92, %dma_start3A_483] : memref<4x64x10240xf32, #tpu.memory_space<hbm>> -> memref<1x1x10000xf32, #tpu.memory_space<hbm>>
      %dma_start3A_485 = tpu.memref_squeeze %dma_start3A_484 : memref<1x1x10000xf32, #tpu.memory_space<hbm>> -> memref<10000xf32, #tpu.memory_space<hbm>>
      %dma_start3A_486 = arith.constant 0 : i32
      %dma_start3A_487 = tpu.memref_slice %arg4[%select_n3A_76, %select_n3A_92, %dma_start3A_486] : memref<4x64x10240xf32, #tpu.memory_space<hbm>> -> memref<1x1x10000xf32, #tpu.memory_space<hbm>>
      %dma_start3A_488 = tpu.memref_squeeze %dma_start3A_487 : memref<1x1x10000xf32, #tpu.memory_space<hbm>> -> memref<10000xf32, #tpu.memory_space<hbm>>
      tpu.enqueue_dma source(%arg7 : memref<10000xf32, #tpu.memory_space<vmem>>) target(%dma_start3A_488 : memref<10000xf32, #tpu.memory_space<hbm>>) target_semaphore(%run_scoped3A : memref<!tpu.dma_semaphore, #tpu.memory_space<semaphore_mem>>)
      %dma_wait3A_489 = arith.constant 0 : i32
      %dma_wait3A_490 = tpu.memref_slice %arg4[%select_n3A_76, %select_n3A_92, %dma_wait3A_489] : memref<4x64x10240xf32, #tpu.memory_space<hbm>> -> memref<1x1x10000xf32, #tpu.memory_space<hbm>>
      %dma_wait3A_491 = tpu.memref_squeeze %dma_wait3A_490 : memref<1x1x10000xf32, #tpu.memory_space<hbm>> -> memref<10000xf32, #tpu.memory_space<hbm>>
      %dma_wait3A_492 = arith.constant 0 : i32
      %dma_wait3A_493 = tpu.memref_slice %arg4[%select_n3A_76, %select_n3A_92, %dma_wait3A_492] : memref<4x64x10240xf32, #tpu.memory_space<hbm>> -> memref<1x1x10000xf32, #tpu.memory_space<hbm>>
      %dma_wait3A_494 = tpu.memref_squeeze %dma_wait3A_493 : memref<1x1x10000xf32, #tpu.memory_space<hbm>> -> memref<10000xf32, #tpu.memory_space<hbm>>
      tpu.wait_dma2 semaphore(%run_scoped3A : memref<!tpu.dma_semaphore, #tpu.memory_space<semaphore_mem>>) src(%arg7 : memref<10000xf32, #tpu.memory_space<vmem>>) dst(%dma_wait3A_494 : memref<10000xf32, #tpu.memory_space<hbm>>)
      tpu.yield
    }) : () -> ()
    %mul3A_111 = arith.constant 8 : i32
    %mul3A_112 = arith.muli %add3A, %mul3A_111 : i32
    %add3A_113 = arith.constant 2 : i32
    %add3A_114 = arith.addi %mul3A_112, %add3A_113 : i32
    %jit3A_115 = arith.constant 64 : i32
    %div3A_116 = arith.divsi %add3A_114, %jit3A_115 : i32
    %sign3A_117 = arith.constant 0 : i32
    %sign3A_118 = arith.cmpi sgt, %add3A_114, %sign3A_117 : i32
    %sign3A_119 = arith.extui %sign3A_118 : i1 to i32
    %sign3A_120 = arith.constant 0 : i32
    %sign3A_121 = arith.cmpi slt, %add3A_114, %sign3A_120 : i32
    %sign3A_122 = arith.extui %sign3A_121 : i1 to i32
    %sign3A_123 = arith.subi %sign3A_119, %sign3A_122 : i32
    %sign3A_124 = arith.constant 0 : i32
    %sign3A_125 = arith.cmpi sgt, %jit3A_115, %sign3A_124 : i32
    %sign3A_126 = arith.extui %sign3A_125 : i1 to i32
    %sign3A_127 = arith.constant 0 : i32
    %sign3A_128 = arith.cmpi slt, %jit3A_115, %sign3A_127 : i32
    %sign3A_129 = arith.extui %sign3A_128 : i1 to i32
    %sign3A_130 = arith.subi %sign3A_126, %sign3A_129 : i32
    %ne3A_131 = arith.cmpi ne, %sign3A_123, %sign3A_130 : i32
    %rem3A_132 = arith.remsi %add3A_114, %jit3A_115 : i32
    %ne3A_133 = arith.constant 0 : i32
    %ne3A_134 = arith.cmpi ne, %rem3A_132, %ne3A_133 : i32
    %and3A_135 = arith.andi %ne3A_131, %ne3A_134 : i1
    %sub3A_136 = arith.constant 1 : i32
    %sub3A_137 = arith.subi %div3A_116, %sub3A_136 : i32
    %select_n3A_138 = arith.select %and3A_135, %sub3A_137, %div3A_116 : i32
    %jit3A_139 = arith.constant 64 : i32
    %eq3A_140 = arith.constant 0 : i32
    %eq3A_141 = arith.cmpi eq, %jit3A_139, %eq3A_140 : i32
    %jit3A_142 = arith.constant 1 : i32
    %select_n3A_143 = arith.select %eq3A_141, %jit3A_142, %jit3A_139 : i32
    %rem3A_144 = arith.remsi %add3A_114, %select_n3A_143 : i32
    %ne3A_145 = arith.constant 0 : i32
    %ne3A_146 = arith.cmpi ne, %rem3A_144, %ne3A_145 : i32
    %lt3A_147 = arith.constant 0 : i32
    %lt3A_148 = arith.cmpi slt, %rem3A_144, %lt3A_147 : i32
    %lt3A_149 = arith.constant 0 : i32
    %lt3A_150 = arith.cmpi slt, %select_n3A_143, %lt3A_149 : i32
    %ne3A_151 = arith.xori %lt3A_148, %lt3A_150 : i1
    %and3A_152 = arith.andi %ne3A_151, %ne3A_146 : i1
    %add3A_153 = arith.addi %rem3A_144, %select_n3A_143 : i32
    %select_n3A_154 = arith.select %and3A_152, %add3A_153, %rem3A_144 : i32
    "tpu.region"() ({
      %run_scoped3A = tpu.sem_alloc : memref<!tpu.dma_semaphore, #tpu.memory_space<semaphore_mem>>
      %dma_start3A_483 = arith.constant 0 : i32
      %dma_start3A_484 = tpu.memref_slice %arg2[%select_n3A_154, %dma_start3A_483] : memref<64x16xi32, #tpu.memory_space<hbm>> -> memref<1x16xi32, #tpu.memory_space<hbm>>
      %dma_start3A_485 = tpu.memref_squeeze %dma_start3A_484 : memref<1x16xi32, #tpu.memory_space<hbm>> -> memref<16xi32, #tpu.memory_space<hbm>>
      %dma_start3A_486 = arith.constant 0 : i32
      %dma_start3A_487 = tpu.memref_slice %arg2[%select_n3A_154, %dma_start3A_486] : memref<64x16xi32, #tpu.memory_space<hbm>> -> memref<1x16xi32, #tpu.memory_space<hbm>>
      %dma_start3A_488 = tpu.memref_squeeze %dma_start3A_487 : memref<1x16xi32, #tpu.memory_space<hbm>> -> memref<16xi32, #tpu.memory_space<hbm>>
      tpu.enqueue_dma source(%dma_start3A_488 : memref<16xi32, #tpu.memory_space<hbm>>) target(%arg5 : memref<16xi32, #tpu.memory_space<vmem>>) target_semaphore(%run_scoped3A : memref<!tpu.dma_semaphore, #tpu.memory_space<semaphore_mem>>)
      %dma_wait3A_489 = arith.constant 0 : i32
      %dma_wait3A_490 = tpu.memref_slice %arg2[%select_n3A_154, %dma_wait3A_489] : memref<64x16xi32, #tpu.memory_space<hbm>> -> memref<1x16xi32, #tpu.memory_space<hbm>>
      %dma_wait3A_491 = tpu.memref_squeeze %dma_wait3A_490 : memref<1x16xi32, #tpu.memory_space<hbm>> -> memref<16xi32, #tpu.memory_space<hbm>>
      %dma_wait3A_492 = arith.constant 0 : i32
      %dma_wait3A_493 = tpu.memref_slice %arg2[%select_n3A_154, %dma_wait3A_492] : memref<64x16xi32, #tpu.memory_space<hbm>> -> memref<1x16xi32, #tpu.memory_space<hbm>>
      %dma_wait3A_494 = tpu.memref_squeeze %dma_wait3A_493 : memref<1x16xi32, #tpu.memory_space<hbm>> -> memref<16xi32, #tpu.memory_space<hbm>>
      tpu.wait_dma2 semaphore(%run_scoped3A : memref<!tpu.dma_semaphore, #tpu.memory_space<semaphore_mem>>) src(%dma_wait3A_494 : memref<16xi32, #tpu.memory_space<hbm>>) dst(%arg5 : memref<16xi32, #tpu.memory_space<vmem>>)
      tpu.yield
    }) : () -> ()
    %get3A_155 = arith.constant 0 : index
    %get3A_156 = tpu.vector_load %arg5[%get3A_155] {strides = array<i32>} : memref<16xi32, #tpu.memory_space<vmem>>, vector<16xi32>,
    %get3A_157 = vector.shape_cast %get3A_156 : vector<16xi32> to vector<16xi32>
    %mul3A_158 = arith.constant 100000000 : i32
    %mul3A_159 = arith.muli %select_n3A_138, %mul3A_158 : i32
    %add3A_160 = vector.broadcast %mul3A_159 : i32 to vector<16xi32>
    %add3A_161 = arith.addi %get3A_157, %add3A_160 : vector<16xi32>
    %scan3A_162 = arith.constant 0 : i32
    %scan3A_163 = arith.constant 0 : i32
    %scan3A_164 = arith.constant 625 : i32
    %scan3A_165 = arith.addi %scan3A_163, %scan3A_164 : i32
    %scan3A_166 = arith.constant 1 : i32
    %scan3A_167 = scf.for %scan3A_483 = %scan3A_163 to %scan3A_165 step %scan3A_166 iter_args(%scan3A_484 = %scan3A_162) -> (i32)  : i32 {
      %mul3A_485 = arith.constant 16 : i32
      %mul3A_486 = arith.muli %scan3A_483, %mul3A_485 : i32
      %add3A_487 = vector.broadcast %mul3A_486 : i32 to vector<16xi32>
      %add3A_488 = arith.addi %add3A_487, %iota3A : vector<16xi32>
      %mul3A_489 = arith.constant 10000 : i32
      %mul3A_490 = vector.broadcast %mul3A_489 : i32 to vector<16xi32>
      %mul3A_491 = arith.muli %add3A_488, %mul3A_490 : vector<16xi32>
      %add3A_492 = arith.addi %add3A_161, %mul3A_491 : vector<16xi32>
      %mul3A_493 = arith.constant 16 : i32
      %mul3A_494 = arith.muli %scan3A_483, %mul3A_493 : i32
      %swap3A = arith.index_cast %mul3A_494 : i32 to index
      %swap3A_495 = tpu.vector_load %arg6[%swap3A] {strides = array<i32>} : memref<10000xi32, #tpu.memory_space<vmem>>, vector<16xi32>,
      %swap3A_496 = vector.shape_cast %swap3A_495 : vector<16xi32> to vector<16xi32>
      %swap3A_497 = vector.shape_cast %add3A_492 : vector<16xi32> to vector<16xi32>
      tpu.vector_store %arg6[%swap3A], %swap3A_497 {strides = array<i32>} : memref<10000xi32, #tpu.memory_space<vmem>>, vector<16xi32>,
      %scan3A_498 = arith.constant 0 : i32
      scf.yield %scan3A_498 : i32
    }
    %scan3A_168 = arith.constant 625 : i32
    %dma_start3A_169 = arith.constant 0 : i32
    %dma_start3A_170 = tpu.memref_slice %arg3[%dma_start3A_169] : memref<400000000xf32, #tpu.memory_space<hbm>> -> memref<400000000xf32, #tpu.memory_space<hbm>>
    tpu.enqueue_indirect_dma source(%dma_start3A_170 : memref<400000000xf32, #tpu.memory_space<hbm>>) target(%arg7 : memref<10000xf32, #tpu.memory_space<vmem>>) offsets(%arg6 : memref<10000xi32, #tpu.memory_space<vmem>>) semaphore(%arg8 : memref<!tpu.dma_semaphore, #tpu.memory_space<semaphore_mem>>)
    %dma_wait3A_171 = arith.constant 0 : i32
    %dma_wait3A_172 = tpu.memref_slice %arg3[%dma_wait3A_171] : memref<400000000xf32, #tpu.memory_space<hbm>> -> memref<400000000xf32, #tpu.memory_space<hbm>>
    tpu.wait_indirect_dma semaphore(%arg8 : memref<!tpu.dma_semaphore, #tpu.memory_space<semaphore_mem>>) src(%dma_wait3A_172 : memref<400000000xf32, #tpu.memory_space<hbm>>) dst(%arg7 : memref<10000xf32, #tpu.memory_space<vmem>>)
    "tpu.region"() ({
      %run_scoped3A = tpu.sem_alloc : memref<!tpu.dma_semaphore, #tpu.memory_space<semaphore_mem>>
      %dma_start3A_483 = arith.constant 0 : i32
      %dma_start3A_484 = tpu.memref_slice %arg4[%select_n3A_138, %select_n3A_154, %dma_start3A_483] : memref<4x64x10240xf32, #tpu.memory_space<hbm>> -> memref<1x1x10000xf32, #tpu.memory_space<hbm>>
      %dma_start3A_485 = tpu.memref_squeeze %dma_start3A_484 : memref<1x1x10000xf32, #tpu.memory_space<hbm>> -> memref<10000xf32, #tpu.memory_space<hbm>>
      %dma_start3A_486 = arith.constant 0 : i32
      %dma_start3A_487 = tpu.memref_slice %arg4[%select_n3A_138, %select_n3A_154, %dma_start3A_486] : memref<4x64x10240xf32, #tpu.memory_space<hbm>> -> memref<1x1x10000xf32, #tpu.memory_space<hbm>>
      %dma_start3A_488 = tpu.memref_squeeze %dma_start3A_487 : memref<1x1x10000xf32, #tpu.memory_space<hbm>> -> memref<10000xf32, #tpu.memory_space<hbm>>
      tpu.enqueue_dma source(%arg7 : memref<10000xf32, #tpu.memory_space<vmem>>) target(%dma_start3A_488 : memref<10000xf32, #tpu.memory_space<hbm>>) target_semaphore(%run_scoped3A : memref<!tpu.dma_semaphore, #tpu.memory_space<semaphore_mem>>)
      %dma_wait3A_489 = arith.constant 0 : i32
      %dma_wait3A_490 = tpu.memref_slice %arg4[%select_n3A_138, %select_n3A_154, %dma_wait3A_489] : memref<4x64x10240xf32, #tpu.memory_space<hbm>> -> memref<1x1x10000xf32, #tpu.memory_space<hbm>>
      %dma_wait3A_491 = tpu.memref_squeeze %dma_wait3A_490 : memref<1x1x10000xf32, #tpu.memory_space<hbm>> -> memref<10000xf32, #tpu.memory_space<hbm>>
      %dma_wait3A_492 = arith.constant 0 : i32
      %dma_wait3A_493 = tpu.memref_slice %arg4[%select_n3A_138, %select_n3A_154, %dma_wait3A_492] : memref<4x64x10240xf32, #tpu.memory_space<hbm>> -> memref<1x1x10000xf32, #tpu.memory_space<hbm>>
      %dma_wait3A_494 = tpu.memref_squeeze %dma_wait3A_493 : memref<1x1x10000xf32, #tpu.memory_space<hbm>> -> memref<10000xf32, #tpu.memory_space<hbm>>
      tpu.wait_dma2 semaphore(%run_scoped3A : memref<!tpu.dma_semaphore, #tpu.memory_space<semaphore_mem>>) src(%arg7 : memref<10000xf32, #tpu.memory_space<vmem>>) dst(%dma_wait3A_494 : memref<10000xf32, #tpu.memory_space<hbm>>)
      tpu.yield
    }) : () -> ()
    %mul3A_173 = arith.constant 8 : i32
    %mul3A_174 = arith.muli %add3A, %mul3A_173 : i32
    %add3A_175 = arith.constant 3 : i32
    %add3A_176 = arith.addi %mul3A_174, %add3A_175 : i32
    %jit3A_177 = arith.constant 64 : i32
    %div3A_178 = arith.divsi %add3A_176, %jit3A_177 : i32
    %sign3A_179 = arith.constant 0 : i32
    %sign3A_180 = arith.cmpi sgt, %add3A_176, %sign3A_179 : i32
    %sign3A_181 = arith.extui %sign3A_180 : i1 to i32
    %sign3A_182 = arith.constant 0 : i32
    %sign3A_183 = arith.cmpi slt, %add3A_176, %sign3A_182 : i32
    %sign3A_184 = arith.extui %sign3A_183 : i1 to i32
    %sign3A_185 = arith.subi %sign3A_181, %sign3A_184 : i32
    %sign3A_186 = arith.constant 0 : i32
    %sign3A_187 = arith.cmpi sgt, %jit3A_177, %sign3A_186 : i32
    %sign3A_188 = arith.extui %sign3A_187 : i1 to i32
    %sign3A_189 = arith.constant 0 : i32
    %sign3A_190 = arith.cmpi slt, %jit3A_177, %sign3A_189 : i32
    %sign3A_191 = arith.extui %sign3A_190 : i1 to i32
    %sign3A_192 = arith.subi %sign3A_188, %sign3A_191 : i32
    %ne3A_193 = arith.cmpi ne, %sign3A_185, %sign3A_192 : i32
    %rem3A_194 = arith.remsi %add3A_176, %jit3A_177 : i32
    %ne3A_195 = arith.constant 0 : i32
    %ne3A_196 = arith.cmpi ne, %rem3A_194, %ne3A_195 : i32
    %and3A_197 = arith.andi %ne3A_193, %ne3A_196 : i1
    %sub3A_198 = arith.constant 1 : i32
    %sub3A_199 = arith.subi %div3A_178, %sub3A_198 : i32
    %select_n3A_200 = arith.select %and3A_197, %sub3A_199, %div3A_178 : i32
    %jit3A_201 = arith.constant 64 : i32
    %eq3A_202 = arith.constant 0 : i32
    %eq3A_203 = arith.cmpi eq, %jit3A_201, %eq3A_202 : i32
    %jit3A_204 = arith.constant 1 : i32
    %select_n3A_205 = arith.select %eq3A_203, %jit3A_204, %jit3A_201 : i32
    %rem3A_206 = arith.remsi %add3A_176, %select_n3A_205 : i32
    %ne3A_207 = arith.constant 0 : i32
    %ne3A_208 = arith.cmpi ne, %rem3A_206, %ne3A_207 : i32
    %lt3A_209 = arith.constant 0 : i32
    %lt3A_210 = arith.cmpi slt, %rem3A_206, %lt3A_209 : i32
    %lt3A_211 = arith.constant 0 : i32
    %lt3A_212 = arith.cmpi slt, %select_n3A_205, %lt3A_211 : i32
    %ne3A_213 = arith.xori %lt3A_210, %lt3A_212 : i1
    %and3A_214 = arith.andi %ne3A_213, %ne3A_208 : i1
    %add3A_215 = arith.addi %rem3A_206, %select_n3A_205 : i32
    %select_n3A_216 = arith.select %and3A_214, %add3A_215, %rem3A_206 : i32
    "tpu.region"() ({
      %run_scoped3A = tpu.sem_alloc : memref<!tpu.dma_semaphore, #tpu.memory_space<semaphore_mem>>
      %dma_start3A_483 = arith.constant 0 : i32
      %dma_start3A_484 = tpu.memref_slice %arg2[%select_n3A_216, %dma_start3A_483] : memref<64x16xi32, #tpu.memory_space<hbm>> -> memref<1x16xi32, #tpu.memory_space<hbm>>
      %dma_start3A_485 = tpu.memref_squeeze %dma_start3A_484 : memref<1x16xi32, #tpu.memory_space<hbm>> -> memref<16xi32, #tpu.memory_space<hbm>>
      %dma_start3A_486 = arith.constant 0 : i32
      %dma_start3A_487 = tpu.memref_slice %arg2[%select_n3A_216, %dma_start3A_486] : memref<64x16xi32, #tpu.memory_space<hbm>> -> memref<1x16xi32, #tpu.memory_space<hbm>>
      %dma_start3A_488 = tpu.memref_squeeze %dma_start3A_487 : memref<1x16xi32, #tpu.memory_space<hbm>> -> memref<16xi32, #tpu.memory_space<hbm>>
      tpu.enqueue_dma source(%dma_start3A_488 : memref<16xi32, #tpu.memory_space<hbm>>) target(%arg5 : memref<16xi32, #tpu.memory_space<vmem>>) target_semaphore(%run_scoped3A : memref<!tpu.dma_semaphore, #tpu.memory_space<semaphore_mem>>)
      %dma_wait3A_489 = arith.constant 0 : i32
      %dma_wait3A_490 = tpu.memref_slice %arg2[%select_n3A_216, %dma_wait3A_489] : memref<64x16xi32, #tpu.memory_space<hbm>> -> memref<1x16xi32, #tpu.memory_space<hbm>>
      %dma_wait3A_491 = tpu.memref_squeeze %dma_wait3A_490 : memref<1x16xi32, #tpu.memory_space<hbm>> -> memref<16xi32, #tpu.memory_space<hbm>>
      %dma_wait3A_492 = arith.constant 0 : i32
      %dma_wait3A_493 = tpu.memref_slice %arg2[%select_n3A_216, %dma_wait3A_492] : memref<64x16xi32, #tpu.memory_space<hbm>> -> memref<1x16xi32, #tpu.memory_space<hbm>>
      %dma_wait3A_494 = tpu.memref_squeeze %dma_wait3A_493 : memref<1x16xi32, #tpu.memory_space<hbm>> -> memref<16xi32, #tpu.memory_space<hbm>>
      tpu.wait_dma2 semaphore(%run_scoped3A : memref<!tpu.dma_semaphore, #tpu.memory_space<semaphore_mem>>) src(%dma_wait3A_494 : memref<16xi32, #tpu.memory_space<hbm>>) dst(%arg5 : memref<16xi32, #tpu.memory_space<vmem>>)
      tpu.yield
    }) : () -> ()
    %get3A_217 = arith.constant 0 : index
    %get3A_218 = tpu.vector_load %arg5[%get3A_217] {strides = array<i32>} : memref<16xi32, #tpu.memory_space<vmem>>, vector<16xi32>,
    %get3A_219 = vector.shape_cast %get3A_218 : vector<16xi32> to vector<16xi32>
    %mul3A_220 = arith.constant 100000000 : i32
    %mul3A_221 = arith.muli %select_n3A_200, %mul3A_220 : i32
    %add3A_222 = vector.broadcast %mul3A_221 : i32 to vector<16xi32>
    %add3A_223 = arith.addi %get3A_219, %add3A_222 : vector<16xi32>
    %scan3A_224 = arith.constant 0 : i32
    %scan3A_225 = arith.constant 0 : i32
    %scan3A_226 = arith.constant 625 : i32
    %scan3A_227 = arith.addi %scan3A_225, %scan3A_226 : i32
    %scan3A_228 = arith.constant 1 : i32
    %scan3A_229 = scf.for %scan3A_483 = %scan3A_225 to %scan3A_227 step %scan3A_228 iter_args(%scan3A_484 = %scan3A_224) -> (i32)  : i32 {
      %mul3A_485 = arith.constant 16 : i32
      %mul3A_486 = arith.muli %scan3A_483, %mul3A_485 : i32
      %add3A_487 = vector.broadcast %mul3A_486 : i32 to vector<16xi32>
      %add3A_488 = arith.addi %add3A_487, %iota3A : vector<16xi32>
      %mul3A_489 = arith.constant 10000 : i32
      %mul3A_490 = vector.broadcast %mul3A_489 : i32 to vector<16xi32>
      %mul3A_491 = arith.muli %add3A_488, %mul3A_490 : vector<16xi32>
      %add3A_492 = arith.addi %add3A_223, %mul3A_491 : vector<16xi32>
      %mul3A_493 = arith.constant 16 : i32
      %mul3A_494 = arith.muli %scan3A_483, %mul3A_493 : i32
      %swap3A = arith.index_cast %mul3A_494 : i32 to index
      %swap3A_495 = tpu.vector_load %arg6[%swap3A] {strides = array<i32>} : memref<10000xi32, #tpu.memory_space<vmem>>, vector<16xi32>,
      %swap3A_496 = vector.shape_cast %swap3A_495 : vector<16xi32> to vector<16xi32>
      %swap3A_497 = vector.shape_cast %add3A_492 : vector<16xi32> to vector<16xi32>
      tpu.vector_store %arg6[%swap3A], %swap3A_497 {strides = array<i32>} : memref<10000xi32, #tpu.memory_space<vmem>>, vector<16xi32>,
      %scan3A_498 = arith.constant 0 : i32
      scf.yield %scan3A_498 : i32
    }
    %scan3A_230 = arith.constant 625 : i32
    %dma_start3A_231 = arith.constant 0 : i32
    %dma_start3A_232 = tpu.memref_slice %arg3[%dma_start3A_231] : memref<400000000xf32, #tpu.memory_space<hbm>> -> memref<400000000xf32, #tpu.memory_space<hbm>>
    tpu.enqueue_indirect_dma source(%dma_start3A_232 : memref<400000000xf32, #tpu.memory_space<hbm>>) target(%arg7 : memref<10000xf32, #tpu.memory_space<vmem>>) offsets(%arg6 : memref<10000xi32, #tpu.memory_space<vmem>>) semaphore(%arg8 : memref<!tpu.dma_semaphore, #tpu.memory_space<semaphore_mem>>)
    %dma_wait3A_233 = arith.constant 0 : i32
    %dma_wait3A_234 = tpu.memref_slice %arg3[%dma_wait3A_233] : memref<400000000xf32, #tpu.memory_space<hbm>> -> memref<400000000xf32, #tpu.memory_space<hbm>>
    tpu.wait_indirect_dma semaphore(%arg8 : memref<!tpu.dma_semaphore, #tpu.memory_space<semaphore_mem>>) src(%dma_wait3A_234 : memref<400000000xf32, #tpu.memory_space<hbm>>) dst(%arg7 : memref<10000xf32, #tpu.memory_space<vmem>>)
    "tpu.region"() ({
      %run_scoped3A = tpu.sem_alloc : memref<!tpu.dma_semaphore, #tpu.memory_space<semaphore_mem>>
      %dma_start3A_483 = arith.constant 0 : i32
      %dma_start3A_484 = tpu.memref_slice %arg4[%select_n3A_200, %select_n3A_216, %dma_start3A_483] : memref<4x64x10240xf32, #tpu.memory_space<hbm>> -> memref<1x1x10000xf32, #tpu.memory_space<hbm>>
      %dma_start3A_485 = tpu.memref_squeeze %dma_start3A_484 : memref<1x1x10000xf32, #tpu.memory_space<hbm>> -> memref<10000xf32, #tpu.memory_space<hbm>>
      %dma_start3A_486 = arith.constant 0 : i32
      %dma_start3A_487 = tpu.memref_slice %arg4[%select_n3A_200, %select_n3A_216, %dma_start3A_486] : memref<4x64x10240xf32, #tpu.memory_space<hbm>> -> memref<1x1x10000xf32, #tpu.memory_space<hbm>>
      %dma_start3A_488 = tpu.memref_squeeze %dma_start3A_487 : memref<1x1x10000xf32, #tpu.memory_space<hbm>> -> memref<10000xf32, #tpu.memory_space<hbm>>
      tpu.enqueue_dma source(%arg7 : memref<10000xf32, #tpu.memory_space<vmem>>) target(%dma_start3A_488 : memref<10000xf32, #tpu.memory_space<hbm>>) target_semaphore(%run_scoped3A : memref<!tpu.dma_semaphore, #tpu.memory_space<semaphore_mem>>)
      %dma_wait3A_489 = arith.constant 0 : i32
      %dma_wait3A_490 = tpu.memref_slice %arg4[%select_n3A_200, %select_n3A_216, %dma_wait3A_489] : memref<4x64x10240xf32, #tpu.memory_space<hbm>> -> memref<1x1x10000xf32, #tpu.memory_space<hbm>>
      %dma_wait3A_491 = tpu.memref_squeeze %dma_wait3A_490 : memref<1x1x10000xf32, #tpu.memory_space<hbm>> -> memref<10000xf32, #tpu.memory_space<hbm>>
      %dma_wait3A_492 = arith.constant 0 : i32
      %dma_wait3A_493 = tpu.memref_slice %arg4[%select_n3A_200, %select_n3A_216, %dma_wait3A_492] : memref<4x64x10240xf32, #tpu.memory_space<hbm>> -> memref<1x1x10000xf32, #tpu.memory_space<hbm>>
      %dma_wait3A_494 = tpu.memref_squeeze %dma_wait3A_493 : memref<1x1x10000xf32, #tpu.memory_space<hbm>> -> memref<10000xf32, #tpu.memory_space<hbm>>
      tpu.wait_dma2 semaphore(%run_scoped3A : memref<!tpu.dma_semaphore, #tpu.memory_space<semaphore_mem>>) src(%arg7 : memref<10000xf32, #tpu.memory_space<vmem>>) dst(%dma_wait3A_494 : memref<10000xf32, #tpu.memory_space<hbm>>)
      tpu.yield
    }) : () -> ()
    %mul3A_235 = arith.constant 8 : i32
    %mul3A_236 = arith.muli %add3A, %mul3A_235 : i32
    %add3A_237 = arith.constant 4 : i32
    %add3A_238 = arith.addi %mul3A_236, %add3A_237 : i32
    %jit3A_239 = arith.constant 64 : i32
    %div3A_240 = arith.divsi %add3A_238, %jit3A_239 : i32
    %sign3A_241 = arith.constant 0 : i32
    %sign3A_242 = arith.cmpi sgt, %add3A_238, %sign3A_241 : i32
    %sign3A_243 = arith.extui %sign3A_242 : i1 to i32
    %sign3A_244 = arith.constant 0 : i32
    %sign3A_245 = arith.cmpi slt, %add3A_238, %sign3A_244 : i32
    %sign3A_246 = arith.extui %sign3A_245 : i1 to i32
    %sign3A_247 = arith.subi %sign3A_243, %sign3A_246 : i32
    %sign3A_248 = arith.constant 0 : i32
    %sign3A_249 = arith.cmpi sgt, %jit3A_239, %sign3A_248 : i32
    %sign3A_250 = arith.extui %sign3A_249 : i1 to i32
    %sign3A_251 = arith.constant 0 : i32
    %sign3A_252 = arith.cmpi slt, %jit3A_239, %sign3A_251 : i32
    %sign3A_253 = arith.extui %sign3A_252 : i1 to i32
    %sign3A_254 = arith.subi %sign3A_250, %sign3A_253 : i32
    %ne3A_255 = arith.cmpi ne, %sign3A_247, %sign3A_254 : i32
    %rem3A_256 = arith.remsi %add3A_238, %jit3A_239 : i32
    %ne3A_257 = arith.constant 0 : i32
    %ne3A_258 = arith.cmpi ne, %rem3A_256, %ne3A_257 : i32
    %and3A_259 = arith.andi %ne3A_255, %ne3A_258 : i1
    %sub3A_260 = arith.constant 1 : i32
    %sub3A_261 = arith.subi %div3A_240, %sub3A_260 : i32
    %select_n3A_262 = arith.select %and3A_259, %sub3A_261, %div3A_240 : i32
    %jit3A_263 = arith.constant 64 : i32
    %eq3A_264 = arith.constant 0 : i32
    %eq3A_265 = arith.cmpi eq, %jit3A_263, %eq3A_264 : i32
    %jit3A_266 = arith.constant 1 : i32
    %select_n3A_267 = arith.select %eq3A_265, %jit3A_266, %jit3A_263 : i32
    %rem3A_268 = arith.remsi %add3A_238, %select_n3A_267 : i32
    %ne3A_269 = arith.constant 0 : i32
    %ne3A_270 = arith.cmpi ne, %rem3A_268, %ne3A_269 : i32
    %lt3A_271 = arith.constant 0 : i32
    %lt3A_272 = arith.cmpi slt, %rem3A_268, %lt3A_271 : i32
    %lt3A_273 = arith.constant 0 : i32
    %lt3A_274 = arith.cmpi slt, %select_n3A_267, %lt3A_273 : i32
    %ne3A_275 = arith.xori %lt3A_272, %lt3A_274 : i1
    %and3A_276 = arith.andi %ne3A_275, %ne3A_270 : i1
    %add3A_277 = arith.addi %rem3A_268, %select_n3A_267 : i32
    %select_n3A_278 = arith.select %and3A_276, %add3A_277, %rem3A_268 : i32
    "tpu.region"() ({
      %run_scoped3A = tpu.sem_alloc : memref<!tpu.dma_semaphore, #tpu.memory_space<semaphore_mem>>
      %dma_start3A_483 = arith.constant 0 : i32
      %dma_start3A_484 = tpu.memref_slice %arg2[%select_n3A_278, %dma_start3A_483] : memref<64x16xi32, #tpu.memory_space<hbm>> -> memref<1x16xi32, #tpu.memory_space<hbm>>
      %dma_start3A_485 = tpu.memref_squeeze %dma_start3A_484 : memref<1x16xi32, #tpu.memory_space<hbm>> -> memref<16xi32, #tpu.memory_space<hbm>>
      %dma_start3A_486 = arith.constant 0 : i32
      %dma_start3A_487 = tpu.memref_slice %arg2[%select_n3A_278, %dma_start3A_486] : memref<64x16xi32, #tpu.memory_space<hbm>> -> memref<1x16xi32, #tpu.memory_space<hbm>>
      %dma_start3A_488 = tpu.memref_squeeze %dma_start3A_487 : memref<1x16xi32, #tpu.memory_space<hbm>> -> memref<16xi32, #tpu.memory_space<hbm>>
      tpu.enqueue_dma source(%dma_start3A_488 : memref<16xi32, #tpu.memory_space<hbm>>) target(%arg5 : memref<16xi32, #tpu.memory_space<vmem>>) target_semaphore(%run_scoped3A : memref<!tpu.dma_semaphore, #tpu.memory_space<semaphore_mem>>)
      %dma_wait3A_489 = arith.constant 0 : i32
      %dma_wait3A_490 = tpu.memref_slice %arg2[%select_n3A_278, %dma_wait3A_489] : memref<64x16xi32, #tpu.memory_space<hbm>> -> memref<1x16xi32, #tpu.memory_space<hbm>>
      %dma_wait3A_491 = tpu.memref_squeeze %dma_wait3A_490 : memref<1x16xi32, #tpu.memory_space<hbm>> -> memref<16xi32, #tpu.memory_space<hbm>>
      %dma_wait3A_492 = arith.constant 0 : i32
      %dma_wait3A_493 = tpu.memref_slice %arg2[%select_n3A_278, %dma_wait3A_492] : memref<64x16xi32, #tpu.memory_space<hbm>> -> memref<1x16xi32, #tpu.memory_space<hbm>>
      %dma_wait3A_494 = tpu.memref_squeeze %dma_wait3A_493 : memref<1x16xi32, #tpu.memory_space<hbm>> -> memref<16xi32, #tpu.memory_space<hbm>>
      tpu.wait_dma2 semaphore(%run_scoped3A : memref<!tpu.dma_semaphore, #tpu.memory_space<semaphore_mem>>) src(%dma_wait3A_494 : memref<16xi32, #tpu.memory_space<hbm>>) dst(%arg5 : memref<16xi32, #tpu.memory_space<vmem>>)
      tpu.yield
    }) : () -> ()
    %get3A_279 = arith.constant 0 : index
    %get3A_280 = tpu.vector_load %arg5[%get3A_279] {strides = array<i32>} : memref<16xi32, #tpu.memory_space<vmem>>, vector<16xi32>,
    %get3A_281 = vector.shape_cast %get3A_280 : vector<16xi32> to vector<16xi32>
    %mul3A_282 = arith.constant 100000000 : i32
    %mul3A_283 = arith.muli %select_n3A_262, %mul3A_282 : i32
    %add3A_284 = vector.broadcast %mul3A_283 : i32 to vector<16xi32>
    %add3A_285 = arith.addi %get3A_281, %add3A_284 : vector<16xi32>
    %scan3A_286 = arith.constant 0 : i32
    %scan3A_287 = arith.constant 0 : i32
    %scan3A_288 = arith.constant 625 : i32
    %scan3A_289 = arith.addi %scan3A_287, %scan3A_288 : i32
    %scan3A_290 = arith.constant 1 : i32
    %scan3A_291 = scf.for %scan3A_483 = %scan3A_287 to %scan3A_289 step %scan3A_290 iter_args(%scan3A_484 = %scan3A_286) -> (i32)  : i32 {
      %mul3A_485 = arith.constant 16 : i32
      %mul3A_486 = arith.muli %scan3A_483, %mul3A_485 : i32
      %add3A_487 = vector.broadcast %mul3A_486 : i32 to vector<16xi32>
      %add3A_488 = arith.addi %add3A_487, %iota3A : vector<16xi32>
      %mul3A_489 = arith.constant 10000 : i32
      %mul3A_490 = vector.broadcast %mul3A_489 : i32 to vector<16xi32>
      %mul3A_491 = arith.muli %add3A_488, %mul3A_490 : vector<16xi32>
      %add3A_492 = arith.addi %add3A_285, %mul3A_491 : vector<16xi32>
      %mul3A_493 = arith.constant 16 : i32
      %mul3A_494 = arith.muli %scan3A_483, %mul3A_493 : i32
      %swap3A = arith.index_cast %mul3A_494 : i32 to index
      %swap3A_495 = tpu.vector_load %arg6[%swap3A] {strides = array<i32>} : memref<10000xi32, #tpu.memory_space<vmem>>, vector<16xi32>,
      %swap3A_496 = vector.shape_cast %swap3A_495 : vector<16xi32> to vector<16xi32>
      %swap3A_497 = vector.shape_cast %add3A_492 : vector<16xi32> to vector<16xi32>
      tpu.vector_store %arg6[%swap3A], %swap3A_497 {strides = array<i32>} : memref<10000xi32, #tpu.memory_space<vmem>>, vector<16xi32>,
      %scan3A_498 = arith.constant 0 : i32
      scf.yield %scan3A_498 : i32
    }
    %scan3A_292 = arith.constant 625 : i32
    %dma_start3A_293 = arith.constant 0 : i32
    %dma_start3A_294 = tpu.memref_slice %arg3[%dma_start3A_293] : memref<400000000xf32, #tpu.memory_space<hbm>> -> memref<400000000xf32, #tpu.memory_space<hbm>>
    tpu.enqueue_indirect_dma source(%dma_start3A_294 : memref<400000000xf32, #tpu.memory_space<hbm>>) target(%arg7 : memref<10000xf32, #tpu.memory_space<vmem>>) offsets(%arg6 : memref<10000xi32, #tpu.memory_space<vmem>>) semaphore(%arg8 : memref<!tpu.dma_semaphore, #tpu.memory_space<semaphore_mem>>)
    %dma_wait3A_295 = arith.constant 0 : i32
    %dma_wait3A_296 = tpu.memref_slice %arg3[%dma_wait3A_295] : memref<400000000xf32, #tpu.memory_space<hbm>> -> memref<400000000xf32, #tpu.memory_space<hbm>>
    tpu.wait_indirect_dma semaphore(%arg8 : memref<!tpu.dma_semaphore, #tpu.memory_space<semaphore_mem>>) src(%dma_wait3A_296 : memref<400000000xf32, #tpu.memory_space<hbm>>) dst(%arg7 : memref<10000xf32, #tpu.memory_space<vmem>>)
    "tpu.region"() ({
      %run_scoped3A = tpu.sem_alloc : memref<!tpu.dma_semaphore, #tpu.memory_space<semaphore_mem>>
      %dma_start3A_483 = arith.constant 0 : i32
      %dma_start3A_484 = tpu.memref_slice %arg4[%select_n3A_262, %select_n3A_278, %dma_start3A_483] : memref<4x64x10240xf32, #tpu.memory_space<hbm>> -> memref<1x1x10000xf32, #tpu.memory_space<hbm>>
      %dma_start3A_485 = tpu.memref_squeeze %dma_start3A_484 : memref<1x1x10000xf32, #tpu.memory_space<hbm>> -> memref<10000xf32, #tpu.memory_space<hbm>>
      %dma_start3A_486 = arith.constant 0 : i32
      %dma_start3A_487 = tpu.memref_slice %arg4[%select_n3A_262, %select_n3A_278, %dma_start3A_486] : memref<4x64x10240xf32, #tpu.memory_space<hbm>> -> memref<1x1x10000xf32, #tpu.memory_space<hbm>>
      %dma_start3A_488 = tpu.memref_squeeze %dma_start3A_487 : memref<1x1x10000xf32, #tpu.memory_space<hbm>> -> memref<10000xf32, #tpu.memory_space<hbm>>
      tpu.enqueue_dma source(%arg7 : memref<10000xf32, #tpu.memory_space<vmem>>) target(%dma_start3A_488 : memref<10000xf32, #tpu.memory_space<hbm>>) target_semaphore(%run_scoped3A : memref<!tpu.dma_semaphore, #tpu.memory_space<semaphore_mem>>)
      %dma_wait3A_489 = arith.constant 0 : i32
      %dma_wait3A_490 = tpu.memref_slice %arg4[%select_n3A_262, %select_n3A_278, %dma_wait3A_489] : memref<4x64x10240xf32, #tpu.memory_space<hbm>> -> memref<1x1x10000xf32, #tpu.memory_space<hbm>>
      %dma_wait3A_491 = tpu.memref_squeeze %dma_wait3A_490 : memref<1x1x10000xf32, #tpu.memory_space<hbm>> -> memref<10000xf32, #tpu.memory_space<hbm>>
      %dma_wait3A_492 = arith.constant 0 : i32
      %dma_wait3A_493 = tpu.memref_slice %arg4[%select_n3A_262, %select_n3A_278, %dma_wait3A_492] : memref<4x64x10240xf32, #tpu.memory_space<hbm>> -> memref<1x1x10000xf32, #tpu.memory_space<hbm>>
      %dma_wait3A_494 = tpu.memref_squeeze %dma_wait3A_493 : memref<1x1x10000xf32, #tpu.memory_space<hbm>> -> memref<10000xf32, #tpu.memory_space<hbm>>
      tpu.wait_dma2 semaphore(%run_scoped3A : memref<!tpu.dma_semaphore, #tpu.memory_space<semaphore_mem>>) src(%arg7 : memref<10000xf32, #tpu.memory_space<vmem>>) dst(%dma_wait3A_494 : memref<10000xf32, #tpu.memory_space<hbm>>)
      tpu.yield
    }) : () -> ()
    %mul3A_297 = arith.constant 8 : i32
    %mul3A_298 = arith.muli %add3A, %mul3A_297 : i32
    %add3A_299 = arith.constant 5 : i32
    %add3A_300 = arith.addi %mul3A_298, %add3A_299 : i32
    %jit3A_301 = arith.constant 64 : i32
    %div3A_302 = arith.divsi %add3A_300, %jit3A_301 : i32
    %sign3A_303 = arith.constant 0 : i32
    %sign3A_304 = arith.cmpi sgt, %add3A_300, %sign3A_303 : i32
    %sign3A_305 = arith.extui %sign3A_304 : i1 to i32
    %sign3A_306 = arith.constant 0 : i32
    %sign3A_307 = arith.cmpi slt, %add3A_300, %sign3A_306 : i32
    %sign3A_308 = arith.extui %sign3A_307 : i1 to i32
    %sign3A_309 = arith.subi %sign3A_305, %sign3A_308 : i32
    %sign3A_310 = arith.constant 0 : i32
    %sign3A_311 = arith.cmpi sgt, %jit3A_301, %sign3A_310 : i32
    %sign3A_312 = arith.extui %sign3A_311 : i1 to i32
    %sign3A_313 = arith.constant 0 : i32
    %sign3A_314 = arith.cmpi slt, %jit3A_301, %sign3A_313 : i32
    %sign3A_315 = arith.extui %sign3A_314 : i1 to i32
    %sign3A_316 = arith.subi %sign3A_312, %sign3A_315 : i32
    %ne3A_317 = arith.cmpi ne, %sign3A_309, %sign3A_316 : i32
    %rem3A_318 = arith.remsi %add3A_300, %jit3A_301 : i32
    %ne3A_319 = arith.constant 0 : i32
    %ne3A_320 = arith.cmpi ne, %rem3A_318, %ne3A_319 : i32
    %and3A_321 = arith.andi %ne3A_317, %ne3A_320 : i1
    %sub3A_322 = arith.constant 1 : i32
    %sub3A_323 = arith.subi %div3A_302, %sub3A_322 : i32
    %select_n3A_324 = arith.select %and3A_321, %sub3A_323, %div3A_302 : i32
    %jit3A_325 = arith.constant 64 : i32
    %eq3A_326 = arith.constant 0 : i32
    %eq3A_327 = arith.cmpi eq, %jit3A_325, %eq3A_326 : i32
    %jit3A_328 = arith.constant 1 : i32
    %select_n3A_329 = arith.select %eq3A_327, %jit3A_328, %jit3A_325 : i32
    %rem3A_330 = arith.remsi %add3A_300, %select_n3A_329 : i32
    %ne3A_331 = arith.constant 0 : i32
    %ne3A_332 = arith.cmpi ne, %rem3A_330, %ne3A_331 : i32
    %lt3A_333 = arith.constant 0 : i32
    %lt3A_334 = arith.cmpi slt, %rem3A_330, %lt3A_333 : i32
    %lt3A_335 = arith.constant 0 : i32
    %lt3A_336 = arith.cmpi slt, %select_n3A_329, %lt3A_335 : i32
    %ne3A_337 = arith.xori %lt3A_334, %lt3A_336 : i1
    %and3A_338 = arith.andi %ne3A_337, %ne3A_332 : i1
    %add3A_339 = arith.addi %rem3A_330, %select_n3A_329 : i32
    %select_n3A_340 = arith.select %and3A_338, %add3A_339, %rem3A_330 : i32
    "tpu.region"() ({
      %run_scoped3A = tpu.sem_alloc : memref<!tpu.dma_semaphore, #tpu.memory_space<semaphore_mem>>
      %dma_start3A_483 = arith.constant 0 : i32
      %dma_start3A_484 = tpu.memref_slice %arg2[%select_n3A_340, %dma_start3A_483] : memref<64x16xi32, #tpu.memory_space<hbm>> -> memref<1x16xi32, #tpu.memory_space<hbm>>
      %dma_start3A_485 = tpu.memref_squeeze %dma_start3A_484 : memref<1x16xi32, #tpu.memory_space<hbm>> -> memref<16xi32, #tpu.memory_space<hbm>>
      %dma_start3A_486 = arith.constant 0 : i32
      %dma_start3A_487 = tpu.memref_slice %arg2[%select_n3A_340, %dma_start3A_486] : memref<64x16xi32, #tpu.memory_space<hbm>> -> memref<1x16xi32, #tpu.memory_space<hbm>>
      %dma_start3A_488 = tpu.memref_squeeze %dma_start3A_487 : memref<1x16xi32, #tpu.memory_space<hbm>> -> memref<16xi32, #tpu.memory_space<hbm>>
      tpu.enqueue_dma source(%dma_start3A_488 : memref<16xi32, #tpu.memory_space<hbm>>) target(%arg5 : memref<16xi32, #tpu.memory_space<vmem>>) target_semaphore(%run_scoped3A : memref<!tpu.dma_semaphore, #tpu.memory_space<semaphore_mem>>)
      %dma_wait3A_489 = arith.constant 0 : i32
      %dma_wait3A_490 = tpu.memref_slice %arg2[%select_n3A_340, %dma_wait3A_489] : memref<64x16xi32, #tpu.memory_space<hbm>> -> memref<1x16xi32, #tpu.memory_space<hbm>>
      %dma_wait3A_491 = tpu.memref_squeeze %dma_wait3A_490 : memref<1x16xi32, #tpu.memory_space<hbm>> -> memref<16xi32, #tpu.memory_space<hbm>>
      %dma_wait3A_492 = arith.constant 0 : i32
      %dma_wait3A_493 = tpu.memref_slice %arg2[%select_n3A_340, %dma_wait3A_492] : memref<64x16xi32, #tpu.memory_space<hbm>> -> memref<1x16xi32, #tpu.memory_space<hbm>>
      %dma_wait3A_494 = tpu.memref_squeeze %dma_wait3A_493 : memref<1x16xi32, #tpu.memory_space<hbm>> -> memref<16xi32, #tpu.memory_space<hbm>>
      tpu.wait_dma2 semaphore(%run_scoped3A : memref<!tpu.dma_semaphore, #tpu.memory_space<semaphore_mem>>) src(%dma_wait3A_494 : memref<16xi32, #tpu.memory_space<hbm>>) dst(%arg5 : memref<16xi32, #tpu.memory_space<vmem>>)
      tpu.yield
    }) : () -> ()
    %get3A_341 = arith.constant 0 : index
    %get3A_342 = tpu.vector_load %arg5[%get3A_341] {strides = array<i32>} : memref<16xi32, #tpu.memory_space<vmem>>, vector<16xi32>,
    %get3A_343 = vector.shape_cast %get3A_342 : vector<16xi32> to vector<16xi32>
    %mul3A_344 = arith.constant 100000000 : i32
    %mul3A_345 = arith.muli %select_n3A_324, %mul3A_344 : i32
    %add3A_346 = vector.broadcast %mul3A_345 : i32 to vector<16xi32>
    %add3A_347 = arith.addi %get3A_343, %add3A_346 : vector<16xi32>
    %scan3A_348 = arith.constant 0 : i32
    %scan3A_349 = arith.constant 0 : i32
    %scan3A_350 = arith.constant 625 : i32
    %scan3A_351 = arith.addi %scan3A_349, %scan3A_350 : i32
    %scan3A_352 = arith.constant 1 : i32
    %scan3A_353 = scf.for %scan3A_483 = %scan3A_349 to %scan3A_351 step %scan3A_352 iter_args(%scan3A_484 = %scan3A_348) -> (i32)  : i32 {
      %mul3A_485 = arith.constant 16 : i32
      %mul3A_486 = arith.muli %scan3A_483, %mul3A_485 : i32
      %add3A_487 = vector.broadcast %mul3A_486 : i32 to vector<16xi32>
      %add3A_488 = arith.addi %add3A_487, %iota3A : vector<16xi32>
      %mul3A_489 = arith.constant 10000 : i32
      %mul3A_490 = vector.broadcast %mul3A_489 : i32 to vector<16xi32>
      %mul3A_491 = arith.muli %add3A_488, %mul3A_490 : vector<16xi32>
      %add3A_492 = arith.addi %add3A_347, %mul3A_491 : vector<16xi32>
      %mul3A_493 = arith.constant 16 : i32
      %mul3A_494 = arith.muli %scan3A_483, %mul3A_493 : i32
      %swap3A = arith.index_cast %mul3A_494 : i32 to index
      %swap3A_495 = tpu.vector_load %arg6[%swap3A] {strides = array<i32>} : memref<10000xi32, #tpu.memory_space<vmem>>, vector<16xi32>,
      %swap3A_496 = vector.shape_cast %swap3A_495 : vector<16xi32> to vector<16xi32>
      %swap3A_497 = vector.shape_cast %add3A_492 : vector<16xi32> to vector<16xi32>
      tpu.vector_store %arg6[%swap3A], %swap3A_497 {strides = array<i32>} : memref<10000xi32, #tpu.memory_space<vmem>>, vector<16xi32>,
      %scan3A_498 = arith.constant 0 : i32
      scf.yield %scan3A_498 : i32
    }
    %scan3A_354 = arith.constant 625 : i32
    %dma_start3A_355 = arith.constant 0 : i32
    %dma_start3A_356 = tpu.memref_slice %arg3[%dma_start3A_355] : memref<400000000xf32, #tpu.memory_space<hbm>> -> memref<400000000xf32, #tpu.memory_space<hbm>>
    tpu.enqueue_indirect_dma source(%dma_start3A_356 : memref<400000000xf32, #tpu.memory_space<hbm>>) target(%arg7 : memref<10000xf32, #tpu.memory_space<vmem>>) offsets(%arg6 : memref<10000xi32, #tpu.memory_space<vmem>>) semaphore(%arg8 : memref<!tpu.dma_semaphore, #tpu.memory_space<semaphore_mem>>)
    %dma_wait3A_357 = arith.constant 0 : i32
    %dma_wait3A_358 = tpu.memref_slice %arg3[%dma_wait3A_357] : memref<400000000xf32, #tpu.memory_space<hbm>> -> memref<400000000xf32, #tpu.memory_space<hbm>>
    tpu.wait_indirect_dma semaphore(%arg8 : memref<!tpu.dma_semaphore, #tpu.memory_space<semaphore_mem>>) src(%dma_wait3A_358 : memref<400000000xf32, #tpu.memory_space<hbm>>) dst(%arg7 : memref<10000xf32, #tpu.memory_space<vmem>>)
    "tpu.region"() ({
      %run_scoped3A = tpu.sem_alloc : memref<!tpu.dma_semaphore, #tpu.memory_space<semaphore_mem>>
      %dma_start3A_483 = arith.constant 0 : i32
      %dma_start3A_484 = tpu.memref_slice %arg4[%select_n3A_324, %select_n3A_340, %dma_start3A_483] : memref<4x64x10240xf32, #tpu.memory_space<hbm>> -> memref<1x1x10000xf32, #tpu.memory_space<hbm>>
      %dma_start3A_485 = tpu.memref_squeeze %dma_start3A_484 : memref<1x1x10000xf32, #tpu.memory_space<hbm>> -> memref<10000xf32, #tpu.memory_space<hbm>>
      %dma_start3A_486 = arith.constant 0 : i32
      %dma_start3A_487 = tpu.memref_slice %arg4[%select_n3A_324, %select_n3A_340, %dma_start3A_486] : memref<4x64x10240xf32, #tpu.memory_space<hbm>> -> memref<1x1x10000xf32, #tpu.memory_space<hbm>>
      %dma_start3A_488 = tpu.memref_squeeze %dma_start3A_487 : memref<1x1x10000xf32, #tpu.memory_space<hbm>> -> memref<10000xf32, #tpu.memory_space<hbm>>
      tpu.enqueue_dma source(%arg7 : memref<10000xf32, #tpu.memory_space<vmem>>) target(%dma_start3A_488 : memref<10000xf32, #tpu.memory_space<hbm>>) target_semaphore(%run_scoped3A : memref<!tpu.dma_semaphore, #tpu.memory_space<semaphore_mem>>)
      %dma_wait3A_489 = arith.constant 0 : i32
      %dma_wait3A_490 = tpu.memref_slice %arg4[%select_n3A_324, %select_n3A_340, %dma_wait3A_489] : memref<4x64x10240xf32, #tpu.memory_space<hbm>> -> memref<1x1x10000xf32, #tpu.memory_space<hbm>>
      %dma_wait3A_491 = tpu.memref_squeeze %dma_wait3A_490 : memref<1x1x10000xf32, #tpu.memory_space<hbm>> -> memref<10000xf32, #tpu.memory_space<hbm>>
      %dma_wait3A_492 = arith.constant 0 : i32
      %dma_wait3A_493 = tpu.memref_slice %arg4[%select_n3A_324, %select_n3A_340, %dma_wait3A_492] : memref<4x64x10240xf32, #tpu.memory_space<hbm>> -> memref<1x1x10000xf32, #tpu.memory_space<hbm>>
      %dma_wait3A_494 = tpu.memref_squeeze %dma_wait3A_493 : memref<1x1x10000xf32, #tpu.memory_space<hbm>> -> memref<10000xf32, #tpu.memory_space<hbm>>
      tpu.wait_dma2 semaphore(%run_scoped3A : memref<!tpu.dma_semaphore, #tpu.memory_space<semaphore_mem>>) src(%arg7 : memref<10000xf32, #tpu.memory_space<vmem>>) dst(%dma_wait3A_494 : memref<10000xf32, #tpu.memory_space<hbm>>)
      tpu.yield
    }) : () -> ()
    %mul3A_359 = arith.constant 8 : i32
    %mul3A_360 = arith.muli %add3A, %mul3A_359 : i32
    %add3A_361 = arith.constant 6 : i32
    %add3A_362 = arith.addi %mul3A_360, %add3A_361 : i32
    %jit3A_363 = arith.constant 64 : i32
    %div3A_364 = arith.divsi %add3A_362, %jit3A_363 : i32
    %sign3A_365 = arith.constant 0 : i32
    %sign3A_366 = arith.cmpi sgt, %add3A_362, %sign3A_365 : i32
    %sign3A_367 = arith.extui %sign3A_366 : i1 to i32
    %sign3A_368 = arith.constant 0 : i32
    %sign3A_369 = arith.cmpi slt, %add3A_362, %sign3A_368 : i32
    %sign3A_370 = arith.extui %sign3A_369 : i1 to i32
    %sign3A_371 = arith.subi %sign3A_367, %sign3A_370 : i32
    %sign3A_372 = arith.constant 0 : i32
    %sign3A_373 = arith.cmpi sgt, %jit3A_363, %sign3A_372 : i32
    %sign3A_374 = arith.extui %sign3A_373 : i1 to i32
    %sign3A_375 = arith.constant 0 : i32
    %sign3A_376 = arith.cmpi slt, %jit3A_363, %sign3A_375 : i32
    %sign3A_377 = arith.extui %sign3A_376 : i1 to i32
    %sign3A_378 = arith.subi %sign3A_374, %sign3A_377 : i32
    %ne3A_379 = arith.cmpi ne, %sign3A_371, %sign3A_378 : i32
    %rem3A_380 = arith.remsi %add3A_362, %jit3A_363 : i32
    %ne3A_381 = arith.constant 0 : i32
    %ne3A_382 = arith.cmpi ne, %rem3A_380, %ne3A_381 : i32
    %and3A_383 = arith.andi %ne3A_379, %ne3A_382 : i1
    %sub3A_384 = arith.constant 1 : i32
    %sub3A_385 = arith.subi %div3A_364, %sub3A_384 : i32
    %select_n3A_386 = arith.select %and3A_383, %sub3A_385, %div3A_364 : i32
    %jit3A_387 = arith.constant 64 : i32
    %eq3A_388 = arith.constant 0 : i32
    %eq3A_389 = arith.cmpi eq, %jit3A_387, %eq3A_388 : i32
    %jit3A_390 = arith.constant 1 : i32
    %select_n3A_391 = arith.select %eq3A_389, %jit3A_390, %jit3A_387 : i32
    %rem3A_392 = arith.remsi %add3A_362, %select_n3A_391 : i32
    %ne3A_393 = arith.constant 0 : i32
    %ne3A_394 = arith.cmpi ne, %rem3A_392, %ne3A_393 : i32
    %lt3A_395 = arith.constant 0 : i32
    %lt3A_396 = arith.cmpi slt, %rem3A_392, %lt3A_395 : i32
    %lt3A_397 = arith.constant 0 : i32
    %lt3A_398 = arith.cmpi slt, %select_n3A_391, %lt3A_397 : i32
    %ne3A_399 = arith.xori %lt3A_396, %lt3A_398 : i1
    %and3A_400 = arith.andi %ne3A_399, %ne3A_394 : i1
    %add3A_401 = arith.addi %rem3A_392, %select_n3A_391 : i32
    %select_n3A_402 = arith.select %and3A_400, %add3A_401, %rem3A_392 : i32
    "tpu.region"() ({
      %run_scoped3A = tpu.sem_alloc : memref<!tpu.dma_semaphore, #tpu.memory_space<semaphore_mem>>
      %dma_start3A_483 = arith.constant 0 : i32
      %dma_start3A_484 = tpu.memref_slice %arg2[%select_n3A_402, %dma_start3A_483] : memref<64x16xi32, #tpu.memory_space<hbm>> -> memref<1x16xi32, #tpu.memory_space<hbm>>
      %dma_start3A_485 = tpu.memref_squeeze %dma_start3A_484 : memref<1x16xi32, #tpu.memory_space<hbm>> -> memref<16xi32, #tpu.memory_space<hbm>>
      %dma_start3A_486 = arith.constant 0 : i32
      %dma_start3A_487 = tpu.memref_slice %arg2[%select_n3A_402, %dma_start3A_486] : memref<64x16xi32, #tpu.memory_space<hbm>> -> memref<1x16xi32, #tpu.memory_space<hbm>>
      %dma_start3A_488 = tpu.memref_squeeze %dma_start3A_487 : memref<1x16xi32, #tpu.memory_space<hbm>> -> memref<16xi32, #tpu.memory_space<hbm>>
      tpu.enqueue_dma source(%dma_start3A_488 : memref<16xi32, #tpu.memory_space<hbm>>) target(%arg5 : memref<16xi32, #tpu.memory_space<vmem>>) target_semaphore(%run_scoped3A : memref<!tpu.dma_semaphore, #tpu.memory_space<semaphore_mem>>)
      %dma_wait3A_489 = arith.constant 0 : i32
      %dma_wait3A_490 = tpu.memref_slice %arg2[%select_n3A_402, %dma_wait3A_489] : memref<64x16xi32, #tpu.memory_space<hbm>> -> memref<1x16xi32, #tpu.memory_space<hbm>>
      %dma_wait3A_491 = tpu.memref_squeeze %dma_wait3A_490 : memref<1x16xi32, #tpu.memory_space<hbm>> -> memref<16xi32, #tpu.memory_space<hbm>>
      %dma_wait3A_492 = arith.constant 0 : i32
      %dma_wait3A_493 = tpu.memref_slice %arg2[%select_n3A_402, %dma_wait3A_492] : memref<64x16xi32, #tpu.memory_space<hbm>> -> memref<1x16xi32, #tpu.memory_space<hbm>>
      %dma_wait3A_494 = tpu.memref_squeeze %dma_wait3A_493 : memref<1x16xi32, #tpu.memory_space<hbm>> -> memref<16xi32, #tpu.memory_space<hbm>>
      tpu.wait_dma2 semaphore(%run_scoped3A : memref<!tpu.dma_semaphore, #tpu.memory_space<semaphore_mem>>) src(%dma_wait3A_494 : memref<16xi32, #tpu.memory_space<hbm>>) dst(%arg5 : memref<16xi32, #tpu.memory_space<vmem>>)
      tpu.yield
    }) : () -> ()
    %get3A_403 = arith.constant 0 : index
    %get3A_404 = tpu.vector_load %arg5[%get3A_403] {strides = array<i32>} : memref<16xi32, #tpu.memory_space<vmem>>, vector<16xi32>,
    %get3A_405 = vector.shape_cast %get3A_404 : vector<16xi32> to vector<16xi32>
    %mul3A_406 = arith.constant 100000000 : i32
    %mul3A_407 = arith.muli %select_n3A_386, %mul3A_406 : i32
    %add3A_408 = vector.broadcast %mul3A_407 : i32 to vector<16xi32>
    %add3A_409 = arith.addi %get3A_405, %add3A_408 : vector<16xi32>
    %scan3A_410 = arith.constant 0 : i32
    %scan3A_411 = arith.constant 0 : i32
    %scan3A_412 = arith.constant 625 : i32
    %scan3A_413 = arith.addi %scan3A_411, %scan3A_412 : i32
    %scan3A_414 = arith.constant 1 : i32
    %scan3A_415 = scf.for %scan3A_483 = %scan3A_411 to %scan3A_413 step %scan3A_414 iter_args(%scan3A_484 = %scan3A_410) -> (i32)  : i32 {
      %mul3A_485 = arith.constant 16 : i32
      %mul3A_486 = arith.muli %scan3A_483, %mul3A_485 : i32
      %add3A_487 = vector.broadcast %mul3A_486 : i32 to vector<16xi32>
      %add3A_488 = arith.addi %add3A_487, %iota3A : vector<16xi32>
      %mul3A_489 = arith.constant 10000 : i32
      %mul3A_490 = vector.broadcast %mul3A_489 : i32 to vector<16xi32>
      %mul3A_491 = arith.muli %add3A_488, %mul3A_490 : vector<16xi32>
      %add3A_492 = arith.addi %add3A_409, %mul3A_491 : vector<16xi32>
      %mul3A_493 = arith.constant 16 : i32
      %mul3A_494 = arith.muli %scan3A_483, %mul3A_493 : i32
      %swap3A = arith.index_cast %mul3A_494 : i32 to index
      %swap3A_495 = tpu.vector_load %arg6[%swap3A] {strides = array<i32>} : memref<10000xi32, #tpu.memory_space<vmem>>, vector<16xi32>,
      %swap3A_496 = vector.shape_cast %swap3A_495 : vector<16xi32> to vector<16xi32>
      %swap3A_497 = vector.shape_cast %add3A_492 : vector<16xi32> to vector<16xi32>
      tpu.vector_store %arg6[%swap3A], %swap3A_497 {strides = array<i32>} : memref<10000xi32, #tpu.memory_space<vmem>>, vector<16xi32>,
      %scan3A_498 = arith.constant 0 : i32
      scf.yield %scan3A_498 : i32
    }
    %scan3A_416 = arith.constant 625 : i32
    %dma_start3A_417 = arith.constant 0 : i32
    %dma_start3A_418 = tpu.memref_slice %arg3[%dma_start3A_417] : memref<400000000xf32, #tpu.memory_space<hbm>> -> memref<400000000xf32, #tpu.memory_space<hbm>>
    tpu.enqueue_indirect_dma source(%dma_start3A_418 : memref<400000000xf32, #tpu.memory_space<hbm>>) target(%arg7 : memref<10000xf32, #tpu.memory_space<vmem>>) offsets(%arg6 : memref<10000xi32, #tpu.memory_space<vmem>>) semaphore(%arg8 : memref<!tpu.dma_semaphore, #tpu.memory_space<semaphore_mem>>)
    %dma_wait3A_419 = arith.constant 0 : i32
    %dma_wait3A_420 = tpu.memref_slice %arg3[%dma_wait3A_419] : memref<400000000xf32, #tpu.memory_space<hbm>> -> memref<400000000xf32, #tpu.memory_space<hbm>>
    tpu.wait_indirect_dma semaphore(%arg8 : memref<!tpu.dma_semaphore, #tpu.memory_space<semaphore_mem>>) src(%dma_wait3A_420 : memref<400000000xf32, #tpu.memory_space<hbm>>) dst(%arg7 : memref<10000xf32, #tpu.memory_space<vmem>>)
    "tpu.region"() ({
      %run_scoped3A = tpu.sem_alloc : memref<!tpu.dma_semaphore, #tpu.memory_space<semaphore_mem>>
      %dma_start3A_483 = arith.constant 0 : i32
      %dma_start3A_484 = tpu.memref_slice %arg4[%select_n3A_386, %select_n3A_402, %dma_start3A_483] : memref<4x64x10240xf32, #tpu.memory_space<hbm>> -> memref<1x1x10000xf32, #tpu.memory_space<hbm>>
      %dma_start3A_485 = tpu.memref_squeeze %dma_start3A_484 : memref<1x1x10000xf32, #tpu.memory_space<hbm>> -> memref<10000xf32, #tpu.memory_space<hbm>>
      %dma_start3A_486 = arith.constant 0 : i32
      %dma_start3A_487 = tpu.memref_slice %arg4[%select_n3A_386, %select_n3A_402, %dma_start3A_486] : memref<4x64x10240xf32, #tpu.memory_space<hbm>> -> memref<1x1x10000xf32, #tpu.memory_space<hbm>>
      %dma_start3A_488 = tpu.memref_squeeze %dma_start3A_487 : memref<1x1x10000xf32, #tpu.memory_space<hbm>> -> memref<10000xf32, #tpu.memory_space<hbm>>
      tpu.enqueue_dma source(%arg7 : memref<10000xf32, #tpu.memory_space<vmem>>) target(%dma_start3A_488 : memref<10000xf32, #tpu.memory_space<hbm>>) target_semaphore(%run_scoped3A : memref<!tpu.dma_semaphore, #tpu.memory_space<semaphore_mem>>)
      %dma_wait3A_489 = arith.constant 0 : i32
      %dma_wait3A_490 = tpu.memref_slice %arg4[%select_n3A_386, %select_n3A_402, %dma_wait3A_489] : memref<4x64x10240xf32, #tpu.memory_space<hbm>> -> memref<1x1x10000xf32, #tpu.memory_space<hbm>>
      %dma_wait3A_491 = tpu.memref_squeeze %dma_wait3A_490 : memref<1x1x10000xf32, #tpu.memory_space<hbm>> -> memref<10000xf32, #tpu.memory_space<hbm>>
      %dma_wait3A_492 = arith.constant 0 : i32
      %dma_wait3A_493 = tpu.memref_slice %arg4[%select_n3A_386, %select_n3A_402, %dma_wait3A_492] : memref<4x64x10240xf32, #tpu.memory_space<hbm>> -> memref<1x1x10000xf32, #tpu.memory_space<hbm>>
      %dma_wait3A_494 = tpu.memref_squeeze %dma_wait3A_493 : memref<1x1x10000xf32, #tpu.memory_space<hbm>> -> memref<10000xf32, #tpu.memory_space<hbm>>
      tpu.wait_dma2 semaphore(%run_scoped3A : memref<!tpu.dma_semaphore, #tpu.memory_space<semaphore_mem>>) src(%arg7 : memref<10000xf32, #tpu.memory_space<vmem>>) dst(%dma_wait3A_494 : memref<10000xf32, #tpu.memory_space<hbm>>)
      tpu.yield
    }) : () -> ()
    %mul3A_421 = arith.constant 8 : i32
    %mul3A_422 = arith.muli %add3A, %mul3A_421 : i32
    %add3A_423 = arith.constant 7 : i32
    %add3A_424 = arith.addi %mul3A_422, %add3A_423 : i32
    %jit3A_425 = arith.constant 64 : i32
    %div3A_426 = arith.divsi %add3A_424, %jit3A_425 : i32
    %sign3A_427 = arith.constant 0 : i32
    %sign3A_428 = arith.cmpi sgt, %add3A_424, %sign3A_427 : i32
    %sign3A_429 = arith.extui %sign3A_428 : i1 to i32
    %sign3A_430 = arith.constant 0 : i32
    %sign3A_431 = arith.cmpi slt, %add3A_424, %sign3A_430 : i32
    %sign3A_432 = arith.extui %sign3A_431 : i1 to i32
    %sign3A_433 = arith.subi %sign3A_429, %sign3A_432 : i32
    %sign3A_434 = arith.constant 0 : i32
    %sign3A_435 = arith.cmpi sgt, %jit3A_425, %sign3A_434 : i32
    %sign3A_436 = arith.extui %sign3A_435 : i1 to i32
    %sign3A_437 = arith.constant 0 : i32
    %sign3A_438 = arith.cmpi slt, %jit3A_425, %sign3A_437 : i32
    %sign3A_439 = arith.extui %sign3A_438 : i1 to i32
    %sign3A_440 = arith.subi %sign3A_436, %sign3A_439 : i32
    %ne3A_441 = arith.cmpi ne, %sign3A_433, %sign3A_440 : i32
    %rem3A_442 = arith.remsi %add3A_424, %jit3A_425 : i32
    %ne3A_443 = arith.constant 0 : i32
    %ne3A_444 = arith.cmpi ne, %rem3A_442, %ne3A_443 : i32
    %and3A_445 = arith.andi %ne3A_441, %ne3A_444 : i1
    %sub3A_446 = arith.constant 1 : i32
    %sub3A_447 = arith.subi %div3A_426, %sub3A_446 : i32
    %select_n3A_448 = arith.select %and3A_445, %sub3A_447, %div3A_426 : i32
    %jit3A_449 = arith.constant 64 : i32
    %eq3A_450 = arith.constant 0 : i32
    %eq3A_451 = arith.cmpi eq, %jit3A_449, %eq3A_450 : i32
    %jit3A_452 = arith.constant 1 : i32
    %select_n3A_453 = arith.select %eq3A_451, %jit3A_452, %jit3A_449 : i32
    %rem3A_454 = arith.remsi %add3A_424, %select_n3A_453 : i32
    %ne3A_455 = arith.constant 0 : i32
    %ne3A_456 = arith.cmpi ne, %rem3A_454, %ne3A_455 : i32
    %lt3A_457 = arith.constant 0 : i32
    %lt3A_458 = arith.cmpi slt, %rem3A_454, %lt3A_457 : i32
    %lt3A_459 = arith.constant 0 : i32
    %lt3A_460 = arith.cmpi slt, %select_n3A_453, %lt3A_459 : i32
    %ne3A_461 = arith.xori %lt3A_458, %lt3A_460 : i1
    %and3A_462 = arith.andi %ne3A_461, %ne3A_456 : i1
    %add3A_463 = arith.addi %rem3A_454, %select_n3A_453 : i32
    %select_n3A_464 = arith.select %and3A_462, %add3A_463, %rem3A_454 : i32
    "tpu.region"() ({
      %run_scoped3A = tpu.sem_alloc : memref<!tpu.dma_semaphore, #tpu.memory_space<semaphore_mem>>
      %dma_start3A_483 = arith.constant 0 : i32
      %dma_start3A_484 = tpu.memref_slice %arg2[%select_n3A_464, %dma_start3A_483] : memref<64x16xi32, #tpu.memory_space<hbm>> -> memref<1x16xi32, #tpu.memory_space<hbm>>
      %dma_start3A_485 = tpu.memref_squeeze %dma_start3A_484 : memref<1x16xi32, #tpu.memory_space<hbm>> -> memref<16xi32, #tpu.memory_space<hbm>>
      %dma_start3A_486 = arith.constant 0 : i32
      %dma_start3A_487 = tpu.memref_slice %arg2[%select_n3A_464, %dma_start3A_486] : memref<64x16xi32, #tpu.memory_space<hbm>> -> memref<1x16xi32, #tpu.memory_space<hbm>>
      %dma_start3A_488 = tpu.memref_squeeze %dma_start3A_487 : memref<1x16xi32, #tpu.memory_space<hbm>> -> memref<16xi32, #tpu.memory_space<hbm>>
      tpu.enqueue_dma source(%dma_start3A_488 : memref<16xi32, #tpu.memory_space<hbm>>) target(%arg5 : memref<16xi32, #tpu.memory_space<vmem>>) target_semaphore(%run_scoped3A : memref<!tpu.dma_semaphore, #tpu.memory_space<semaphore_mem>>)
      %dma_wait3A_489 = arith.constant 0 : i32
      %dma_wait3A_490 = tpu.memref_slice %arg2[%select_n3A_464, %dma_wait3A_489] : memref<64x16xi32, #tpu.memory_space<hbm>> -> memref<1x16xi32, #tpu.memory_space<hbm>>
      %dma_wait3A_491 = tpu.memref_squeeze %dma_wait3A_490 : memref<1x16xi32, #tpu.memory_space<hbm>> -> memref<16xi32, #tpu.memory_space<hbm>>
      %dma_wait3A_492 = arith.constant 0 : i32
      %dma_wait3A_493 = tpu.memref_slice %arg2[%select_n3A_464, %dma_wait3A_492] : memref<64x16xi32, #tpu.memory_space<hbm>> -> memref<1x16xi32, #tpu.memory_space<hbm>>
      %dma_wait3A_494 = tpu.memref_squeeze %dma_wait3A_493 : memref<1x16xi32, #tpu.memory_space<hbm>> -> memref<16xi32, #tpu.memory_space<hbm>>
      tpu.wait_dma2 semaphore(%run_scoped3A : memref<!tpu.dma_semaphore, #tpu.memory_space<semaphore_mem>>) src(%dma_wait3A_494 : memref<16xi32, #tpu.memory_space<hbm>>) dst(%arg5 : memref<16xi32, #tpu.memory_space<vmem>>)
      tpu.yield
    }) : () -> ()
    %get3A_465 = arith.constant 0 : index
    %get3A_466 = tpu.vector_load %arg5[%get3A_465] {strides = array<i32>} : memref<16xi32, #tpu.memory_space<vmem>>, vector<16xi32>,
    %get3A_467 = vector.shape_cast %get3A_466 : vector<16xi32> to vector<16xi32>
    %mul3A_468 = arith.constant 100000000 : i32
    %mul3A_469 = arith.muli %select_n3A_448, %mul3A_468 : i32
    %add3A_470 = vector.broadcast %mul3A_469 : i32 to vector<16xi32>
    %add3A_471 = arith.addi %get3A_467, %add3A_470 : vector<16xi32>
    %scan3A_472 = arith.constant 0 : i32
    %scan3A_473 = arith.constant 0 : i32
    %scan3A_474 = arith.constant 625 : i32
    %scan3A_475 = arith.addi %scan3A_473, %scan3A_474 : i32
    %scan3A_476 = arith.constant 1 : i32
    %scan3A_477 = scf.for %scan3A_483 = %scan3A_473 to %scan3A_475 step %scan3A_476 iter_args(%scan3A_484 = %scan3A_472) -> (i32)  : i32 {
      %mul3A_485 = arith.constant 16 : i32
      %mul3A_486 = arith.muli %scan3A_483, %mul3A_485 : i32
      %add3A_487 = vector.broadcast %mul3A_486 : i32 to vector<16xi32>
      %add3A_488 = arith.addi %add3A_487, %iota3A : vector<16xi32>
      %mul3A_489 = arith.constant 10000 : i32
      %mul3A_490 = vector.broadcast %mul3A_489 : i32 to vector<16xi32>
      %mul3A_491 = arith.muli %add3A_488, %mul3A_490 : vector<16xi32>
      %add3A_492 = arith.addi %add3A_471, %mul3A_491 : vector<16xi32>
      %mul3A_493 = arith.constant 16 : i32
      %mul3A_494 = arith.muli %scan3A_483, %mul3A_493 : i32
      %swap3A = arith.index_cast %mul3A_494 : i32 to index
      %swap3A_495 = tpu.vector_load %arg6[%swap3A] {strides = array<i32>} : memref<10000xi32, #tpu.memory_space<vmem>>, vector<16xi32>,
      %swap3A_496 = vector.shape_cast %swap3A_495 : vector<16xi32> to vector<16xi32>
      %swap3A_497 = vector.shape_cast %add3A_492 : vector<16xi32> to vector<16xi32>
      tpu.vector_store %arg6[%swap3A], %swap3A_497 {strides = array<i32>} : memref<10000xi32, #tpu.memory_space<vmem>>, vector<16xi32>,
      %scan3A_498 = arith.constant 0 : i32
      scf.yield %scan3A_498 : i32
    }
    %scan3A_478 = arith.constant 625 : i32
    %dma_start3A_479 = arith.constant 0 : i32
    %dma_start3A_480 = tpu.memref_slice %arg3[%dma_start3A_479] : memref<400000000xf32, #tpu.memory_space<hbm>> -> memref<400000000xf32, #tpu.memory_space<hbm>>
    tpu.enqueue_indirect_dma source(%dma_start3A_480 : memref<400000000xf32, #tpu.memory_space<hbm>>) target(%arg7 : memref<10000xf32, #tpu.memory_space<vmem>>) offsets(%arg6 : memref<10000xi32, #tpu.memory_space<vmem>>) semaphore(%arg8 : memref<!tpu.dma_semaphore, #tpu.memory_space<semaphore_mem>>)
    %dma_wait3A_481 = arith.constant 0 : i32
    %dma_wait3A_482 = tpu.memref_slice %arg3[%dma_wait3A_481] : memref<400000000xf32, #tpu.memory_space<hbm>> -> memref<400000000xf32, #tpu.memory_space<hbm>>
    tpu.wait_indirect_dma semaphore(%arg8 : memref<!tpu.dma_semaphore, #tpu.memory_space<semaphore_mem>>) src(%dma_wait3A_482 : memref<400000000xf32, #tpu.memory_space<hbm>>) dst(%arg7 : memref<10000xf32, #tpu.memory_space<vmem>>)
    "tpu.region"() ({
      %run_scoped3A = tpu.sem_alloc : memref<!tpu.dma_semaphore, #tpu.memory_space<semaphore_mem>>
      %dma_start3A_483 = arith.constant 0 : i32
      %dma_start3A_484 = tpu.memref_slice %arg4[%select_n3A_448, %select_n3A_464, %dma_start3A_483] : memref<4x64x10240xf32, #tpu.memory_space<hbm>> -> memref<1x1x10000xf32, #tpu.memory_space<hbm>>
      %dma_start3A_485 = tpu.memref_squeeze %dma_start3A_484 : memref<1x1x10000xf32, #tpu.memory_space<hbm>> -> memref<10000xf32, #tpu.memory_space<hbm>>
      %dma_start3A_486 = arith.constant 0 : i32
      %dma_start3A_487 = tpu.memref_slice %arg4[%select_n3A_448, %select_n3A_464, %dma_start3A_486] : memref<4x64x10240xf32, #tpu.memory_space<hbm>> -> memref<1x1x10000xf32, #tpu.memory_space<hbm>>
      %dma_start3A_488 = tpu.memref_squeeze %dma_start3A_487 : memref<1x1x10000xf32, #tpu.memory_space<hbm>> -> memref<10000xf32, #tpu.memory_space<hbm>>
      tpu.enqueue_dma source(%arg7 : memref<10000xf32, #tpu.memory_space<vmem>>) target(%dma_start3A_488 : memref<10000xf32, #tpu.memory_space<hbm>>) target_semaphore(%run_scoped3A : memref<!tpu.dma_semaphore, #tpu.memory_space<semaphore_mem>>)
      %dma_wait3A_489 = arith.constant 0 : i32
      %dma_wait3A_490 = tpu.memref_slice %arg4[%select_n3A_448, %select_n3A_464, %dma_wait3A_489] : memref<4x64x10240xf32, #tpu.memory_space<hbm>> -> memref<1x1x10000xf32, #tpu.memory_space<hbm>>
      %dma_wait3A_491 = tpu.memref_squeeze %dma_wait3A_490 : memref<1x1x10000xf32, #tpu.memory_space<hbm>> -> memref<10000xf32, #tpu.memory_space<hbm>>
      %dma_wait3A_492 = arith.constant 0 : i32
      %dma_wait3A_493 = tpu.memref_slice %arg4[%select_n3A_448, %select_n3A_464, %dma_wait3A_492] : memref<4x64x10240xf32, #tpu.memory_space<hbm>> -> memref<1x1x10000xf32, #tpu.memory_space<hbm>>
      %dma_wait3A_494 = tpu.memref_squeeze %dma_wait3A_493 : memref<1x1x10000xf32, #tpu.memory_space<hbm>> -> memref<10000xf32, #tpu.memory_space<hbm>>
      tpu.wait_dma2 semaphore(%run_scoped3A : memref<!tpu.dma_semaphore, #tpu.memory_space<semaphore_mem>>) src(%arg7 : memref<10000xf32, #tpu.memory_space<vmem>>) dst(%dma_wait3A_494 : memref<10000xf32, #tpu.memory_space<hbm>>)
      tpu.yield
    }) : () -> ()
    return
  }
}

module attributes {stable_mosaic.version = 14 : i64} {
  func.func @_attn_body(%arg0: memref<1x64xi32, #tpu.memory_space<vmem>>, %arg1: memref<25x128xf32, #tpu.memory_space<vmem>>, %arg2: memref<3x2x128x512xf32, #tpu.memory_space<vmem>>, %arg3: memref<3x2x128x512xf32, #tpu.memory_space<vmem>>, %arg4: memref<3x2x1x512xf32, #tpu.memory_space<vmem>>, %arg5: memref<3x2x1x512xf32, #tpu.memory_space<vmem>>, %arg6: memref<256x5xf32, #tpu.memory_space<vmem>>, %arg7: memref<1x5xf32, #tpu.memory_space<vmem>>, %arg8: memref<3x2x64x5xf32, #tpu.memory_space<vmem>>) attributes {dimension_semantics = [], scalar_prefetch = 0 : i64, scratch_operands = 0 : i64, tpu.core_type = #tpu.core_type<tc>} {
    %get3A = arith.constant 0 : index
    %get3A_0 = arith.constant 0 : index
    %get3A_1 = vector.load %arg0[%get3A, %get3A_0] : memref<1x64xi32, #tpu.memory_space<vmem>>, vector<1x64xi32>
    %get3A_2 = vector.shape_cast %get3A_1 : vector<1x64xi32> to vector<64xi32>
    %iota3A = tpu.iota {dimensions = array<i32: 1>} : vector<64x25xi32>
    %broadcast_in_dim3A = vector.shape_cast %get3A_2 : vector<64xi32> to vector<64x1xi32>
    %eq3A = vector.broadcast %broadcast_in_dim3A : vector<64x1xi32> to vector<64x25xi32>
    %eq3A_3 = arith.cmpi eq, %iota3A, %eq3A : vector<64x25xi32>
    %jit3A = arith.constant 1.000000e+00 : f32
    %jit3A_4 = arith.constant 0.000000e+00 : f32
    %broadcast_in_dim3A_5 = vector.broadcast %jit3A : f32 to vector<64x25xf32>
    %broadcast_in_dim3A_6 = vector.broadcast %jit3A_4 : f32 to vector<64x25xf32>
    %select_n3A = arith.select %eq3A_3, %broadcast_in_dim3A_5, %broadcast_in_dim3A_6 : vector<64x25xi1>, vector<64x25xf32>
    %get3A_7 = arith.constant 0 : index
    %get3A_8 = arith.constant 0 : index
    %get3A_9 = vector.load %arg1[%get3A_7, %get3A_8] : memref<25x128xf32, #tpu.memory_space<vmem>>, vector<25x128xf32>
    %dot_general3A = arith.constant dense<0.000000e+00> : vector<64x128xf32>
    %dot_general3A_10 = tpu.matmul %select_n3A, %get3A_9, %dot_general3A {dimension_numbers = #tpu.dot_dimension_numbers<[1], [0], [0], [1], [0, 0, 1, 1], [], []>, transpose_lhs_hint = false} : vector<64x25xf32>, vector<25x128xf32>, vector<64x128xf32> -> vector<64x128xf32>
    %get3A_11 = arith.constant 24 : index
    %get3A_12 = arith.constant 0 : index
    %get3A_13 = vector.load %arg1[%get3A_11, %get3A_12] : memref<25x128xf32, #tpu.memory_space<vmem>>, vector<1x128xf32>
    %broadcast_in_dim3A_14 = vector.shape_cast %get3A_13 : vector<1x128xf32> to vector<1x128xf32>
    %broadcast_in_dim3A_15 = vector.broadcast %broadcast_in_dim3A_14 : vector<1x128xf32> to vector<64x128xf32>
    %broadcast_in_dim3A_16 = arith.constant 0.000000e+00 : f32
    %broadcast_in_dim3A_17 = vector.broadcast %broadcast_in_dim3A_16 : f32 to vector<64x128xf32>
    %broadcast_in_dim3A_18 = arith.constant 0.000000e+00 : f32
    %broadcast_in_dim3A_19 = vector.broadcast %broadcast_in_dim3A_18 : f32 to vector<64x128xf32>
    %get3A_20 = arith.constant 0 : index
    %get3A_21 = arith.constant 0 : index
    %get3A_22 = arith.constant 0 : index
    %get3A_23 = arith.constant 0 : index
    %get3A_24 = vector.load %arg2[%get3A_20, %get3A_21, %get3A_22, %get3A_23] : memref<3x2x128x512xf32, #tpu.memory_space<vmem>>, vector<1x1x128x512xf32>
    %get3A_25 = vector.shape_cast %get3A_24 : vector<1x1x128x512xf32> to vector<128x512xf32>
    %dot_general3A_26 = arith.constant dense<0.000000e+00> : vector<64x512xf32>
    %dot_general3A_27 = tpu.matmul %dot_general3A_10, %get3A_25, %dot_general3A_26 {dimension_numbers = #tpu.dot_dimension_numbers<[1], [0], [0], [1], [0, 0, 1, 1], [], []>, transpose_lhs_hint = false} : vector<64x128xf32>, vector<128x512xf32>, vector<64x512xf32> -> vector<64x512xf32>
    %get3A_28 = arith.constant 0 : index
    %get3A_29 = arith.constant 0 : index
    %get3A_30 = arith.constant 0 : index
    %get3A_31 = arith.constant 0 : index
    %get3A_32 = vector.load %arg3[%get3A_28, %get3A_29, %get3A_30, %get3A_31] : memref<3x2x128x512xf32, #tpu.memory_space<vmem>>, vector<1x1x128x512xf32>
    %get3A_33 = vector.shape_cast %get3A_32 : vector<1x1x128x512xf32> to vector<128x512xf32>
    %dot_general3A_34 = arith.constant dense<0.000000e+00> : vector<64x512xf32>
    %dot_general3A_35 = tpu.matmul %broadcast_in_dim3A_17, %get3A_33, %dot_general3A_34 {dimension_numbers = #tpu.dot_dimension_numbers<[1], [0], [0], [1], [0, 0, 1, 1], [], []>, transpose_lhs_hint = false} : vector<64x128xf32>, vector<128x512xf32>, vector<64x512xf32> -> vector<64x512xf32>
    %add3A = arith.addf %dot_general3A_27, %dot_general3A_35 : vector<64x512xf32>
    %get3A_36 = arith.constant 0 : index
    %get3A_37 = arith.constant 0 : index
    %get3A_38 = arith.constant 0 : index
    %get3A_39 = arith.constant 0 : index
    %get3A_40 = vector.load %arg4[%get3A_36, %get3A_37, %get3A_38, %get3A_39] : memref<3x2x1x512xf32, #tpu.memory_space<vmem>>, vector<1x1x1x512xf32>
    %get3A_41 = vector.shape_cast %get3A_40 : vector<1x1x1x512xf32> to vector<1x512xf32>
    %add3A_42 = vector.broadcast %get3A_41 : vector<1x512xf32> to vector<64x512xf32>
    %add3A_43 = arith.addf %add3A, %add3A_42 : vector<64x512xf32>
    %get3A_44 = arith.constant 0 : index
    %get3A_45 = arith.constant 0 : index
    %get3A_46 = arith.constant 0 : index
    %get3A_47 = arith.constant 0 : index
    %get3A_48 = vector.load %arg5[%get3A_44, %get3A_45, %get3A_46, %get3A_47] : memref<3x2x1x512xf32, #tpu.memory_space<vmem>>, vector<1x1x1x512xf32>
    %get3A_49 = vector.shape_cast %get3A_48 : vector<1x1x1x512xf32> to vector<1x512xf32>
    %add3A_50 = vector.broadcast %get3A_49 : vector<1x512xf32> to vector<64x512xf32>
    %add3A_51 = arith.addf %add3A_43, %add3A_50 : vector<64x512xf32>
    %slice3A = vector.extract_strided_slice %add3A_51 {offsets = [0, 0], sizes = [64, 128], strides = [1, 1]} : vector<64x512xf32> to vector<64x128xf32>
    %logistic3A = arith.negf %slice3A : vector<64x128xf32>
    %logistic3A_52 = math.exp %logistic3A : vector<64x128xf32>
    %logistic3A_53 = arith.constant 1.000000e+00 : f32
    %logistic3A_54 = vector.broadcast %logistic3A_53 : f32 to vector<64x128xf32>
    %logistic3A_55 = arith.addf %logistic3A_54, %logistic3A_52 : vector<64x128xf32>
    %logistic3A_56 = arith.divf %logistic3A_54, %logistic3A_55 : vector<64x128xf32>
    %slice3A_57 = vector.extract_strided_slice %add3A_51 {offsets = [0, 128], sizes = [64, 128], strides = [1, 1]} : vector<64x512xf32> to vector<64x128xf32>
    %logistic3A_58 = arith.negf %slice3A_57 : vector<64x128xf32>
    %logistic3A_59 = math.exp %logistic3A_58 : vector<64x128xf32>
    %logistic3A_60 = arith.constant 1.000000e+00 : f32
    %logistic3A_61 = vector.broadcast %logistic3A_60 : f32 to vector<64x128xf32>
    %logistic3A_62 = arith.addf %logistic3A_61, %logistic3A_59 : vector<64x128xf32>
    %logistic3A_63 = arith.divf %logistic3A_61, %logistic3A_62 : vector<64x128xf32>
    %slice3A_64 = vector.extract_strided_slice %add3A_51 {offsets = [0, 256], sizes = [64, 128], strides = [1, 1]} : vector<64x512xf32> to vector<64x128xf32>
    %tanh3A = math.tanh %slice3A_64 : vector<64x128xf32>
    %slice3A_65 = vector.extract_strided_slice %add3A_51 {offsets = [0, 384], sizes = [64, 128], strides = [1, 1]} : vector<64x512xf32> to vector<64x128xf32>
    %logistic3A_66 = arith.negf %slice3A_65 : vector<64x128xf32>
    %logistic3A_67 = math.exp %logistic3A_66 : vector<64x128xf32>
    %logistic3A_68 = arith.constant 1.000000e+00 : f32
    %logistic3A_69 = vector.broadcast %logistic3A_68 : f32 to vector<64x128xf32>
    %logistic3A_70 = arith.addf %logistic3A_69, %logistic3A_67 : vector<64x128xf32>
    %logistic3A_71 = arith.divf %logistic3A_69, %logistic3A_70 : vector<64x128xf32>
    %mul3A = arith.mulf %logistic3A_63, %broadcast_in_dim3A_19 : vector<64x128xf32>
    %mul3A_72 = arith.mulf %logistic3A_56, %tanh3A : vector<64x128xf32>
    %add3A_73 = arith.addf %mul3A, %mul3A_72 : vector<64x128xf32>
    %tanh3A_74 = math.tanh %add3A_73 : vector<64x128xf32>
    %mul3A_75 = arith.mulf %logistic3A_71, %tanh3A_74 : vector<64x128xf32>
    %get3A_76 = arith.constant 0 : index
    %get3A_77 = arith.constant 0 : index
    %get3A_78 = arith.constant 0 : index
    %get3A_79 = arith.constant 0 : index
    %get3A_80 = vector.load %arg2[%get3A_76, %get3A_77, %get3A_78, %get3A_79] : memref<3x2x128x512xf32, #tpu.memory_space<vmem>>, vector<1x1x128x512xf32>
    %get3A_81 = vector.shape_cast %get3A_80 : vector<1x1x128x512xf32> to vector<128x512xf32>
    %dot_general3A_82 = arith.constant dense<0.000000e+00> : vector<64x512xf32>
    %dot_general3A_83 = tpu.matmul %dot_general3A_10, %get3A_81, %dot_general3A_82 {dimension_numbers = #tpu.dot_dimension_numbers<[1], [0], [0], [1], [0, 0, 1, 1], [], []>, transpose_lhs_hint = false} : vector<64x128xf32>, vector<128x512xf32>, vector<64x512xf32> -> vector<64x512xf32>
    %get3A_84 = arith.constant 0 : index
    %get3A_85 = arith.constant 0 : index
    %get3A_86 = arith.constant 0 : index
    %get3A_87 = arith.constant 0 : index
    %get3A_88 = vector.load %arg3[%get3A_84, %get3A_85, %get3A_86, %get3A_87] : memref<3x2x128x512xf32, #tpu.memory_space<vmem>>, vector<1x1x128x512xf32>
    %get3A_89 = vector.shape_cast %get3A_88 : vector<1x1x128x512xf32> to vector<128x512xf32>
    %dot_general3A_90 = arith.constant dense<0.000000e+00> : vector<64x512xf32>
    %dot_general3A_91 = tpu.matmul %mul3A_75, %get3A_89, %dot_general3A_90 {dimension_numbers = #tpu.dot_dimension_numbers<[1], [0], [0], [1], [0, 0, 1, 1], [], []>, transpose_lhs_hint = false} : vector<64x128xf32>, vector<128x512xf32>, vector<64x512xf32> -> vector<64x512xf32>
    %add3A_92 = arith.addf %dot_general3A_83, %dot_general3A_91 : vector<64x512xf32>
    %get3A_93 = arith.constant 0 : index
    %get3A_94 = arith.constant 0 : index
    %get3A_95 = arith.constant 0 : index
    %get3A_96 = arith.constant 0 : index
    %get3A_97 = vector.load %arg4[%get3A_93, %get3A_94, %get3A_95, %get3A_96] : memref<3x2x1x512xf32, #tpu.memory_space<vmem>>, vector<1x1x1x512xf32>
    %get3A_98 = vector.shape_cast %get3A_97 : vector<1x1x1x512xf32> to vector<1x512xf32>
    %add3A_99 = vector.broadcast %get3A_98 : vector<1x512xf32> to vector<64x512xf32>
    %add3A_100 = arith.addf %add3A_92, %add3A_99 : vector<64x512xf32>
    %get3A_101 = arith.constant 0 : index
    %get3A_102 = arith.constant 0 : index
    %get3A_103 = arith.constant 0 : index
    %get3A_104 = arith.constant 0 : index
    %get3A_105 = vector.load %arg5[%get3A_101, %get3A_102, %get3A_103, %get3A_104] : memref<3x2x1x512xf32, #tpu.memory_space<vmem>>, vector<1x1x1x512xf32>
    %get3A_106 = vector.shape_cast %get3A_105 : vector<1x1x1x512xf32> to vector<1x512xf32>
    %add3A_107 = vector.broadcast %get3A_106 : vector<1x512xf32> to vector<64x512xf32>
    %add3A_108 = arith.addf %add3A_100, %add3A_107 : vector<64x512xf32>
    %slice3A_109 = vector.extract_strided_slice %add3A_108 {offsets = [0, 0], sizes = [64, 128], strides = [1, 1]} : vector<64x512xf32> to vector<64x128xf32>
    %logistic3A_110 = arith.negf %slice3A_109 : vector<64x128xf32>
    %logistic3A_111 = math.exp %logistic3A_110 : vector<64x128xf32>
    %logistic3A_112 = arith.constant 1.000000e+00 : f32
    %logistic3A_113 = vector.broadcast %logistic3A_112 : f32 to vector<64x128xf32>
    %logistic3A_114 = arith.addf %logistic3A_113, %logistic3A_111 : vector<64x128xf32>
    %logistic3A_115 = arith.divf %logistic3A_113, %logistic3A_114 : vector<64x128xf32>
    %slice3A_116 = vector.extract_strided_slice %add3A_108 {offsets = [0, 128], sizes = [64, 128], strides = [1, 1]} : vector<64x512xf32> to vector<64x128xf32>
    %logistic3A_117 = arith.negf %slice3A_116 : vector<64x128xf32>
    %logistic3A_118 = math.exp %logistic3A_117 : vector<64x128xf32>
    %logistic3A_119 = arith.constant 1.000000e+00 : f32
    %logistic3A_120 = vector.broadcast %logistic3A_119 : f32 to vector<64x128xf32>
    %logistic3A_121 = arith.addf %logistic3A_120, %logistic3A_118 : vector<64x128xf32>
    %logistic3A_122 = arith.divf %logistic3A_120, %logistic3A_121 : vector<64x128xf32>
    %slice3A_123 = vector.extract_strided_slice %add3A_108 {offsets = [0, 256], sizes = [64, 128], strides = [1, 1]} : vector<64x512xf32> to vector<64x128xf32>
    %tanh3A_124 = math.tanh %slice3A_123 : vector<64x128xf32>
    %slice3A_125 = vector.extract_strided_slice %add3A_108 {offsets = [0, 384], sizes = [64, 128], strides = [1, 1]} : vector<64x512xf32> to vector<64x128xf32>
    %logistic3A_126 = arith.negf %slice3A_125 : vector<64x128xf32>
    %logistic3A_127 = math.exp %logistic3A_126 : vector<64x128xf32>
    %logistic3A_128 = arith.constant 1.000000e+00 : f32
    %logistic3A_129 = vector.broadcast %logistic3A_128 : f32 to vector<64x128xf32>
    %logistic3A_130 = arith.addf %logistic3A_129, %logistic3A_127 : vector<64x128xf32>
    %logistic3A_131 = arith.divf %logistic3A_129, %logistic3A_130 : vector<64x128xf32>
    %mul3A_132 = arith.mulf %logistic3A_122, %add3A_73 : vector<64x128xf32>
    %mul3A_133 = arith.mulf %logistic3A_115, %tanh3A_124 : vector<64x128xf32>
    %add3A_134 = arith.addf %mul3A_132, %mul3A_133 : vector<64x128xf32>
    %tanh3A_135 = math.tanh %add3A_134 : vector<64x128xf32>
    %mul3A_136 = arith.mulf %logistic3A_131, %tanh3A_135 : vector<64x128xf32>
    %broadcast_in_dim3A_137 = arith.constant 0.000000e+00 : f32
    %broadcast_in_dim3A_138 = vector.broadcast %broadcast_in_dim3A_137 : f32 to vector<64x128xf32>
    %broadcast_in_dim3A_139 = arith.constant 0.000000e+00 : f32
    %broadcast_in_dim3A_140 = vector.broadcast %broadcast_in_dim3A_139 : f32 to vector<64x128xf32>
    %get3A_141 = arith.constant 0 : index
    %get3A_142 = arith.constant 1 : index
    %get3A_143 = arith.constant 0 : index
    %get3A_144 = arith.constant 0 : index
    %get3A_145 = vector.load %arg2[%get3A_141, %get3A_142, %get3A_143, %get3A_144] : memref<3x2x128x512xf32, #tpu.memory_space<vmem>>, vector<1x1x128x512xf32>
    %get3A_146 = vector.shape_cast %get3A_145 : vector<1x1x128x512xf32> to vector<128x512xf32>
    %dot_general3A_147 = arith.constant dense<0.000000e+00> : vector<64x512xf32>
    %dot_general3A_148 = tpu.matmul %broadcast_in_dim3A_15, %get3A_146, %dot_general3A_147 {dimension_numbers = #tpu.dot_dimension_numbers<[1], [0], [0], [1], [0, 0, 1, 1], [], []>, transpose_lhs_hint = false} : vector<64x128xf32>, vector<128x512xf32>, vector<64x512xf32> -> vector<64x512xf32>
    %get3A_149 = arith.constant 0 : index
    %get3A_150 = arith.constant 1 : index
    %get3A_151 = arith.constant 0 : index
    %get3A_152 = arith.constant 0 : index
    %get3A_153 = vector.load %arg3[%get3A_149, %get3A_150, %get3A_151, %get3A_152] : memref<3x2x128x512xf32, #tpu.memory_space<vmem>>, vector<1x1x128x512xf32>
    %get3A_154 = vector.shape_cast %get3A_153 : vector<1x1x128x512xf32> to vector<128x512xf32>
    %dot_general3A_155 = arith.constant dense<0.000000e+00> : vector<64x512xf32>
    %dot_general3A_156 = tpu.matmul %broadcast_in_dim3A_138, %get3A_154, %dot_general3A_155 {dimension_numbers = #tpu.dot_dimension_numbers<[1], [0], [0], [1], [0, 0, 1, 1], [], []>, transpose_lhs_hint = false} : vector<64x128xf32>, vector<128x512xf32>, vector<64x512xf32> -> vector<64x512xf32>
    %add3A_157 = arith.addf %dot_general3A_148, %dot_general3A_156 : vector<64x512xf32>
    %get3A_158 = arith.constant 0 : index
    %get3A_159 = arith.constant 1 : index
    %get3A_160 = arith.constant 0 : index
    %get3A_161 = arith.constant 0 : index
    %get3A_162 = vector.load %arg4[%get3A_158, %get3A_159, %get3A_160, %get3A_161] : memref<3x2x1x512xf32, #tpu.memory_space<vmem>>, vector<1x1x1x512xf32>
    %get3A_163 = vector.shape_cast %get3A_162 : vector<1x1x1x512xf32> to vector<1x512xf32>
    %add3A_164 = vector.broadcast %get3A_163 : vector<1x512xf32> to vector<64x512xf32>
    %add3A_165 = arith.addf %add3A_157, %add3A_164 : vector<64x512xf32>
    %get3A_166 = arith.constant 0 : index
    %get3A_167 = arith.constant 1 : index
    %get3A_168 = arith.constant 0 : index
    %get3A_169 = arith.constant 0 : index
    %get3A_170 = vector.load %arg5[%get3A_166, %get3A_167, %get3A_168, %get3A_169] : memref<3x2x1x512xf32, #tpu.memory_space<vmem>>, vector<1x1x1x512xf32>
    %get3A_171 = vector.shape_cast %get3A_170 : vector<1x1x1x512xf32> to vector<1x512xf32>
    %add3A_172 = vector.broadcast %get3A_171 : vector<1x512xf32> to vector<64x512xf32>
    %add3A_173 = arith.addf %add3A_165, %add3A_172 : vector<64x512xf32>
    %slice3A_174 = vector.extract_strided_slice %add3A_173 {offsets = [0, 0], sizes = [64, 128], strides = [1, 1]} : vector<64x512xf32> to vector<64x128xf32>
    %logistic3A_175 = arith.negf %slice3A_174 : vector<64x128xf32>
    %logistic3A_176 = math.exp %logistic3A_175 : vector<64x128xf32>
    %logistic3A_177 = arith.constant 1.000000e+00 : f32
    %logistic3A_178 = vector.broadcast %logistic3A_177 : f32 to vector<64x128xf32>
    %logistic3A_179 = arith.addf %logistic3A_178, %logistic3A_176 : vector<64x128xf32>
    %logistic3A_180 = arith.divf %logistic3A_178, %logistic3A_179 : vector<64x128xf32>
    %slice3A_181 = vector.extract_strided_slice %add3A_173 {offsets = [0, 128], sizes = [64, 128], strides = [1, 1]} : vector<64x512xf32> to vector<64x128xf32>
    %logistic3A_182 = arith.negf %slice3A_181 : vector<64x128xf32>
    %logistic3A_183 = math.exp %logistic3A_182 : vector<64x128xf32>
    %logistic3A_184 = arith.constant 1.000000e+00 : f32
    %logistic3A_185 = vector.broadcast %logistic3A_184 : f32 to vector<64x128xf32>
    %logistic3A_186 = arith.addf %logistic3A_185, %logistic3A_183 : vector<64x128xf32>
    %logistic3A_187 = arith.divf %logistic3A_185, %logistic3A_186 : vector<64x128xf32>
    %slice3A_188 = vector.extract_strided_slice %add3A_173 {offsets = [0, 256], sizes = [64, 128], strides = [1, 1]} : vector<64x512xf32> to vector<64x128xf32>
    %tanh3A_189 = math.tanh %slice3A_188 : vector<64x128xf32>
    %slice3A_190 = vector.extract_strided_slice %add3A_173 {offsets = [0, 384], sizes = [64, 128], strides = [1, 1]} : vector<64x512xf32> to vector<64x128xf32>
    %logistic3A_191 = arith.negf %slice3A_190 : vector<64x128xf32>
    %logistic3A_192 = math.exp %logistic3A_191 : vector<64x128xf32>
    %logistic3A_193 = arith.constant 1.000000e+00 : f32
    %logistic3A_194 = vector.broadcast %logistic3A_193 : f32 to vector<64x128xf32>
    %logistic3A_195 = arith.addf %logistic3A_194, %logistic3A_192 : vector<64x128xf32>
    %logistic3A_196 = arith.divf %logistic3A_194, %logistic3A_195 : vector<64x128xf32>
    %mul3A_197 = arith.mulf %logistic3A_187, %broadcast_in_dim3A_140 : vector<64x128xf32>
    %mul3A_198 = arith.mulf %logistic3A_180, %tanh3A_189 : vector<64x128xf32>
    %add3A_199 = arith.addf %mul3A_197, %mul3A_198 : vector<64x128xf32>
    %tanh3A_200 = math.tanh %add3A_199 : vector<64x128xf32>
    %mul3A_201 = arith.mulf %logistic3A_196, %tanh3A_200 : vector<64x128xf32>
    %get3A_202 = arith.constant 0 : index
    %get3A_203 = arith.constant 1 : index
    %get3A_204 = arith.constant 0 : index
    %get3A_205 = arith.constant 0 : index
    %get3A_206 = vector.load %arg2[%get3A_202, %get3A_203, %get3A_204, %get3A_205] : memref<3x2x128x512xf32, #tpu.memory_space<vmem>>, vector<1x1x128x512xf32>
    %get3A_207 = vector.shape_cast %get3A_206 : vector<1x1x128x512xf32> to vector<128x512xf32>
    %dot_general3A_208 = arith.constant dense<0.000000e+00> : vector<64x512xf32>
    %dot_general3A_209 = tpu.matmul %dot_general3A_10, %get3A_207, %dot_general3A_208 {dimension_numbers = #tpu.dot_dimension_numbers<[1], [0], [0], [1], [0, 0, 1, 1], [], []>, transpose_lhs_hint = false} : vector<64x128xf32>, vector<128x512xf32>, vector<64x512xf32> -> vector<64x512xf32>
    %get3A_210 = arith.constant 0 : index
    %get3A_211 = arith.constant 1 : index
    %get3A_212 = arith.constant 0 : index
    %get3A_213 = arith.constant 0 : index
    %get3A_214 = vector.load %arg3[%get3A_210, %get3A_211, %get3A_212, %get3A_213] : memref<3x2x128x512xf32, #tpu.memory_space<vmem>>, vector<1x1x128x512xf32>
    %get3A_215 = vector.shape_cast %get3A_214 : vector<1x1x128x512xf32> to vector<128x512xf32>
    %dot_general3A_216 = arith.constant dense<0.000000e+00> : vector<64x512xf32>
    %dot_general3A_217 = tpu.matmul %mul3A_201, %get3A_215, %dot_general3A_216 {dimension_numbers = #tpu.dot_dimension_numbers<[1], [0], [0], [1], [0, 0, 1, 1], [], []>, transpose_lhs_hint = false} : vector<64x128xf32>, vector<128x512xf32>, vector<64x512xf32> -> vector<64x512xf32>
    %add3A_218 = arith.addf %dot_general3A_209, %dot_general3A_217 : vector<64x512xf32>
    %get3A_219 = arith.constant 0 : index
    %get3A_220 = arith.constant 1 : index
    %get3A_221 = arith.constant 0 : index
    %get3A_222 = arith.constant 0 : index
    %get3A_223 = vector.load %arg4[%get3A_219, %get3A_220, %get3A_221, %get3A_222] : memref<3x2x1x512xf32, #tpu.memory_space<vmem>>, vector<1x1x1x512xf32>
    %get3A_224 = vector.shape_cast %get3A_223 : vector<1x1x1x512xf32> to vector<1x512xf32>
    %add3A_225 = vector.broadcast %get3A_224 : vector<1x512xf32> to vector<64x512xf32>
    %add3A_226 = arith.addf %add3A_218, %add3A_225 : vector<64x512xf32>
    %get3A_227 = arith.constant 0 : index
    %get3A_228 = arith.constant 1 : index
    %get3A_229 = arith.constant 0 : index
    %get3A_230 = arith.constant 0 : index
    %get3A_231 = vector.load %arg5[%get3A_227, %get3A_228, %get3A_229, %get3A_230] : memref<3x2x1x512xf32, #tpu.memory_space<vmem>>, vector<1x1x1x512xf32>
    %get3A_232 = vector.shape_cast %get3A_231 : vector<1x1x1x512xf32> to vector<1x512xf32>
    %add3A_233 = vector.broadcast %get3A_232 : vector<1x512xf32> to vector<64x512xf32>
    %add3A_234 = arith.addf %add3A_226, %add3A_233 : vector<64x512xf32>
    %slice3A_235 = vector.extract_strided_slice %add3A_234 {offsets = [0, 0], sizes = [64, 128], strides = [1, 1]} : vector<64x512xf32> to vector<64x128xf32>
    %logistic3A_236 = arith.negf %slice3A_235 : vector<64x128xf32>
    %logistic3A_237 = math.exp %logistic3A_236 : vector<64x128xf32>
    %logistic3A_238 = arith.constant 1.000000e+00 : f32
    %logistic3A_239 = vector.broadcast %logistic3A_238 : f32 to vector<64x128xf32>
    %logistic3A_240 = arith.addf %logistic3A_239, %logistic3A_237 : vector<64x128xf32>
    %logistic3A_241 = arith.divf %logistic3A_239, %logistic3A_240 : vector<64x128xf32>
    %slice3A_242 = vector.extract_strided_slice %add3A_234 {offsets = [0, 128], sizes = [64, 128], strides = [1, 1]} : vector<64x512xf32> to vector<64x128xf32>
    %logistic3A_243 = arith.negf %slice3A_242 : vector<64x128xf32>
    %logistic3A_244 = math.exp %logistic3A_243 : vector<64x128xf32>
    %logistic3A_245 = arith.constant 1.000000e+00 : f32
    %logistic3A_246 = vector.broadcast %logistic3A_245 : f32 to vector<64x128xf32>
    %logistic3A_247 = arith.addf %logistic3A_246, %logistic3A_244 : vector<64x128xf32>
    %logistic3A_248 = arith.divf %logistic3A_246, %logistic3A_247 : vector<64x128xf32>
    %slice3A_249 = vector.extract_strided_slice %add3A_234 {offsets = [0, 256], sizes = [64, 128], strides = [1, 1]} : vector<64x512xf32> to vector<64x128xf32>
    %tanh3A_250 = math.tanh %slice3A_249 : vector<64x128xf32>
    %slice3A_251 = vector.extract_strided_slice %add3A_234 {offsets = [0, 384], sizes = [64, 128], strides = [1, 1]} : vector<64x512xf32> to vector<64x128xf32>
    %logistic3A_252 = arith.negf %slice3A_251 : vector<64x128xf32>
    %logistic3A_253 = math.exp %logistic3A_252 : vector<64x128xf32>
    %logistic3A_254 = arith.constant 1.000000e+00 : f32
    %logistic3A_255 = vector.broadcast %logistic3A_254 : f32 to vector<64x128xf32>
    %logistic3A_256 = arith.addf %logistic3A_255, %logistic3A_253 : vector<64x128xf32>
    %logistic3A_257 = arith.divf %logistic3A_255, %logistic3A_256 : vector<64x128xf32>
    %mul3A_258 = arith.mulf %logistic3A_248, %add3A_199 : vector<64x128xf32>
    %mul3A_259 = arith.mulf %logistic3A_241, %tanh3A_250 : vector<64x128xf32>
    %add3A_260 = arith.addf %mul3A_258, %mul3A_259 : vector<64x128xf32>
    %tanh3A_261 = math.tanh %add3A_260 : vector<64x128xf32>
    %mul3A_262 = arith.mulf %logistic3A_257, %tanh3A_261 : vector<64x128xf32>
    %get3A_263 = arith.constant 0 : index
    %get3A_264 = arith.constant 1 : index
    %get3A_265 = arith.constant 0 : index
    %get3A_266 = arith.constant 0 : index
    %get3A_267 = vector.load %arg2[%get3A_263, %get3A_264, %get3A_265, %get3A_266] : memref<3x2x128x512xf32, #tpu.memory_space<vmem>>, vector<1x1x128x512xf32>
    %get3A_268 = vector.shape_cast %get3A_267 : vector<1x1x128x512xf32> to vector<128x512xf32>
    %dot_general3A_269 = arith.constant dense<0.000000e+00> : vector<64x512xf32>
    %dot_general3A_270 = tpu.matmul %dot_general3A_10, %get3A_268, %dot_general3A_269 {dimension_numbers = #tpu.dot_dimension_numbers<[1], [0], [0], [1], [0, 0, 1, 1], [], []>, transpose_lhs_hint = false} : vector<64x128xf32>, vector<128x512xf32>, vector<64x512xf32> -> vector<64x512xf32>
    %get3A_271 = arith.constant 0 : index
    %get3A_272 = arith.constant 1 : index
    %get3A_273 = arith.constant 0 : index
    %get3A_274 = arith.constant 0 : index
    %get3A_275 = vector.load %arg3[%get3A_271, %get3A_272, %get3A_273, %get3A_274] : memref<3x2x128x512xf32, #tpu.memory_space<vmem>>, vector<1x1x128x512xf32>
    %get3A_276 = vector.shape_cast %get3A_275 : vector<1x1x128x512xf32> to vector<128x512xf32>
    %dot_general3A_277 = arith.constant dense<0.000000e+00> : vector<64x512xf32>
    %dot_general3A_278 = tpu.matmul %mul3A_262, %get3A_276, %dot_general3A_277 {dimension_numbers = #tpu.dot_dimension_numbers<[1], [0], [0], [1], [0, 0, 1, 1], [], []>, transpose_lhs_hint = false} : vector<64x128xf32>, vector<128x512xf32>, vector<64x512xf32> -> vector<64x512xf32>
    %add3A_279 = arith.addf %dot_general3A_270, %dot_general3A_278 : vector<64x512xf32>
    %get3A_280 = arith.constant 0 : index
    %get3A_281 = arith.constant 1 : index
    %get3A_282 = arith.constant 0 : index
    %get3A_283 = arith.constant 0 : index
    %get3A_284 = vector.load %arg4[%get3A_280, %get3A_281, %get3A_282, %get3A_283] : memref<3x2x1x512xf32, #tpu.memory_space<vmem>>, vector<1x1x1x512xf32>
    %get3A_285 = vector.shape_cast %get3A_284 : vector<1x1x1x512xf32> to vector<1x512xf32>
    %add3A_286 = vector.broadcast %get3A_285 : vector<1x512xf32> to vector<64x512xf32>
    %add3A_287 = arith.addf %add3A_279, %add3A_286 : vector<64x512xf32>
    %get3A_288 = arith.constant 0 : index
    %get3A_289 = arith.constant 1 : index
    %get3A_290 = arith.constant 0 : index
    %get3A_291 = arith.constant 0 : index
    %get3A_292 = vector.load %arg5[%get3A_288, %get3A_289, %get3A_290, %get3A_291] : memref<3x2x1x512xf32, #tpu.memory_space<vmem>>, vector<1x1x1x512xf32>
    %get3A_293 = vector.shape_cast %get3A_292 : vector<1x1x1x512xf32> to vector<1x512xf32>
    %add3A_294 = vector.broadcast %get3A_293 : vector<1x512xf32> to vector<64x512xf32>
    %add3A_295 = arith.addf %add3A_287, %add3A_294 : vector<64x512xf32>
    %slice3A_296 = vector.extract_strided_slice %add3A_295 {offsets = [0, 0], sizes = [64, 128], strides = [1, 1]} : vector<64x512xf32> to vector<64x128xf32>
    %logistic3A_297 = arith.negf %slice3A_296 : vector<64x128xf32>
    %logistic3A_298 = math.exp %logistic3A_297 : vector<64x128xf32>
    %logistic3A_299 = arith.constant 1.000000e+00 : f32
    %logistic3A_300 = vector.broadcast %logistic3A_299 : f32 to vector<64x128xf32>
    %logistic3A_301 = arith.addf %logistic3A_300, %logistic3A_298 : vector<64x128xf32>
    %logistic3A_302 = arith.divf %logistic3A_300, %logistic3A_301 : vector<64x128xf32>
    %slice3A_303 = vector.extract_strided_slice %add3A_295 {offsets = [0, 128], sizes = [64, 128], strides = [1, 1]} : vector<64x512xf32> to vector<64x128xf32>
    %logistic3A_304 = arith.negf %slice3A_303 : vector<64x128xf32>
    %logistic3A_305 = math.exp %logistic3A_304 : vector<64x128xf32>
    %logistic3A_306 = arith.constant 1.000000e+00 : f32
    %logistic3A_307 = vector.broadcast %logistic3A_306 : f32 to vector<64x128xf32>
    %logistic3A_308 = arith.addf %logistic3A_307, %logistic3A_305 : vector<64x128xf32>
    %logistic3A_309 = arith.divf %logistic3A_307, %logistic3A_308 : vector<64x128xf32>
    %slice3A_310 = vector.extract_strided_slice %add3A_295 {offsets = [0, 256], sizes = [64, 128], strides = [1, 1]} : vector<64x512xf32> to vector<64x128xf32>
    %tanh3A_311 = math.tanh %slice3A_310 : vector<64x128xf32>
    %slice3A_312 = vector.extract_strided_slice %add3A_295 {offsets = [0, 384], sizes = [64, 128], strides = [1, 1]} : vector<64x512xf32> to vector<64x128xf32>
    %logistic3A_313 = arith.negf %slice3A_312 : vector<64x128xf32>
    %logistic3A_314 = math.exp %logistic3A_313 : vector<64x128xf32>
    %logistic3A_315 = arith.constant 1.000000e+00 : f32
    %logistic3A_316 = vector.broadcast %logistic3A_315 : f32 to vector<64x128xf32>
    %logistic3A_317 = arith.addf %logistic3A_316, %logistic3A_314 : vector<64x128xf32>
    %logistic3A_318 = arith.divf %logistic3A_316, %logistic3A_317 : vector<64x128xf32>
    %mul3A_319 = arith.mulf %logistic3A_309, %add3A_260 : vector<64x128xf32>
    %mul3A_320 = arith.mulf %logistic3A_302, %tanh3A_311 : vector<64x128xf32>
    %add3A_321 = arith.addf %mul3A_319, %mul3A_320 : vector<64x128xf32>
    %tanh3A_322 = math.tanh %add3A_321 : vector<64x128xf32>
    %mul3A_323 = arith.mulf %logistic3A_318, %tanh3A_322 : vector<64x128xf32>
    %concatenate3A = tpu.concatenate %mul3A_75, %mul3A_323 in 1 : vector<64x128xf32>, vector<64x128xf32> -> vector<64x256xf32>
    %get3A_324 = arith.constant 0 : index
    %get3A_325 = arith.constant 0 : index
    %get3A_326 = vector.load %arg6[%get3A_324, %get3A_325] : memref<256x5xf32, #tpu.memory_space<vmem>>, vector<256x5xf32>
    %dot_general3A_327 = arith.constant dense<0.000000e+00> : vector<64x5xf32>
    %dot_general3A_328 = tpu.matmul %concatenate3A, %get3A_326, %dot_general3A_327 {dimension_numbers = #tpu.dot_dimension_numbers<[1], [0], [0], [1], [0, 0, 1, 1], [], []>, transpose_lhs_hint = false} : vector<64x256xf32>, vector<256x5xf32>, vector<64x5xf32> -> vector<64x5xf32>
    %get3A_329 = arith.constant 0 : index
    %get3A_330 = arith.constant 0 : index
    %get3A_331 = vector.load %arg7[%get3A_329, %get3A_330] : memref<1x5xf32, #tpu.memory_space<vmem>>, vector<1x5xf32>
    %get3A_332 = vector.shape_cast %get3A_331 : vector<1x5xf32> to vector<5xf32>
    %broadcast_in_dim3A_333 = vector.shape_cast %get3A_332 : vector<5xf32> to vector<1x5xf32>
    %add3A_334 = vector.broadcast %broadcast_in_dim3A_333 : vector<1x5xf32> to vector<64x5xf32>
    %add3A_335 = arith.addf %dot_general3A_328, %add3A_334 : vector<64x5xf32>
    %reduce_max3A = arith.constant dense<0xFF800000> : vector<64xf32>
    %reduce_max3A_336 = vector.multi_reduction <maximumf>, %add3A_335, %reduce_max3A [1] : vector<64x5xf32> to vector<64xf32>
    %broadcast_in_dim3A_337 = vector.shape_cast %reduce_max3A_336 : vector<64xf32> to vector<64x1xf32>
    %sub3A = vector.broadcast %broadcast_in_dim3A_337 : vector<64x1xf32> to vector<64x5xf32>
    %sub3A_338 = arith.subf %add3A_335, %sub3A : vector<64x5xf32>
    %exp3A = math.exp %sub3A_338 : vector<64x5xf32>
    %reduce_sum3A = arith.constant dense<0.000000e+00> : vector<64xf32>
    %reduce_sum3A_339 = vector.multi_reduction <add>, %exp3A, %reduce_sum3A [1] : vector<64x5xf32> to vector<64xf32>
    %broadcast_in_dim3A_340 = vector.shape_cast %reduce_sum3A_339 : vector<64xf32> to vector<64x1xf32>
    %div3A = vector.broadcast %broadcast_in_dim3A_340 : vector<64x1xf32> to vector<64x5xf32>
    %div3A_341 = arith.divf %exp3A, %div3A : vector<64x5xf32>
    %swap3A = arith.constant 0 : index
    %swap3A_342 = arith.constant 0 : index
    %swap3A_343 = arith.constant 0 : index
    %swap3A_344 = arith.constant 0 : index
    %swap3A_345 = vector.load %arg8[%swap3A, %swap3A_342, %swap3A_343, %swap3A_344] : memref<3x2x64x5xf32, #tpu.memory_space<vmem>>, vector<1x1x64x5xf32>
    %swap3A_346 = vector.shape_cast %swap3A_345 : vector<1x1x64x5xf32> to vector<64x5xf32>
    %swap3A_347 = vector.shape_cast %div3A_341 : vector<64x5xf32> to vector<1x1x64x5xf32>
    tpu.vector_store %arg8[%swap3A, %swap3A_342, %swap3A_343, %swap3A_344], %swap3A_347 {strides = array<i32>} : memref<3x2x64x5xf32, #tpu.memory_space<vmem>>, vector<1x1x64x5xf32>,
    %concatenate3A_348 = tpu.concatenate %mul3A_136, %mul3A_262 in 1 : vector<64x128xf32>, vector<64x128xf32> -> vector<64x256xf32>
    %get3A_349 = arith.constant 0 : index
    %get3A_350 = arith.constant 0 : index
    %get3A_351 = vector.load %arg6[%get3A_349, %get3A_350] : memref<256x5xf32, #tpu.memory_space<vmem>>, vector<256x5xf32>
    %dot_general3A_352 = arith.constant dense<0.000000e+00> : vector<64x5xf32>
    %dot_general3A_353 = tpu.matmul %concatenate3A_348, %get3A_351, %dot_general3A_352 {dimension_numbers = #tpu.dot_dimension_numbers<[1], [0], [0], [1], [0, 0, 1, 1], [], []>, transpose_lhs_hint = false} : vector<64x256xf32>, vector<256x5xf32>, vector<64x5xf32> -> vector<64x5xf32>
    %get3A_354 = arith.constant 0 : index
    %get3A_355 = arith.constant 0 : index
    %get3A_356 = vector.load %arg7[%get3A_354, %get3A_355] : memref<1x5xf32, #tpu.memory_space<vmem>>, vector<1x5xf32>
    %get3A_357 = vector.shape_cast %get3A_356 : vector<1x5xf32> to vector<5xf32>
    %broadcast_in_dim3A_358 = vector.shape_cast %get3A_357 : vector<5xf32> to vector<1x5xf32>
    %add3A_359 = vector.broadcast %broadcast_in_dim3A_358 : vector<1x5xf32> to vector<64x5xf32>
    %add3A_360 = arith.addf %dot_general3A_353, %add3A_359 : vector<64x5xf32>
    %reduce_max3A_361 = arith.constant dense<0xFF800000> : vector<64xf32>
    %reduce_max3A_362 = vector.multi_reduction <maximumf>, %add3A_360, %reduce_max3A_361 [1] : vector<64x5xf32> to vector<64xf32>
    %broadcast_in_dim3A_363 = vector.shape_cast %reduce_max3A_362 : vector<64xf32> to vector<64x1xf32>
    %sub3A_364 = vector.broadcast %broadcast_in_dim3A_363 : vector<64x1xf32> to vector<64x5xf32>
    %sub3A_365 = arith.subf %add3A_360, %sub3A_364 : vector<64x5xf32>
    %exp3A_366 = math.exp %sub3A_365 : vector<64x5xf32>
    %reduce_sum3A_367 = arith.constant dense<0.000000e+00> : vector<64xf32>
    %reduce_sum3A_368 = vector.multi_reduction <add>, %exp3A_366, %reduce_sum3A_367 [1] : vector<64x5xf32> to vector<64xf32>
    %broadcast_in_dim3A_369 = vector.shape_cast %reduce_sum3A_368 : vector<64xf32> to vector<64x1xf32>
    %div3A_370 = vector.broadcast %broadcast_in_dim3A_369 : vector<64x1xf32> to vector<64x5xf32>
    %div3A_371 = arith.divf %exp3A_366, %div3A_370 : vector<64x5xf32>
    %swap3A_372 = arith.constant 0 : index
    %swap3A_373 = arith.constant 1 : index
    %swap3A_374 = arith.constant 0 : index
    %swap3A_375 = arith.constant 0 : index
    %swap3A_376 = vector.load %arg8[%swap3A_372, %swap3A_373, %swap3A_374, %swap3A_375] : memref<3x2x64x5xf32, #tpu.memory_space<vmem>>, vector<1x1x64x5xf32>
    %swap3A_377 = vector.shape_cast %swap3A_376 : vector<1x1x64x5xf32> to vector<64x5xf32>
    %swap3A_378 = vector.shape_cast %div3A_371 : vector<64x5xf32> to vector<1x1x64x5xf32>
    tpu.vector_store %arg8[%swap3A_372, %swap3A_373, %swap3A_374, %swap3A_375], %swap3A_378 {strides = array<i32>} : memref<3x2x64x5xf32, #tpu.memory_space<vmem>>, vector<1x1x64x5xf32>,
    %broadcast_in_dim3A_379 = arith.constant 0.000000e+00 : f32
    %broadcast_in_dim3A_380 = vector.broadcast %broadcast_in_dim3A_379 : f32 to vector<64x128xf32>
    %broadcast_in_dim3A_381 = arith.constant 0.000000e+00 : f32
    %broadcast_in_dim3A_382 = vector.broadcast %broadcast_in_dim3A_381 : f32 to vector<64x128xf32>
    %get3A_383 = arith.constant 1 : index
    %get3A_384 = arith.constant 0 : index
    %get3A_385 = arith.constant 0 : index
    %get3A_386 = arith.constant 0 : index
    %get3A_387 = vector.load %arg2[%get3A_383, %get3A_384, %get3A_385, %get3A_386] : memref<3x2x128x512xf32, #tpu.memory_space<vmem>>, vector<1x1x128x512xf32>
    %get3A_388 = vector.shape_cast %get3A_387 : vector<1x1x128x512xf32> to vector<128x512xf32>
    %dot_general3A_389 = arith.constant dense<0.000000e+00> : vector<64x512xf32>
    %dot_general3A_390 = tpu.matmul %dot_general3A_10, %get3A_388, %dot_general3A_389 {dimension_numbers = #tpu.dot_dimension_numbers<[1], [0], [0], [1], [0, 0, 1, 1], [], []>, transpose_lhs_hint = false} : vector<64x128xf32>, vector<128x512xf32>, vector<64x512xf32> -> vector<64x512xf32>
    %get3A_391 = arith.constant 1 : index
    %get3A_392 = arith.constant 0 : index
    %get3A_393 = arith.constant 0 : index
    %get3A_394 = arith.constant 0 : index
    %get3A_395 = vector.load %arg3[%get3A_391, %get3A_392, %get3A_393, %get3A_394] : memref<3x2x128x512xf32, #tpu.memory_space<vmem>>, vector<1x1x128x512xf32>
    %get3A_396 = vector.shape_cast %get3A_395 : vector<1x1x128x512xf32> to vector<128x512xf32>
    %dot_general3A_397 = arith.constant dense<0.000000e+00> : vector<64x512xf32>
    %dot_general3A_398 = tpu.matmul %broadcast_in_dim3A_380, %get3A_396, %dot_general3A_397 {dimension_numbers = #tpu.dot_dimension_numbers<[1], [0], [0], [1], [0, 0, 1, 1], [], []>, transpose_lhs_hint = false} : vector<64x128xf32>, vector<128x512xf32>, vector<64x512xf32> -> vector<64x512xf32>
    %add3A_399 = arith.addf %dot_general3A_390, %dot_general3A_398 : vector<64x512xf32>
    %get3A_400 = arith.constant 1 : index
    %get3A_401 = arith.constant 0 : index
    %get3A_402 = arith.constant 0 : index
    %get3A_403 = arith.constant 0 : index
    %get3A_404 = vector.load %arg4[%get3A_400, %get3A_401, %get3A_402, %get3A_403] : memref<3x2x1x512xf32, #tpu.memory_space<vmem>>, vector<1x1x1x512xf32>
    %get3A_405 = vector.shape_cast %get3A_404 : vector<1x1x1x512xf32> to vector<1x512xf32>
    %add3A_406 = vector.broadcast %get3A_405 : vector<1x512xf32> to vector<64x512xf32>
    %add3A_407 = arith.addf %add3A_399, %add3A_406 : vector<64x512xf32>
    %get3A_408 = arith.constant 1 : index
    %get3A_409 = arith.constant 0 : index
    %get3A_410 = arith.constant 0 : index
    %get3A_411 = arith.constant 0 : index
    %get3A_412 = vector.load %arg5[%get3A_408, %get3A_409, %get3A_410, %get3A_411] : memref<3x2x1x512xf32, #tpu.memory_space<vmem>>, vector<1x1x1x512xf32>
    %get3A_413 = vector.shape_cast %get3A_412 : vector<1x1x1x512xf32> to vector<1x512xf32>
    %add3A_414 = vector.broadcast %get3A_413 : vector<1x512xf32> to vector<64x512xf32>
    %add3A_415 = arith.addf %add3A_407, %add3A_414 : vector<64x512xf32>
    %slice3A_416 = vector.extract_strided_slice %add3A_415 {offsets = [0, 0], sizes = [64, 128], strides = [1, 1]} : vector<64x512xf32> to vector<64x128xf32>
    %logistic3A_417 = arith.negf %slice3A_416 : vector<64x128xf32>
    %logistic3A_418 = math.exp %logistic3A_417 : vector<64x128xf32>
    %logistic3A_419 = arith.constant 1.000000e+00 : f32
    %logistic3A_420 = vector.broadcast %logistic3A_419 : f32 to vector<64x128xf32>
    %logistic3A_421 = arith.addf %logistic3A_420, %logistic3A_418 : vector<64x128xf32>
    %logistic3A_422 = arith.divf %logistic3A_420, %logistic3A_421 : vector<64x128xf32>
    %slice3A_423 = vector.extract_strided_slice %add3A_415 {offsets = [0, 128], sizes = [64, 128], strides = [1, 1]} : vector<64x512xf32> to vector<64x128xf32>
    %logistic3A_424 = arith.negf %slice3A_423 : vector<64x128xf32>
    %logistic3A_425 = math.exp %logistic3A_424 : vector<64x128xf32>
    %logistic3A_426 = arith.constant 1.000000e+00 : f32
    %logistic3A_427 = vector.broadcast %logistic3A_426 : f32 to vector<64x128xf32>
    %logistic3A_428 = arith.addf %logistic3A_427, %logistic3A_425 : vector<64x128xf32>
    %logistic3A_429 = arith.divf %logistic3A_427, %logistic3A_428 : vector<64x128xf32>
    %slice3A_430 = vector.extract_strided_slice %add3A_415 {offsets = [0, 256], sizes = [64, 128], strides = [1, 1]} : vector<64x512xf32> to vector<64x128xf32>
    %tanh3A_431 = math.tanh %slice3A_430 : vector<64x128xf32>
    %slice3A_432 = vector.extract_strided_slice %add3A_415 {offsets = [0, 384], sizes = [64, 128], strides = [1, 1]} : vector<64x512xf32> to vector<64x128xf32>
    %logistic3A_433 = arith.negf %slice3A_432 : vector<64x128xf32>
    %logistic3A_434 = math.exp %logistic3A_433 : vector<64x128xf32>
    %logistic3A_435 = arith.constant 1.000000e+00 : f32
    %logistic3A_436 = vector.broadcast %logistic3A_435 : f32 to vector<64x128xf32>
    %logistic3A_437 = arith.addf %logistic3A_436, %logistic3A_434 : vector<64x128xf32>
    %logistic3A_438 = arith.divf %logistic3A_436, %logistic3A_437 : vector<64x128xf32>
    %mul3A_439 = arith.mulf %logistic3A_429, %broadcast_in_dim3A_382 : vector<64x128xf32>
    %mul3A_440 = arith.mulf %logistic3A_422, %tanh3A_431 : vector<64x128xf32>
    %add3A_441 = arith.addf %mul3A_439, %mul3A_440 : vector<64x128xf32>
    %tanh3A_442 = math.tanh %add3A_441 : vector<64x128xf32>
    %mul3A_443 = arith.mulf %logistic3A_438, %tanh3A_442 : vector<64x128xf32>
    %get3A_444 = arith.constant 1 : index
    %get3A_445 = arith.constant 0 : index
    %get3A_446 = arith.constant 0 : index
    %get3A_447 = arith.constant 0 : index
    %get3A_448 = vector.load %arg2[%get3A_444, %get3A_445, %get3A_446, %get3A_447] : memref<3x2x128x512xf32, #tpu.memory_space<vmem>>, vector<1x1x128x512xf32>
    %get3A_449 = vector.shape_cast %get3A_448 : vector<1x1x128x512xf32> to vector<128x512xf32>
    %dot_general3A_450 = arith.constant dense<0.000000e+00> : vector<64x512xf32>
    %dot_general3A_451 = tpu.matmul %dot_general3A_10, %get3A_449, %dot_general3A_450 {dimension_numbers = #tpu.dot_dimension_numbers<[1], [0], [0], [1], [0, 0, 1, 1], [], []>, transpose_lhs_hint = false} : vector<64x128xf32>, vector<128x512xf32>, vector<64x512xf32> -> vector<64x512xf32>
    %get3A_452 = arith.constant 1 : index
    %get3A_453 = arith.constant 0 : index
    %get3A_454 = arith.constant 0 : index
    %get3A_455 = arith.constant 0 : index
    %get3A_456 = vector.load %arg3[%get3A_452, %get3A_453, %get3A_454, %get3A_455] : memref<3x2x128x512xf32, #tpu.memory_space<vmem>>, vector<1x1x128x512xf32>
    %get3A_457 = vector.shape_cast %get3A_456 : vector<1x1x128x512xf32> to vector<128x512xf32>
    %dot_general3A_458 = arith.constant dense<0.000000e+00> : vector<64x512xf32>
    %dot_general3A_459 = tpu.matmul %mul3A_443, %get3A_457, %dot_general3A_458 {dimension_numbers = #tpu.dot_dimension_numbers<[1], [0], [0], [1], [0, 0, 1, 1], [], []>, transpose_lhs_hint = false} : vector<64x128xf32>, vector<128x512xf32>, vector<64x512xf32> -> vector<64x512xf32>
    %add3A_460 = arith.addf %dot_general3A_451, %dot_general3A_459 : vector<64x512xf32>
    %get3A_461 = arith.constant 1 : index
    %get3A_462 = arith.constant 0 : index
    %get3A_463 = arith.constant 0 : index
    %get3A_464 = arith.constant 0 : index
    %get3A_465 = vector.load %arg4[%get3A_461, %get3A_462, %get3A_463, %get3A_464] : memref<3x2x1x512xf32, #tpu.memory_space<vmem>>, vector<1x1x1x512xf32>
    %get3A_466 = vector.shape_cast %get3A_465 : vector<1x1x1x512xf32> to vector<1x512xf32>
    %add3A_467 = vector.broadcast %get3A_466 : vector<1x512xf32> to vector<64x512xf32>
    %add3A_468 = arith.addf %add3A_460, %add3A_467 : vector<64x512xf32>
    %get3A_469 = arith.constant 1 : index
    %get3A_470 = arith.constant 0 : index
    %get3A_471 = arith.constant 0 : index
    %get3A_472 = arith.constant 0 : index
    %get3A_473 = vector.load %arg5[%get3A_469, %get3A_470, %get3A_471, %get3A_472] : memref<3x2x1x512xf32, #tpu.memory_space<vmem>>, vector<1x1x1x512xf32>
    %get3A_474 = vector.shape_cast %get3A_473 : vector<1x1x1x512xf32> to vector<1x512xf32>
    %add3A_475 = vector.broadcast %get3A_474 : vector<1x512xf32> to vector<64x512xf32>
    %add3A_476 = arith.addf %add3A_468, %add3A_475 : vector<64x512xf32>
    %slice3A_477 = vector.extract_strided_slice %add3A_476 {offsets = [0, 0], sizes = [64, 128], strides = [1, 1]} : vector<64x512xf32> to vector<64x128xf32>
    %logistic3A_478 = arith.negf %slice3A_477 : vector<64x128xf32>
    %logistic3A_479 = math.exp %logistic3A_478 : vector<64x128xf32>
    %logistic3A_480 = arith.constant 1.000000e+00 : f32
    %logistic3A_481 = vector.broadcast %logistic3A_480 : f32 to vector<64x128xf32>
    %logistic3A_482 = arith.addf %logistic3A_481, %logistic3A_479 : vector<64x128xf32>
    %logistic3A_483 = arith.divf %logistic3A_481, %logistic3A_482 : vector<64x128xf32>
    %slice3A_484 = vector.extract_strided_slice %add3A_476 {offsets = [0, 128], sizes = [64, 128], strides = [1, 1]} : vector<64x512xf32> to vector<64x128xf32>
    %logistic3A_485 = arith.negf %slice3A_484 : vector<64x128xf32>
    %logistic3A_486 = math.exp %logistic3A_485 : vector<64x128xf32>
    %logistic3A_487 = arith.constant 1.000000e+00 : f32
    %logistic3A_488 = vector.broadcast %logistic3A_487 : f32 to vector<64x128xf32>
    %logistic3A_489 = arith.addf %logistic3A_488, %logistic3A_486 : vector<64x128xf32>
    %logistic3A_490 = arith.divf %logistic3A_488, %logistic3A_489 : vector<64x128xf32>
    %slice3A_491 = vector.extract_strided_slice %add3A_476 {offsets = [0, 256], sizes = [64, 128], strides = [1, 1]} : vector<64x512xf32> to vector<64x128xf32>
    %tanh3A_492 = math.tanh %slice3A_491 : vector<64x128xf32>
    %slice3A_493 = vector.extract_strided_slice %add3A_476 {offsets = [0, 384], sizes = [64, 128], strides = [1, 1]} : vector<64x512xf32> to vector<64x128xf32>
    %logistic3A_494 = arith.negf %slice3A_493 : vector<64x128xf32>
    %logistic3A_495 = math.exp %logistic3A_494 : vector<64x128xf32>
    %logistic3A_496 = arith.constant 1.000000e+00 : f32
    %logistic3A_497 = vector.broadcast %logistic3A_496 : f32 to vector<64x128xf32>
    %logistic3A_498 = arith.addf %logistic3A_497, %logistic3A_495 : vector<64x128xf32>
    %logistic3A_499 = arith.divf %logistic3A_497, %logistic3A_498 : vector<64x128xf32>
    %mul3A_500 = arith.mulf %logistic3A_490, %add3A_441 : vector<64x128xf32>
    %mul3A_501 = arith.mulf %logistic3A_483, %tanh3A_492 : vector<64x128xf32>
    %add3A_502 = arith.addf %mul3A_500, %mul3A_501 : vector<64x128xf32>
    %tanh3A_503 = math.tanh %add3A_502 : vector<64x128xf32>
    %mul3A_504 = arith.mulf %logistic3A_499, %tanh3A_503 : vector<64x128xf32>
    %broadcast_in_dim3A_505 = arith.constant 0.000000e+00 : f32
    %broadcast_in_dim3A_506 = vector.broadcast %broadcast_in_dim3A_505 : f32 to vector<64x128xf32>
    %broadcast_in_dim3A_507 = arith.constant 0.000000e+00 : f32
    %broadcast_in_dim3A_508 = vector.broadcast %broadcast_in_dim3A_507 : f32 to vector<64x128xf32>
    %get3A_509 = arith.constant 1 : index
    %get3A_510 = arith.constant 1 : index
    %get3A_511 = arith.constant 0 : index
    %get3A_512 = arith.constant 0 : index
    %get3A_513 = vector.load %arg2[%get3A_509, %get3A_510, %get3A_511, %get3A_512] : memref<3x2x128x512xf32, #tpu.memory_space<vmem>>, vector<1x1x128x512xf32>
    %get3A_514 = vector.shape_cast %get3A_513 : vector<1x1x128x512xf32> to vector<128x512xf32>
    %dot_general3A_515 = arith.constant dense<0.000000e+00> : vector<64x512xf32>
    %dot_general3A_516 = tpu.matmul %broadcast_in_dim3A_15, %get3A_514, %dot_general3A_515 {dimension_numbers = #tpu.dot_dimension_numbers<[1], [0], [0], [1], [0, 0, 1, 1], [], []>, transpose_lhs_hint = false} : vector<64x128xf32>, vector<128x512xf32>, vector<64x512xf32> -> vector<64x512xf32>
    %get3A_517 = arith.constant 1 : index
    %get3A_518 = arith.constant 1 : index
    %get3A_519 = arith.constant 0 : index
    %get3A_520 = arith.constant 0 : index
    %get3A_521 = vector.load %arg3[%get3A_517, %get3A_518, %get3A_519, %get3A_520] : memref<3x2x128x512xf32, #tpu.memory_space<vmem>>, vector<1x1x128x512xf32>
    %get3A_522 = vector.shape_cast %get3A_521 : vector<1x1x128x512xf32> to vector<128x512xf32>
    %dot_general3A_523 = arith.constant dense<0.000000e+00> : vector<64x512xf32>
    %dot_general3A_524 = tpu.matmul %broadcast_in_dim3A_506, %get3A_522, %dot_general3A_523 {dimension_numbers = #tpu.dot_dimension_numbers<[1], [0], [0], [1], [0, 0, 1, 1], [], []>, transpose_lhs_hint = false} : vector<64x128xf32>, vector<128x512xf32>, vector<64x512xf32> -> vector<64x512xf32>
    %add3A_525 = arith.addf %dot_general3A_516, %dot_general3A_524 : vector<64x512xf32>
    %get3A_526 = arith.constant 1 : index
    %get3A_527 = arith.constant 1 : index
    %get3A_528 = arith.constant 0 : index
    %get3A_529 = arith.constant 0 : index
    %get3A_530 = vector.load %arg4[%get3A_526, %get3A_527, %get3A_528, %get3A_529] : memref<3x2x1x512xf32, #tpu.memory_space<vmem>>, vector<1x1x1x512xf32>
    %get3A_531 = vector.shape_cast %get3A_530 : vector<1x1x1x512xf32> to vector<1x512xf32>
    %add3A_532 = vector.broadcast %get3A_531 : vector<1x512xf32> to vector<64x512xf32>
    %add3A_533 = arith.addf %add3A_525, %add3A_532 : vector<64x512xf32>
    %get3A_534 = arith.constant 1 : index
    %get3A_535 = arith.constant 1 : index
    %get3A_536 = arith.constant 0 : index
    %get3A_537 = arith.constant 0 : index
    %get3A_538 = vector.load %arg5[%get3A_534, %get3A_535, %get3A_536, %get3A_537] : memref<3x2x1x512xf32, #tpu.memory_space<vmem>>, vector<1x1x1x512xf32>
    %get3A_539 = vector.shape_cast %get3A_538 : vector<1x1x1x512xf32> to vector<1x512xf32>
    %add3A_540 = vector.broadcast %get3A_539 : vector<1x512xf32> to vector<64x512xf32>
    %add3A_541 = arith.addf %add3A_533, %add3A_540 : vector<64x512xf32>
    %slice3A_542 = vector.extract_strided_slice %add3A_541 {offsets = [0, 0], sizes = [64, 128], strides = [1, 1]} : vector<64x512xf32> to vector<64x128xf32>
    %logistic3A_543 = arith.negf %slice3A_542 : vector<64x128xf32>
    %logistic3A_544 = math.exp %logistic3A_543 : vector<64x128xf32>
    %logistic3A_545 = arith.constant 1.000000e+00 : f32
    %logistic3A_546 = vector.broadcast %logistic3A_545 : f32 to vector<64x128xf32>
    %logistic3A_547 = arith.addf %logistic3A_546, %logistic3A_544 : vector<64x128xf32>
    %logistic3A_548 = arith.divf %logistic3A_546, %logistic3A_547 : vector<64x128xf32>
    %slice3A_549 = vector.extract_strided_slice %add3A_541 {offsets = [0, 128], sizes = [64, 128], strides = [1, 1]} : vector<64x512xf32> to vector<64x128xf32>
    %logistic3A_550 = arith.negf %slice3A_549 : vector<64x128xf32>
    %logistic3A_551 = math.exp %logistic3A_550 : vector<64x128xf32>
    %logistic3A_552 = arith.constant 1.000000e+00 : f32
    %logistic3A_553 = vector.broadcast %logistic3A_552 : f32 to vector<64x128xf32>
    %logistic3A_554 = arith.addf %logistic3A_553, %logistic3A_551 : vector<64x128xf32>
    %logistic3A_555 = arith.divf %logistic3A_553, %logistic3A_554 : vector<64x128xf32>
    %slice3A_556 = vector.extract_strided_slice %add3A_541 {offsets = [0, 256], sizes = [64, 128], strides = [1, 1]} : vector<64x512xf32> to vector<64x128xf32>
    %tanh3A_557 = math.tanh %slice3A_556 : vector<64x128xf32>
    %slice3A_558 = vector.extract_strided_slice %add3A_541 {offsets = [0, 384], sizes = [64, 128], strides = [1, 1]} : vector<64x512xf32> to vector<64x128xf32>
    %logistic3A_559 = arith.negf %slice3A_558 : vector<64x128xf32>
    %logistic3A_560 = math.exp %logistic3A_559 : vector<64x128xf32>
    %logistic3A_561 = arith.constant 1.000000e+00 : f32
    %logistic3A_562 = vector.broadcast %logistic3A_561 : f32 to vector<64x128xf32>
    %logistic3A_563 = arith.addf %logistic3A_562, %logistic3A_560 : vector<64x128xf32>
    %logistic3A_564 = arith.divf %logistic3A_562, %logistic3A_563 : vector<64x128xf32>
    %mul3A_565 = arith.mulf %logistic3A_555, %broadcast_in_dim3A_508 : vector<64x128xf32>
    %mul3A_566 = arith.mulf %logistic3A_548, %tanh3A_557 : vector<64x128xf32>
    %add3A_567 = arith.addf %mul3A_565, %mul3A_566 : vector<64x128xf32>
    %tanh3A_568 = math.tanh %add3A_567 : vector<64x128xf32>
    %mul3A_569 = arith.mulf %logistic3A_564, %tanh3A_568 : vector<64x128xf32>
    %get3A_570 = arith.constant 1 : index
    %get3A_571 = arith.constant 1 : index
    %get3A_572 = arith.constant 0 : index
    %get3A_573 = arith.constant 0 : index
    %get3A_574 = vector.load %arg2[%get3A_570, %get3A_571, %get3A_572, %get3A_573] : memref<3x2x128x512xf32, #tpu.memory_space<vmem>>, vector<1x1x128x512xf32>
    %get3A_575 = vector.shape_cast %get3A_574 : vector<1x1x128x512xf32> to vector<128x512xf32>
    %dot_general3A_576 = arith.constant dense<0.000000e+00> : vector<64x512xf32>
    %dot_general3A_577 = tpu.matmul %dot_general3A_10, %get3A_575, %dot_general3A_576 {dimension_numbers = #tpu.dot_dimension_numbers<[1], [0], [0], [1], [0, 0, 1, 1], [], []>, transpose_lhs_hint = false} : vector<64x128xf32>, vector<128x512xf32>, vector<64x512xf32> -> vector<64x512xf32>
    %get3A_578 = arith.constant 1 : index
    %get3A_579 = arith.constant 1 : index
    %get3A_580 = arith.constant 0 : index
    %get3A_581 = arith.constant 0 : index
    %get3A_582 = vector.load %arg3[%get3A_578, %get3A_579, %get3A_580, %get3A_581] : memref<3x2x128x512xf32, #tpu.memory_space<vmem>>, vector<1x1x128x512xf32>
    %get3A_583 = vector.shape_cast %get3A_582 : vector<1x1x128x512xf32> to vector<128x512xf32>
    %dot_general3A_584 = arith.constant dense<0.000000e+00> : vector<64x512xf32>
    %dot_general3A_585 = tpu.matmul %mul3A_569, %get3A_583, %dot_general3A_584 {dimension_numbers = #tpu.dot_dimension_numbers<[1], [0], [0], [1], [0, 0, 1, 1], [], []>, transpose_lhs_hint = false} : vector<64x128xf32>, vector<128x512xf32>, vector<64x512xf32> -> vector<64x512xf32>
    %add3A_586 = arith.addf %dot_general3A_577, %dot_general3A_585 : vector<64x512xf32>
    %get3A_587 = arith.constant 1 : index
    %get3A_588 = arith.constant 1 : index
    %get3A_589 = arith.constant 0 : index
    %get3A_590 = arith.constant 0 : index
    %get3A_591 = vector.load %arg4[%get3A_587, %get3A_588, %get3A_589, %get3A_590] : memref<3x2x1x512xf32, #tpu.memory_space<vmem>>, vector<1x1x1x512xf32>
    %get3A_592 = vector.shape_cast %get3A_591 : vector<1x1x1x512xf32> to vector<1x512xf32>
    %add3A_593 = vector.broadcast %get3A_592 : vector<1x512xf32> to vector<64x512xf32>
    %add3A_594 = arith.addf %add3A_586, %add3A_593 : vector<64x512xf32>
    %get3A_595 = arith.constant 1 : index
    %get3A_596 = arith.constant 1 : index
    %get3A_597 = arith.constant 0 : index
    %get3A_598 = arith.constant 0 : index
    %get3A_599 = vector.load %arg5[%get3A_595, %get3A_596, %get3A_597, %get3A_598] : memref<3x2x1x512xf32, #tpu.memory_space<vmem>>, vector<1x1x1x512xf32>
    %get3A_600 = vector.shape_cast %get3A_599 : vector<1x1x1x512xf32> to vector<1x512xf32>
    %add3A_601 = vector.broadcast %get3A_600 : vector<1x512xf32> to vector<64x512xf32>
    %add3A_602 = arith.addf %add3A_594, %add3A_601 : vector<64x512xf32>
    %slice3A_603 = vector.extract_strided_slice %add3A_602 {offsets = [0, 0], sizes = [64, 128], strides = [1, 1]} : vector<64x512xf32> to vector<64x128xf32>
    %logistic3A_604 = arith.negf %slice3A_603 : vector<64x128xf32>
    %logistic3A_605 = math.exp %logistic3A_604 : vector<64x128xf32>
    %logistic3A_606 = arith.constant 1.000000e+00 : f32
    %logistic3A_607 = vector.broadcast %logistic3A_606 : f32 to vector<64x128xf32>
    %logistic3A_608 = arith.addf %logistic3A_607, %logistic3A_605 : vector<64x128xf32>
    %logistic3A_609 = arith.divf %logistic3A_607, %logistic3A_608 : vector<64x128xf32>
    %slice3A_610 = vector.extract_strided_slice %add3A_602 {offsets = [0, 128], sizes = [64, 128], strides = [1, 1]} : vector<64x512xf32> to vector<64x128xf32>
    %logistic3A_611 = arith.negf %slice3A_610 : vector<64x128xf32>
    %logistic3A_612 = math.exp %logistic3A_611 : vector<64x128xf32>
    %logistic3A_613 = arith.constant 1.000000e+00 : f32
    %logistic3A_614 = vector.broadcast %logistic3A_613 : f32 to vector<64x128xf32>
    %logistic3A_615 = arith.addf %logistic3A_614, %logistic3A_612 : vector<64x128xf32>
    %logistic3A_616 = arith.divf %logistic3A_614, %logistic3A_615 : vector<64x128xf32>
    %slice3A_617 = vector.extract_strided_slice %add3A_602 {offsets = [0, 256], sizes = [64, 128], strides = [1, 1]} : vector<64x512xf32> to vector<64x128xf32>
    %tanh3A_618 = math.tanh %slice3A_617 : vector<64x128xf32>
    %slice3A_619 = vector.extract_strided_slice %add3A_602 {offsets = [0, 384], sizes = [64, 128], strides = [1, 1]} : vector<64x512xf32> to vector<64x128xf32>
    %logistic3A_620 = arith.negf %slice3A_619 : vector<64x128xf32>
    %logistic3A_621 = math.exp %logistic3A_620 : vector<64x128xf32>
    %logistic3A_622 = arith.constant 1.000000e+00 : f32
    %logistic3A_623 = vector.broadcast %logistic3A_622 : f32 to vector<64x128xf32>
    %logistic3A_624 = arith.addf %logistic3A_623, %logistic3A_621 : vector<64x128xf32>
    %logistic3A_625 = arith.divf %logistic3A_623, %logistic3A_624 : vector<64x128xf32>
    %mul3A_626 = arith.mulf %logistic3A_616, %add3A_567 : vector<64x128xf32>
    %mul3A_627 = arith.mulf %logistic3A_609, %tanh3A_618 : vector<64x128xf32>
    %add3A_628 = arith.addf %mul3A_626, %mul3A_627 : vector<64x128xf32>
    %tanh3A_629 = math.tanh %add3A_628 : vector<64x128xf32>
    %mul3A_630 = arith.mulf %logistic3A_625, %tanh3A_629 : vector<64x128xf32>
    %get3A_631 = arith.constant 1 : index
    %get3A_632 = arith.constant 1 : index
    %get3A_633 = arith.constant 0 : index
    %get3A_634 = arith.constant 0 : index
    %get3A_635 = vector.load %arg2[%get3A_631, %get3A_632, %get3A_633, %get3A_634] : memref<3x2x128x512xf32, #tpu.memory_space<vmem>>, vector<1x1x128x512xf32>
    %get3A_636 = vector.shape_cast %get3A_635 : vector<1x1x128x512xf32> to vector<128x512xf32>
    %dot_general3A_637 = arith.constant dense<0.000000e+00> : vector<64x512xf32>
    %dot_general3A_638 = tpu.matmul %dot_general3A_10, %get3A_636, %dot_general3A_637 {dimension_numbers = #tpu.dot_dimension_numbers<[1], [0], [0], [1], [0, 0, 1, 1], [], []>, transpose_lhs_hint = false} : vector<64x128xf32>, vector<128x512xf32>, vector<64x512xf32> -> vector<64x512xf32>
    %get3A_639 = arith.constant 1 : index
    %get3A_640 = arith.constant 1 : index
    %get3A_641 = arith.constant 0 : index
    %get3A_642 = arith.constant 0 : index
    %get3A_643 = vector.load %arg3[%get3A_639, %get3A_640, %get3A_641, %get3A_642] : memref<3x2x128x512xf32, #tpu.memory_space<vmem>>, vector<1x1x128x512xf32>
    %get3A_644 = vector.shape_cast %get3A_643 : vector<1x1x128x512xf32> to vector<128x512xf32>
    %dot_general3A_645 = arith.constant dense<0.000000e+00> : vector<64x512xf32>
    %dot_general3A_646 = tpu.matmul %mul3A_630, %get3A_644, %dot_general3A_645 {dimension_numbers = #tpu.dot_dimension_numbers<[1], [0], [0], [1], [0, 0, 1, 1], [], []>, transpose_lhs_hint = false} : vector<64x128xf32>, vector<128x512xf32>, vector<64x512xf32> -> vector<64x512xf32>
    %add3A_647 = arith.addf %dot_general3A_638, %dot_general3A_646 : vector<64x512xf32>
    %get3A_648 = arith.constant 1 : index
    %get3A_649 = arith.constant 1 : index
    %get3A_650 = arith.constant 0 : index
    %get3A_651 = arith.constant 0 : index
    %get3A_652 = vector.load %arg4[%get3A_648, %get3A_649, %get3A_650, %get3A_651] : memref<3x2x1x512xf32, #tpu.memory_space<vmem>>, vector<1x1x1x512xf32>
    %get3A_653 = vector.shape_cast %get3A_652 : vector<1x1x1x512xf32> to vector<1x512xf32>
    %add3A_654 = vector.broadcast %get3A_653 : vector<1x512xf32> to vector<64x512xf32>
    %add3A_655 = arith.addf %add3A_647, %add3A_654 : vector<64x512xf32>
    %get3A_656 = arith.constant 1 : index
    %get3A_657 = arith.constant 1 : index
    %get3A_658 = arith.constant 0 : index
    %get3A_659 = arith.constant 0 : index
    %get3A_660 = vector.load %arg5[%get3A_656, %get3A_657, %get3A_658, %get3A_659] : memref<3x2x1x512xf32, #tpu.memory_space<vmem>>, vector<1x1x1x512xf32>
    %get3A_661 = vector.shape_cast %get3A_660 : vector<1x1x1x512xf32> to vector<1x512xf32>
    %add3A_662 = vector.broadcast %get3A_661 : vector<1x512xf32> to vector<64x512xf32>
    %add3A_663 = arith.addf %add3A_655, %add3A_662 : vector<64x512xf32>
    %slice3A_664 = vector.extract_strided_slice %add3A_663 {offsets = [0, 0], sizes = [64, 128], strides = [1, 1]} : vector<64x512xf32> to vector<64x128xf32>
    %logistic3A_665 = arith.negf %slice3A_664 : vector<64x128xf32>
    %logistic3A_666 = math.exp %logistic3A_665 : vector<64x128xf32>
    %logistic3A_667 = arith.constant 1.000000e+00 : f32
    %logistic3A_668 = vector.broadcast %logistic3A_667 : f32 to vector<64x128xf32>
    %logistic3A_669 = arith.addf %logistic3A_668, %logistic3A_666 : vector<64x128xf32>
    %logistic3A_670 = arith.divf %logistic3A_668, %logistic3A_669 : vector<64x128xf32>
    %slice3A_671 = vector.extract_strided_slice %add3A_663 {offsets = [0, 128], sizes = [64, 128], strides = [1, 1]} : vector<64x512xf32> to vector<64x128xf32>
    %logistic3A_672 = arith.negf %slice3A_671 : vector<64x128xf32>
    %logistic3A_673 = math.exp %logistic3A_672 : vector<64x128xf32>
    %logistic3A_674 = arith.constant 1.000000e+00 : f32
    %logistic3A_675 = vector.broadcast %logistic3A_674 : f32 to vector<64x128xf32>
    %logistic3A_676 = arith.addf %logistic3A_675, %logistic3A_673 : vector<64x128xf32>
    %logistic3A_677 = arith.divf %logistic3A_675, %logistic3A_676 : vector<64x128xf32>
    %slice3A_678 = vector.extract_strided_slice %add3A_663 {offsets = [0, 256], sizes = [64, 128], strides = [1, 1]} : vector<64x512xf32> to vector<64x128xf32>
    %tanh3A_679 = math.tanh %slice3A_678 : vector<64x128xf32>
    %slice3A_680 = vector.extract_strided_slice %add3A_663 {offsets = [0, 384], sizes = [64, 128], strides = [1, 1]} : vector<64x512xf32> to vector<64x128xf32>
    %logistic3A_681 = arith.negf %slice3A_680 : vector<64x128xf32>
    %logistic3A_682 = math.exp %logistic3A_681 : vector<64x128xf32>
    %logistic3A_683 = arith.constant 1.000000e+00 : f32
    %logistic3A_684 = vector.broadcast %logistic3A_683 : f32 to vector<64x128xf32>
    %logistic3A_685 = arith.addf %logistic3A_684, %logistic3A_682 : vector<64x128xf32>
    %logistic3A_686 = arith.divf %logistic3A_684, %logistic3A_685 : vector<64x128xf32>
    %mul3A_687 = arith.mulf %logistic3A_677, %add3A_628 : vector<64x128xf32>
    %mul3A_688 = arith.mulf %logistic3A_670, %tanh3A_679 : vector<64x128xf32>
    %add3A_689 = arith.addf %mul3A_687, %mul3A_688 : vector<64x128xf32>
    %tanh3A_690 = math.tanh %add3A_689 : vector<64x128xf32>
    %mul3A_691 = arith.mulf %logistic3A_686, %tanh3A_690 : vector<64x128xf32>
    %concatenate3A_692 = tpu.concatenate %mul3A_443, %mul3A_691 in 1 : vector<64x128xf32>, vector<64x128xf32> -> vector<64x256xf32>
    %get3A_693 = arith.constant 0 : index
    %get3A_694 = arith.constant 0 : index
    %get3A_695 = vector.load %arg6[%get3A_693, %get3A_694] : memref<256x5xf32, #tpu.memory_space<vmem>>, vector<256x5xf32>
    %dot_general3A_696 = arith.constant dense<0.000000e+00> : vector<64x5xf32>
    %dot_general3A_697 = tpu.matmul %concatenate3A_692, %get3A_695, %dot_general3A_696 {dimension_numbers = #tpu.dot_dimension_numbers<[1], [0], [0], [1], [0, 0, 1, 1], [], []>, transpose_lhs_hint = false} : vector<64x256xf32>, vector<256x5xf32>, vector<64x5xf32> -> vector<64x5xf32>
    %get3A_698 = arith.constant 0 : index
    %get3A_699 = arith.constant 0 : index
    %get3A_700 = vector.load %arg7[%get3A_698, %get3A_699] : memref<1x5xf32, #tpu.memory_space<vmem>>, vector<1x5xf32>
    %get3A_701 = vector.shape_cast %get3A_700 : vector<1x5xf32> to vector<5xf32>
    %broadcast_in_dim3A_702 = vector.shape_cast %get3A_701 : vector<5xf32> to vector<1x5xf32>
    %add3A_703 = vector.broadcast %broadcast_in_dim3A_702 : vector<1x5xf32> to vector<64x5xf32>
    %add3A_704 = arith.addf %dot_general3A_697, %add3A_703 : vector<64x5xf32>
    %reduce_max3A_705 = arith.constant dense<0xFF800000> : vector<64xf32>
    %reduce_max3A_706 = vector.multi_reduction <maximumf>, %add3A_704, %reduce_max3A_705 [1] : vector<64x5xf32> to vector<64xf32>
    %broadcast_in_dim3A_707 = vector.shape_cast %reduce_max3A_706 : vector<64xf32> to vector<64x1xf32>
    %sub3A_708 = vector.broadcast %broadcast_in_dim3A_707 : vector<64x1xf32> to vector<64x5xf32>
    %sub3A_709 = arith.subf %add3A_704, %sub3A_708 : vector<64x5xf32>
    %exp3A_710 = math.exp %sub3A_709 : vector<64x5xf32>
    %reduce_sum3A_711 = arith.constant dense<0.000000e+00> : vector<64xf32>
    %reduce_sum3A_712 = vector.multi_reduction <add>, %exp3A_710, %reduce_sum3A_711 [1] : vector<64x5xf32> to vector<64xf32>
    %broadcast_in_dim3A_713 = vector.shape_cast %reduce_sum3A_712 : vector<64xf32> to vector<64x1xf32>
    %div3A_714 = vector.broadcast %broadcast_in_dim3A_713 : vector<64x1xf32> to vector<64x5xf32>
    %div3A_715 = arith.divf %exp3A_710, %div3A_714 : vector<64x5xf32>
    %swap3A_716 = arith.constant 1 : index
    %swap3A_717 = arith.constant 0 : index
    %swap3A_718 = arith.constant 0 : index
    %swap3A_719 = arith.constant 0 : index
    %swap3A_720 = vector.load %arg8[%swap3A_716, %swap3A_717, %swap3A_718, %swap3A_719] : memref<3x2x64x5xf32, #tpu.memory_space<vmem>>, vector<1x1x64x5xf32>
    %swap3A_721 = vector.shape_cast %swap3A_720 : vector<1x1x64x5xf32> to vector<64x5xf32>
    %swap3A_722 = vector.shape_cast %div3A_715 : vector<64x5xf32> to vector<1x1x64x5xf32>
    tpu.vector_store %arg8[%swap3A_716, %swap3A_717, %swap3A_718, %swap3A_719], %swap3A_722 {strides = array<i32>} : memref<3x2x64x5xf32, #tpu.memory_space<vmem>>, vector<1x1x64x5xf32>,
    %concatenate3A_723 = tpu.concatenate %mul3A_504, %mul3A_630 in 1 : vector<64x128xf32>, vector<64x128xf32> -> vector<64x256xf32>
    %get3A_724 = arith.constant 0 : index
    %get3A_725 = arith.constant 0 : index
    %get3A_726 = vector.load %arg6[%get3A_724, %get3A_725] : memref<256x5xf32, #tpu.memory_space<vmem>>, vector<256x5xf32>
    %dot_general3A_727 = arith.constant dense<0.000000e+00> : vector<64x5xf32>
    %dot_general3A_728 = tpu.matmul %concatenate3A_723, %get3A_726, %dot_general3A_727 {dimension_numbers = #tpu.dot_dimension_numbers<[1], [0], [0], [1], [0, 0, 1, 1], [], []>, transpose_lhs_hint = false} : vector<64x256xf32>, vector<256x5xf32>, vector<64x5xf32> -> vector<64x5xf32>
    %get3A_729 = arith.constant 0 : index
    %get3A_730 = arith.constant 0 : index
    %get3A_731 = vector.load %arg7[%get3A_729, %get3A_730] : memref<1x5xf32, #tpu.memory_space<vmem>>, vector<1x5xf32>
    %get3A_732 = vector.shape_cast %get3A_731 : vector<1x5xf32> to vector<5xf32>
    %broadcast_in_dim3A_733 = vector.shape_cast %get3A_732 : vector<5xf32> to vector<1x5xf32>
    %add3A_734 = vector.broadcast %broadcast_in_dim3A_733 : vector<1x5xf32> to vector<64x5xf32>
    %add3A_735 = arith.addf %dot_general3A_728, %add3A_734 : vector<64x5xf32>
    %reduce_max3A_736 = arith.constant dense<0xFF800000> : vector<64xf32>
    %reduce_max3A_737 = vector.multi_reduction <maximumf>, %add3A_735, %reduce_max3A_736 [1] : vector<64x5xf32> to vector<64xf32>
    %broadcast_in_dim3A_738 = vector.shape_cast %reduce_max3A_737 : vector<64xf32> to vector<64x1xf32>
    %sub3A_739 = vector.broadcast %broadcast_in_dim3A_738 : vector<64x1xf32> to vector<64x5xf32>
    %sub3A_740 = arith.subf %add3A_735, %sub3A_739 : vector<64x5xf32>
    %exp3A_741 = math.exp %sub3A_740 : vector<64x5xf32>
    %reduce_sum3A_742 = arith.constant dense<0.000000e+00> : vector<64xf32>
    %reduce_sum3A_743 = vector.multi_reduction <add>, %exp3A_741, %reduce_sum3A_742 [1] : vector<64x5xf32> to vector<64xf32>
    %broadcast_in_dim3A_744 = vector.shape_cast %reduce_sum3A_743 : vector<64xf32> to vector<64x1xf32>
    %div3A_745 = vector.broadcast %broadcast_in_dim3A_744 : vector<64x1xf32> to vector<64x5xf32>
    %div3A_746 = arith.divf %exp3A_741, %div3A_745 : vector<64x5xf32>
    %swap3A_747 = arith.constant 1 : index
    %swap3A_748 = arith.constant 1 : index
    %swap3A_749 = arith.constant 0 : index
    %swap3A_750 = arith.constant 0 : index
    %swap3A_751 = vector.load %arg8[%swap3A_747, %swap3A_748, %swap3A_749, %swap3A_750] : memref<3x2x64x5xf32, #tpu.memory_space<vmem>>, vector<1x1x64x5xf32>
    %swap3A_752 = vector.shape_cast %swap3A_751 : vector<1x1x64x5xf32> to vector<64x5xf32>
    %swap3A_753 = vector.shape_cast %div3A_746 : vector<64x5xf32> to vector<1x1x64x5xf32>
    tpu.vector_store %arg8[%swap3A_747, %swap3A_748, %swap3A_749, %swap3A_750], %swap3A_753 {strides = array<i32>} : memref<3x2x64x5xf32, #tpu.memory_space<vmem>>, vector<1x1x64x5xf32>,
    %broadcast_in_dim3A_754 = arith.constant 0.000000e+00 : f32
    %broadcast_in_dim3A_755 = vector.broadcast %broadcast_in_dim3A_754 : f32 to vector<64x128xf32>
    %broadcast_in_dim3A_756 = arith.constant 0.000000e+00 : f32
    %broadcast_in_dim3A_757 = vector.broadcast %broadcast_in_dim3A_756 : f32 to vector<64x128xf32>
    %get3A_758 = arith.constant 2 : index
    %get3A_759 = arith.constant 0 : index
    %get3A_760 = arith.constant 0 : index
    %get3A_761 = arith.constant 0 : index
    %get3A_762 = vector.load %arg2[%get3A_758, %get3A_759, %get3A_760, %get3A_761] : memref<3x2x128x512xf32, #tpu.memory_space<vmem>>, vector<1x1x128x512xf32>
    %get3A_763 = vector.shape_cast %get3A_762 : vector<1x1x128x512xf32> to vector<128x512xf32>
    %dot_general3A_764 = arith.constant dense<0.000000e+00> : vector<64x512xf32>
    %dot_general3A_765 = tpu.matmul %dot_general3A_10, %get3A_763, %dot_general3A_764 {dimension_numbers = #tpu.dot_dimension_numbers<[1], [0], [0], [1], [0, 0, 1, 1], [], []>, transpose_lhs_hint = false} : vector<64x128xf32>, vector<128x512xf32>, vector<64x512xf32> -> vector<64x512xf32>
    %get3A_766 = arith.constant 2 : index
    %get3A_767 = arith.constant 0 : index
    %get3A_768 = arith.constant 0 : index
    %get3A_769 = arith.constant 0 : index
    %get3A_770 = vector.load %arg3[%get3A_766, %get3A_767, %get3A_768, %get3A_769] : memref<3x2x128x512xf32, #tpu.memory_space<vmem>>, vector<1x1x128x512xf32>
    %get3A_771 = vector.shape_cast %get3A_770 : vector<1x1x128x512xf32> to vector<128x512xf32>
    %dot_general3A_772 = arith.constant dense<0.000000e+00> : vector<64x512xf32>
    %dot_general3A_773 = tpu.matmul %broadcast_in_dim3A_755, %get3A_771, %dot_general3A_772 {dimension_numbers = #tpu.dot_dimension_numbers<[1], [0], [0], [1], [0, 0, 1, 1], [], []>, transpose_lhs_hint = false} : vector<64x128xf32>, vector<128x512xf32>, vector<64x512xf32> -> vector<64x512xf32>
    %add3A_774 = arith.addf %dot_general3A_765, %dot_general3A_773 : vector<64x512xf32>
    %get3A_775 = arith.constant 2 : index
    %get3A_776 = arith.constant 0 : index
    %get3A_777 = arith.constant 0 : index
    %get3A_778 = arith.constant 0 : index
    %get3A_779 = vector.load %arg4[%get3A_775, %get3A_776, %get3A_777, %get3A_778] : memref<3x2x1x512xf32, #tpu.memory_space<vmem>>, vector<1x1x1x512xf32>
    %get3A_780 = vector.shape_cast %get3A_779 : vector<1x1x1x512xf32> to vector<1x512xf32>
    %add3A_781 = vector.broadcast %get3A_780 : vector<1x512xf32> to vector<64x512xf32>
    %add3A_782 = arith.addf %add3A_774, %add3A_781 : vector<64x512xf32>
    %get3A_783 = arith.constant 2 : index
    %get3A_784 = arith.constant 0 : index
    %get3A_785 = arith.constant 0 : index
    %get3A_786 = arith.constant 0 : index
    %get3A_787 = vector.load %arg5[%get3A_783, %get3A_784, %get3A_785, %get3A_786] : memref<3x2x1x512xf32, #tpu.memory_space<vmem>>, vector<1x1x1x512xf32>
    %get3A_788 = vector.shape_cast %get3A_787 : vector<1x1x1x512xf32> to vector<1x512xf32>
    %add3A_789 = vector.broadcast %get3A_788 : vector<1x512xf32> to vector<64x512xf32>
    %add3A_790 = arith.addf %add3A_782, %add3A_789 : vector<64x512xf32>
    %slice3A_791 = vector.extract_strided_slice %add3A_790 {offsets = [0, 0], sizes = [64, 128], strides = [1, 1]} : vector<64x512xf32> to vector<64x128xf32>
    %logistic3A_792 = arith.negf %slice3A_791 : vector<64x128xf32>
    %logistic3A_793 = math.exp %logistic3A_792 : vector<64x128xf32>
    %logistic3A_794 = arith.constant 1.000000e+00 : f32
    %logistic3A_795 = vector.broadcast %logistic3A_794 : f32 to vector<64x128xf32>
    %logistic3A_796 = arith.addf %logistic3A_795, %logistic3A_793 : vector<64x128xf32>
    %logistic3A_797 = arith.divf %logistic3A_795, %logistic3A_796 : vector<64x128xf32>
    %slice3A_798 = vector.extract_strided_slice %add3A_790 {offsets = [0, 128], sizes = [64, 128], strides = [1, 1]} : vector<64x512xf32> to vector<64x128xf32>
    %logistic3A_799 = arith.negf %slice3A_798 : vector<64x128xf32>
    %logistic3A_800 = math.exp %logistic3A_799 : vector<64x128xf32>
    %logistic3A_801 = arith.constant 1.000000e+00 : f32
    %logistic3A_802 = vector.broadcast %logistic3A_801 : f32 to vector<64x128xf32>
    %logistic3A_803 = arith.addf %logistic3A_802, %logistic3A_800 : vector<64x128xf32>
    %logistic3A_804 = arith.divf %logistic3A_802, %logistic3A_803 : vector<64x128xf32>
    %slice3A_805 = vector.extract_strided_slice %add3A_790 {offsets = [0, 256], sizes = [64, 128], strides = [1, 1]} : vector<64x512xf32> to vector<64x128xf32>
    %tanh3A_806 = math.tanh %slice3A_805 : vector<64x128xf32>
    %slice3A_807 = vector.extract_strided_slice %add3A_790 {offsets = [0, 384], sizes = [64, 128], strides = [1, 1]} : vector<64x512xf32> to vector<64x128xf32>
    %logistic3A_808 = arith.negf %slice3A_807 : vector<64x128xf32>
    %logistic3A_809 = math.exp %logistic3A_808 : vector<64x128xf32>
    %logistic3A_810 = arith.constant 1.000000e+00 : f32
    %logistic3A_811 = vector.broadcast %logistic3A_810 : f32 to vector<64x128xf32>
    %logistic3A_812 = arith.addf %logistic3A_811, %logistic3A_809 : vector<64x128xf32>
    %logistic3A_813 = arith.divf %logistic3A_811, %logistic3A_812 : vector<64x128xf32>
    %mul3A_814 = arith.mulf %logistic3A_804, %broadcast_in_dim3A_757 : vector<64x128xf32>
    %mul3A_815 = arith.mulf %logistic3A_797, %tanh3A_806 : vector<64x128xf32>
    %add3A_816 = arith.addf %mul3A_814, %mul3A_815 : vector<64x128xf32>
    %tanh3A_817 = math.tanh %add3A_816 : vector<64x128xf32>
    %mul3A_818 = arith.mulf %logistic3A_813, %tanh3A_817 : vector<64x128xf32>
    %get3A_819 = arith.constant 2 : index
    %get3A_820 = arith.constant 0 : index
    %get3A_821 = arith.constant 0 : index
    %get3A_822 = arith.constant 0 : index
    %get3A_823 = vector.load %arg2[%get3A_819, %get3A_820, %get3A_821, %get3A_822] : memref<3x2x128x512xf32, #tpu.memory_space<vmem>>, vector<1x1x128x512xf32>
    %get3A_824 = vector.shape_cast %get3A_823 : vector<1x1x128x512xf32> to vector<128x512xf32>
    %dot_general3A_825 = arith.constant dense<0.000000e+00> : vector<64x512xf32>
    %dot_general3A_826 = tpu.matmul %dot_general3A_10, %get3A_824, %dot_general3A_825 {dimension_numbers = #tpu.dot_dimension_numbers<[1], [0], [0], [1], [0, 0, 1, 1], [], []>, transpose_lhs_hint = false} : vector<64x128xf32>, vector<128x512xf32>, vector<64x512xf32> -> vector<64x512xf32>
    %get3A_827 = arith.constant 2 : index
    %get3A_828 = arith.constant 0 : index
    %get3A_829 = arith.constant 0 : index
    %get3A_830 = arith.constant 0 : index
    %get3A_831 = vector.load %arg3[%get3A_827, %get3A_828, %get3A_829, %get3A_830] : memref<3x2x128x512xf32, #tpu.memory_space<vmem>>, vector<1x1x128x512xf32>
    %get3A_832 = vector.shape_cast %get3A_831 : vector<1x1x128x512xf32> to vector<128x512xf32>
    %dot_general3A_833 = arith.constant dense<0.000000e+00> : vector<64x512xf32>
    %dot_general3A_834 = tpu.matmul %mul3A_818, %get3A_832, %dot_general3A_833 {dimension_numbers = #tpu.dot_dimension_numbers<[1], [0], [0], [1], [0, 0, 1, 1], [], []>, transpose_lhs_hint = false} : vector<64x128xf32>, vector<128x512xf32>, vector<64x512xf32> -> vector<64x512xf32>
    %add3A_835 = arith.addf %dot_general3A_826, %dot_general3A_834 : vector<64x512xf32>
    %get3A_836 = arith.constant 2 : index
    %get3A_837 = arith.constant 0 : index
    %get3A_838 = arith.constant 0 : index
    %get3A_839 = arith.constant 0 : index
    %get3A_840 = vector.load %arg4[%get3A_836, %get3A_837, %get3A_838, %get3A_839] : memref<3x2x1x512xf32, #tpu.memory_space<vmem>>, vector<1x1x1x512xf32>
    %get3A_841 = vector.shape_cast %get3A_840 : vector<1x1x1x512xf32> to vector<1x512xf32>
    %add3A_842 = vector.broadcast %get3A_841 : vector<1x512xf32> to vector<64x512xf32>
    %add3A_843 = arith.addf %add3A_835, %add3A_842 : vector<64x512xf32>
    %get3A_844 = arith.constant 2 : index
    %get3A_845 = arith.constant 0 : index
    %get3A_846 = arith.constant 0 : index
    %get3A_847 = arith.constant 0 : index
    %get3A_848 = vector.load %arg5[%get3A_844, %get3A_845, %get3A_846, %get3A_847] : memref<3x2x1x512xf32, #tpu.memory_space<vmem>>, vector<1x1x1x512xf32>
    %get3A_849 = vector.shape_cast %get3A_848 : vector<1x1x1x512xf32> to vector<1x512xf32>
    %add3A_850 = vector.broadcast %get3A_849 : vector<1x512xf32> to vector<64x512xf32>
    %add3A_851 = arith.addf %add3A_843, %add3A_850 : vector<64x512xf32>
    %slice3A_852 = vector.extract_strided_slice %add3A_851 {offsets = [0, 0], sizes = [64, 128], strides = [1, 1]} : vector<64x512xf32> to vector<64x128xf32>
    %logistic3A_853 = arith.negf %slice3A_852 : vector<64x128xf32>
    %logistic3A_854 = math.exp %logistic3A_853 : vector<64x128xf32>
    %logistic3A_855 = arith.constant 1.000000e+00 : f32
    %logistic3A_856 = vector.broadcast %logistic3A_855 : f32 to vector<64x128xf32>
    %logistic3A_857 = arith.addf %logistic3A_856, %logistic3A_854 : vector<64x128xf32>
    %logistic3A_858 = arith.divf %logistic3A_856, %logistic3A_857 : vector<64x128xf32>
    %slice3A_859 = vector.extract_strided_slice %add3A_851 {offsets = [0, 128], sizes = [64, 128], strides = [1, 1]} : vector<64x512xf32> to vector<64x128xf32>
    %logistic3A_860 = arith.negf %slice3A_859 : vector<64x128xf32>
    %logistic3A_861 = math.exp %logistic3A_860 : vector<64x128xf32>
    %logistic3A_862 = arith.constant 1.000000e+00 : f32
    %logistic3A_863 = vector.broadcast %logistic3A_862 : f32 to vector<64x128xf32>
    %logistic3A_864 = arith.addf %logistic3A_863, %logistic3A_861 : vector<64x128xf32>
    %logistic3A_865 = arith.divf %logistic3A_863, %logistic3A_864 : vector<64x128xf32>
    %slice3A_866 = vector.extract_strided_slice %add3A_851 {offsets = [0, 256], sizes = [64, 128], strides = [1, 1]} : vector<64x512xf32> to vector<64x128xf32>
    %tanh3A_867 = math.tanh %slice3A_866 : vector<64x128xf32>
    %slice3A_868 = vector.extract_strided_slice %add3A_851 {offsets = [0, 384], sizes = [64, 128], strides = [1, 1]} : vector<64x512xf32> to vector<64x128xf32>
    %logistic3A_869 = arith.negf %slice3A_868 : vector<64x128xf32>
    %logistic3A_870 = math.exp %logistic3A_869 : vector<64x128xf32>
    %logistic3A_871 = arith.constant 1.000000e+00 : f32
    %logistic3A_872 = vector.broadcast %logistic3A_871 : f32 to vector<64x128xf32>
    %logistic3A_873 = arith.addf %logistic3A_872, %logistic3A_870 : vector<64x128xf32>
    %logistic3A_874 = arith.divf %logistic3A_872, %logistic3A_873 : vector<64x128xf32>
    %mul3A_875 = arith.mulf %logistic3A_865, %add3A_816 : vector<64x128xf32>
    %mul3A_876 = arith.mulf %logistic3A_858, %tanh3A_867 : vector<64x128xf32>
    %add3A_877 = arith.addf %mul3A_875, %mul3A_876 : vector<64x128xf32>
    %tanh3A_878 = math.tanh %add3A_877 : vector<64x128xf32>
    %mul3A_879 = arith.mulf %logistic3A_874, %tanh3A_878 : vector<64x128xf32>
    %broadcast_in_dim3A_880 = arith.constant 0.000000e+00 : f32
    %broadcast_in_dim3A_881 = vector.broadcast %broadcast_in_dim3A_880 : f32 to vector<64x128xf32>
    %broadcast_in_dim3A_882 = arith.constant 0.000000e+00 : f32
    %broadcast_in_dim3A_883 = vector.broadcast %broadcast_in_dim3A_882 : f32 to vector<64x128xf32>
    %get3A_884 = arith.constant 2 : index
    %get3A_885 = arith.constant 1 : index
    %get3A_886 = arith.constant 0 : index
    %get3A_887 = arith.constant 0 : index
    %get3A_888 = vector.load %arg2[%get3A_884, %get3A_885, %get3A_886, %get3A_887] : memref<3x2x128x512xf32, #tpu.memory_space<vmem>>, vector<1x1x128x512xf32>
    %get3A_889 = vector.shape_cast %get3A_888 : vector<1x1x128x512xf32> to vector<128x512xf32>
    %dot_general3A_890 = arith.constant dense<0.000000e+00> : vector<64x512xf32>
    %dot_general3A_891 = tpu.matmul %broadcast_in_dim3A_15, %get3A_889, %dot_general3A_890 {dimension_numbers = #tpu.dot_dimension_numbers<[1], [0], [0], [1], [0, 0, 1, 1], [], []>, transpose_lhs_hint = false} : vector<64x128xf32>, vector<128x512xf32>, vector<64x512xf32> -> vector<64x512xf32>
    %get3A_892 = arith.constant 2 : index
    %get3A_893 = arith.constant 1 : index
    %get3A_894 = arith.constant 0 : index
    %get3A_895 = arith.constant 0 : index
    %get3A_896 = vector.load %arg3[%get3A_892, %get3A_893, %get3A_894, %get3A_895] : memref<3x2x128x512xf32, #tpu.memory_space<vmem>>, vector<1x1x128x512xf32>
    %get3A_897 = vector.shape_cast %get3A_896 : vector<1x1x128x512xf32> to vector<128x512xf32>
    %dot_general3A_898 = arith.constant dense<0.000000e+00> : vector<64x512xf32>
    %dot_general3A_899 = tpu.matmul %broadcast_in_dim3A_881, %get3A_897, %dot_general3A_898 {dimension_numbers = #tpu.dot_dimension_numbers<[1], [0], [0], [1], [0, 0, 1, 1], [], []>, transpose_lhs_hint = false} : vector<64x128xf32>, vector<128x512xf32>, vector<64x512xf32> -> vector<64x512xf32>
    %add3A_900 = arith.addf %dot_general3A_891, %dot_general3A_899 : vector<64x512xf32>
    %get3A_901 = arith.constant 2 : index
    %get3A_902 = arith.constant 1 : index
    %get3A_903 = arith.constant 0 : index
    %get3A_904 = arith.constant 0 : index
    %get3A_905 = vector.load %arg4[%get3A_901, %get3A_902, %get3A_903, %get3A_904] : memref<3x2x1x512xf32, #tpu.memory_space<vmem>>, vector<1x1x1x512xf32>
    %get3A_906 = vector.shape_cast %get3A_905 : vector<1x1x1x512xf32> to vector<1x512xf32>
    %add3A_907 = vector.broadcast %get3A_906 : vector<1x512xf32> to vector<64x512xf32>
    %add3A_908 = arith.addf %add3A_900, %add3A_907 : vector<64x512xf32>
    %get3A_909 = arith.constant 2 : index
    %get3A_910 = arith.constant 1 : index
    %get3A_911 = arith.constant 0 : index
    %get3A_912 = arith.constant 0 : index
    %get3A_913 = vector.load %arg5[%get3A_909, %get3A_910, %get3A_911, %get3A_912] : memref<3x2x1x512xf32, #tpu.memory_space<vmem>>, vector<1x1x1x512xf32>
    %get3A_914 = vector.shape_cast %get3A_913 : vector<1x1x1x512xf32> to vector<1x512xf32>
    %add3A_915 = vector.broadcast %get3A_914 : vector<1x512xf32> to vector<64x512xf32>
    %add3A_916 = arith.addf %add3A_908, %add3A_915 : vector<64x512xf32>
    %slice3A_917 = vector.extract_strided_slice %add3A_916 {offsets = [0, 0], sizes = [64, 128], strides = [1, 1]} : vector<64x512xf32> to vector<64x128xf32>
    %logistic3A_918 = arith.negf %slice3A_917 : vector<64x128xf32>
    %logistic3A_919 = math.exp %logistic3A_918 : vector<64x128xf32>
    %logistic3A_920 = arith.constant 1.000000e+00 : f32
    %logistic3A_921 = vector.broadcast %logistic3A_920 : f32 to vector<64x128xf32>
    %logistic3A_922 = arith.addf %logistic3A_921, %logistic3A_919 : vector<64x128xf32>
    %logistic3A_923 = arith.divf %logistic3A_921, %logistic3A_922 : vector<64x128xf32>
    %slice3A_924 = vector.extract_strided_slice %add3A_916 {offsets = [0, 128], sizes = [64, 128], strides = [1, 1]} : vector<64x512xf32> to vector<64x128xf32>
    %logistic3A_925 = arith.negf %slice3A_924 : vector<64x128xf32>
    %logistic3A_926 = math.exp %logistic3A_925 : vector<64x128xf32>
    %logistic3A_927 = arith.constant 1.000000e+00 : f32
    %logistic3A_928 = vector.broadcast %logistic3A_927 : f32 to vector<64x128xf32>
    %logistic3A_929 = arith.addf %logistic3A_928, %logistic3A_926 : vector<64x128xf32>
    %logistic3A_930 = arith.divf %logistic3A_928, %logistic3A_929 : vector<64x128xf32>
    %slice3A_931 = vector.extract_strided_slice %add3A_916 {offsets = [0, 256], sizes = [64, 128], strides = [1, 1]} : vector<64x512xf32> to vector<64x128xf32>
    %tanh3A_932 = math.tanh %slice3A_931 : vector<64x128xf32>
    %slice3A_933 = vector.extract_strided_slice %add3A_916 {offsets = [0, 384], sizes = [64, 128], strides = [1, 1]} : vector<64x512xf32> to vector<64x128xf32>
    %logistic3A_934 = arith.negf %slice3A_933 : vector<64x128xf32>
    %logistic3A_935 = math.exp %logistic3A_934 : vector<64x128xf32>
    %logistic3A_936 = arith.constant 1.000000e+00 : f32
    %logistic3A_937 = vector.broadcast %logistic3A_936 : f32 to vector<64x128xf32>
    %logistic3A_938 = arith.addf %logistic3A_937, %logistic3A_935 : vector<64x128xf32>
    %logistic3A_939 = arith.divf %logistic3A_937, %logistic3A_938 : vector<64x128xf32>
    %mul3A_940 = arith.mulf %logistic3A_930, %broadcast_in_dim3A_883 : vector<64x128xf32>
    %mul3A_941 = arith.mulf %logistic3A_923, %tanh3A_932 : vector<64x128xf32>
    %add3A_942 = arith.addf %mul3A_940, %mul3A_941 : vector<64x128xf32>
    %tanh3A_943 = math.tanh %add3A_942 : vector<64x128xf32>
    %mul3A_944 = arith.mulf %logistic3A_939, %tanh3A_943 : vector<64x128xf32>
    %get3A_945 = arith.constant 2 : index
    %get3A_946 = arith.constant 1 : index
    %get3A_947 = arith.constant 0 : index
    %get3A_948 = arith.constant 0 : index
    %get3A_949 = vector.load %arg2[%get3A_945, %get3A_946, %get3A_947, %get3A_948] : memref<3x2x128x512xf32, #tpu.memory_space<vmem>>, vector<1x1x128x512xf32>
    %get3A_950 = vector.shape_cast %get3A_949 : vector<1x1x128x512xf32> to vector<128x512xf32>
    %dot_general3A_951 = arith.constant dense<0.000000e+00> : vector<64x512xf32>
    %dot_general3A_952 = tpu.matmul %dot_general3A_10, %get3A_950, %dot_general3A_951 {dimension_numbers = #tpu.dot_dimension_numbers<[1], [0], [0], [1], [0, 0, 1, 1], [], []>, transpose_lhs_hint = false} : vector<64x128xf32>, vector<128x512xf32>, vector<64x512xf32> -> vector<64x512xf32>
    %get3A_953 = arith.constant 2 : index
    %get3A_954 = arith.constant 1 : index
    %get3A_955 = arith.constant 0 : index
    %get3A_956 = arith.constant 0 : index
    %get3A_957 = vector.load %arg3[%get3A_953, %get3A_954, %get3A_955, %get3A_956] : memref<3x2x128x512xf32, #tpu.memory_space<vmem>>, vector<1x1x128x512xf32>
    %get3A_958 = vector.shape_cast %get3A_957 : vector<1x1x128x512xf32> to vector<128x512xf32>
    %dot_general3A_959 = arith.constant dense<0.000000e+00> : vector<64x512xf32>
    %dot_general3A_960 = tpu.matmul %mul3A_944, %get3A_958, %dot_general3A_959 {dimension_numbers = #tpu.dot_dimension_numbers<[1], [0], [0], [1], [0, 0, 1, 1], [], []>, transpose_lhs_hint = false} : vector<64x128xf32>, vector<128x512xf32>, vector<64x512xf32> -> vector<64x512xf32>
    %add3A_961 = arith.addf %dot_general3A_952, %dot_general3A_960 : vector<64x512xf32>
    %get3A_962 = arith.constant 2 : index
    %get3A_963 = arith.constant 1 : index
    %get3A_964 = arith.constant 0 : index
    %get3A_965 = arith.constant 0 : index
    %get3A_966 = vector.load %arg4[%get3A_962, %get3A_963, %get3A_964, %get3A_965] : memref<3x2x1x512xf32, #tpu.memory_space<vmem>>, vector<1x1x1x512xf32>
    %get3A_967 = vector.shape_cast %get3A_966 : vector<1x1x1x512xf32> to vector<1x512xf32>
    %add3A_968 = vector.broadcast %get3A_967 : vector<1x512xf32> to vector<64x512xf32>
    %add3A_969 = arith.addf %add3A_961, %add3A_968 : vector<64x512xf32>
    %get3A_970 = arith.constant 2 : index
    %get3A_971 = arith.constant 1 : index
    %get3A_972 = arith.constant 0 : index
    %get3A_973 = arith.constant 0 : index
    %get3A_974 = vector.load %arg5[%get3A_970, %get3A_971, %get3A_972, %get3A_973] : memref<3x2x1x512xf32, #tpu.memory_space<vmem>>, vector<1x1x1x512xf32>
    %get3A_975 = vector.shape_cast %get3A_974 : vector<1x1x1x512xf32> to vector<1x512xf32>
    %add3A_976 = vector.broadcast %get3A_975 : vector<1x512xf32> to vector<64x512xf32>
    %add3A_977 = arith.addf %add3A_969, %add3A_976 : vector<64x512xf32>
    %slice3A_978 = vector.extract_strided_slice %add3A_977 {offsets = [0, 0], sizes = [64, 128], strides = [1, 1]} : vector<64x512xf32> to vector<64x128xf32>
    %logistic3A_979 = arith.negf %slice3A_978 : vector<64x128xf32>
    %logistic3A_980 = math.exp %logistic3A_979 : vector<64x128xf32>
    %logistic3A_981 = arith.constant 1.000000e+00 : f32
    %logistic3A_982 = vector.broadcast %logistic3A_981 : f32 to vector<64x128xf32>
    %logistic3A_983 = arith.addf %logistic3A_982, %logistic3A_980 : vector<64x128xf32>
    %logistic3A_984 = arith.divf %logistic3A_982, %logistic3A_983 : vector<64x128xf32>
    %slice3A_985 = vector.extract_strided_slice %add3A_977 {offsets = [0, 128], sizes = [64, 128], strides = [1, 1]} : vector<64x512xf32> to vector<64x128xf32>
    %logistic3A_986 = arith.negf %slice3A_985 : vector<64x128xf32>
    %logistic3A_987 = math.exp %logistic3A_986 : vector<64x128xf32>
    %logistic3A_988 = arith.constant 1.000000e+00 : f32
    %logistic3A_989 = vector.broadcast %logistic3A_988 : f32 to vector<64x128xf32>
    %logistic3A_990 = arith.addf %logistic3A_989, %logistic3A_987 : vector<64x128xf32>
    %logistic3A_991 = arith.divf %logistic3A_989, %logistic3A_990 : vector<64x128xf32>
    %slice3A_992 = vector.extract_strided_slice %add3A_977 {offsets = [0, 256], sizes = [64, 128], strides = [1, 1]} : vector<64x512xf32> to vector<64x128xf32>
    %tanh3A_993 = math.tanh %slice3A_992 : vector<64x128xf32>
    %slice3A_994 = vector.extract_strided_slice %add3A_977 {offsets = [0, 384], sizes = [64, 128], strides = [1, 1]} : vector<64x512xf32> to vector<64x128xf32>
    %logistic3A_995 = arith.negf %slice3A_994 : vector<64x128xf32>
    %logistic3A_996 = math.exp %logistic3A_995 : vector<64x128xf32>
    %logistic3A_997 = arith.constant 1.000000e+00 : f32
    %logistic3A_998 = vector.broadcast %logistic3A_997 : f32 to vector<64x128xf32>
    %logistic3A_999 = arith.addf %logistic3A_998, %logistic3A_996 : vector<64x128xf32>
    %logistic3A_1000 = arith.divf %logistic3A_998, %logistic3A_999 : vector<64x128xf32>
    %mul3A_1001 = arith.mulf %logistic3A_991, %add3A_942 : vector<64x128xf32>
    %mul3A_1002 = arith.mulf %logistic3A_984, %tanh3A_993 : vector<64x128xf32>
    %add3A_1003 = arith.addf %mul3A_1001, %mul3A_1002 : vector<64x128xf32>
    %tanh3A_1004 = math.tanh %add3A_1003 : vector<64x128xf32>
    %mul3A_1005 = arith.mulf %logistic3A_1000, %tanh3A_1004 : vector<64x128xf32>
    %get3A_1006 = arith.constant 2 : index
    %get3A_1007 = arith.constant 1 : index
    %get3A_1008 = arith.constant 0 : index
    %get3A_1009 = arith.constant 0 : index
    %get3A_1010 = vector.load %arg2[%get3A_1006, %get3A_1007, %get3A_1008, %get3A_1009] : memref<3x2x128x512xf32, #tpu.memory_space<vmem>>, vector<1x1x128x512xf32>
    %get3A_1011 = vector.shape_cast %get3A_1010 : vector<1x1x128x512xf32> to vector<128x512xf32>
    %dot_general3A_1012 = arith.constant dense<0.000000e+00> : vector<64x512xf32>
    %dot_general3A_1013 = tpu.matmul %dot_general3A_10, %get3A_1011, %dot_general3A_1012 {dimension_numbers = #tpu.dot_dimension_numbers<[1], [0], [0], [1], [0, 0, 1, 1], [], []>, transpose_lhs_hint = false} : vector<64x128xf32>, vector<128x512xf32>, vector<64x512xf32> -> vector<64x512xf32>
    %get3A_1014 = arith.constant 2 : index
    %get3A_1015 = arith.constant 1 : index
    %get3A_1016 = arith.constant 0 : index
    %get3A_1017 = arith.constant 0 : index
    %get3A_1018 = vector.load %arg3[%get3A_1014, %get3A_1015, %get3A_1016, %get3A_1017] : memref<3x2x128x512xf32, #tpu.memory_space<vmem>>, vector<1x1x128x512xf32>
    %get3A_1019 = vector.shape_cast %get3A_1018 : vector<1x1x128x512xf32> to vector<128x512xf32>
    %dot_general3A_1020 = arith.constant dense<0.000000e+00> : vector<64x512xf32>
    %dot_general3A_1021 = tpu.matmul %mul3A_1005, %get3A_1019, %dot_general3A_1020 {dimension_numbers = #tpu.dot_dimension_numbers<[1], [0], [0], [1], [0, 0, 1, 1], [], []>, transpose_lhs_hint = false} : vector<64x128xf32>, vector<128x512xf32>, vector<64x512xf32> -> vector<64x512xf32>
    %add3A_1022 = arith.addf %dot_general3A_1013, %dot_general3A_1021 : vector<64x512xf32>
    %get3A_1023 = arith.constant 2 : index
    %get3A_1024 = arith.constant 1 : index
    %get3A_1025 = arith.constant 0 : index
    %get3A_1026 = arith.constant 0 : index
    %get3A_1027 = vector.load %arg4[%get3A_1023, %get3A_1024, %get3A_1025, %get3A_1026] : memref<3x2x1x512xf32, #tpu.memory_space<vmem>>, vector<1x1x1x512xf32>
    %get3A_1028 = vector.shape_cast %get3A_1027 : vector<1x1x1x512xf32> to vector<1x512xf32>
    %add3A_1029 = vector.broadcast %get3A_1028 : vector<1x512xf32> to vector<64x512xf32>
    %add3A_1030 = arith.addf %add3A_1022, %add3A_1029 : vector<64x512xf32>
    %get3A_1031 = arith.constant 2 : index
    %get3A_1032 = arith.constant 1 : index
    %get3A_1033 = arith.constant 0 : index
    %get3A_1034 = arith.constant 0 : index
    %get3A_1035 = vector.load %arg5[%get3A_1031, %get3A_1032, %get3A_1033, %get3A_1034] : memref<3x2x1x512xf32, #tpu.memory_space<vmem>>, vector<1x1x1x512xf32>
    %get3A_1036 = vector.shape_cast %get3A_1035 : vector<1x1x1x512xf32> to vector<1x512xf32>
    %add3A_1037 = vector.broadcast %get3A_1036 : vector<1x512xf32> to vector<64x512xf32>
    %add3A_1038 = arith.addf %add3A_1030, %add3A_1037 : vector<64x512xf32>
    %slice3A_1039 = vector.extract_strided_slice %add3A_1038 {offsets = [0, 0], sizes = [64, 128], strides = [1, 1]} : vector<64x512xf32> to vector<64x128xf32>
    %logistic3A_1040 = arith.negf %slice3A_1039 : vector<64x128xf32>
    %logistic3A_1041 = math.exp %logistic3A_1040 : vector<64x128xf32>
    %logistic3A_1042 = arith.constant 1.000000e+00 : f32
    %logistic3A_1043 = vector.broadcast %logistic3A_1042 : f32 to vector<64x128xf32>
    %logistic3A_1044 = arith.addf %logistic3A_1043, %logistic3A_1041 : vector<64x128xf32>
    %logistic3A_1045 = arith.divf %logistic3A_1043, %logistic3A_1044 : vector<64x128xf32>
    %slice3A_1046 = vector.extract_strided_slice %add3A_1038 {offsets = [0, 128], sizes = [64, 128], strides = [1, 1]} : vector<64x512xf32> to vector<64x128xf32>
    %logistic3A_1047 = arith.negf %slice3A_1046 : vector<64x128xf32>
    %logistic3A_1048 = math.exp %logistic3A_1047 : vector<64x128xf32>
    %logistic3A_1049 = arith.constant 1.000000e+00 : f32
    %logistic3A_1050 = vector.broadcast %logistic3A_1049 : f32 to vector<64x128xf32>
    %logistic3A_1051 = arith.addf %logistic3A_1050, %logistic3A_1048 : vector<64x128xf32>
    %logistic3A_1052 = arith.divf %logistic3A_1050, %logistic3A_1051 : vector<64x128xf32>
    %slice3A_1053 = vector.extract_strided_slice %add3A_1038 {offsets = [0, 256], sizes = [64, 128], strides = [1, 1]} : vector<64x512xf32> to vector<64x128xf32>
    %tanh3A_1054 = math.tanh %slice3A_1053 : vector<64x128xf32>
    %slice3A_1055 = vector.extract_strided_slice %add3A_1038 {offsets = [0, 384], sizes = [64, 128], strides = [1, 1]} : vector<64x512xf32> to vector<64x128xf32>
    %logistic3A_1056 = arith.negf %slice3A_1055 : vector<64x128xf32>
    %logistic3A_1057 = math.exp %logistic3A_1056 : vector<64x128xf32>
    %logistic3A_1058 = arith.constant 1.000000e+00 : f32
    %logistic3A_1059 = vector.broadcast %logistic3A_1058 : f32 to vector<64x128xf32>
    %logistic3A_1060 = arith.addf %logistic3A_1059, %logistic3A_1057 : vector<64x128xf32>
    %logistic3A_1061 = arith.divf %logistic3A_1059, %logistic3A_1060 : vector<64x128xf32>
    %mul3A_1062 = arith.mulf %logistic3A_1052, %add3A_1003 : vector<64x128xf32>
    %mul3A_1063 = arith.mulf %logistic3A_1045, %tanh3A_1054 : vector<64x128xf32>
    %add3A_1064 = arith.addf %mul3A_1062, %mul3A_1063 : vector<64x128xf32>
    %tanh3A_1065 = math.tanh %add3A_1064 : vector<64x128xf32>
    %mul3A_1066 = arith.mulf %logistic3A_1061, %tanh3A_1065 : vector<64x128xf32>
    %concatenate3A_1067 = tpu.concatenate %mul3A_818, %mul3A_1066 in 1 : vector<64x128xf32>, vector<64x128xf32> -> vector<64x256xf32>
    %get3A_1068 = arith.constant 0 : index
    %get3A_1069 = arith.constant 0 : index
    %get3A_1070 = vector.load %arg6[%get3A_1068, %get3A_1069] : memref<256x5xf32, #tpu.memory_space<vmem>>, vector<256x5xf32>
    %dot_general3A_1071 = arith.constant dense<0.000000e+00> : vector<64x5xf32>
    %dot_general3A_1072 = tpu.matmul %concatenate3A_1067, %get3A_1070, %dot_general3A_1071 {dimension_numbers = #tpu.dot_dimension_numbers<[1], [0], [0], [1], [0, 0, 1, 1], [], []>, transpose_lhs_hint = false} : vector<64x256xf32>, vector<256x5xf32>, vector<64x5xf32> -> vector<64x5xf32>
    %get3A_1073 = arith.constant 0 : index
    %get3A_1074 = arith.constant 0 : index
    %get3A_1075 = vector.load %arg7[%get3A_1073, %get3A_1074] : memref<1x5xf32, #tpu.memory_space<vmem>>, vector<1x5xf32>
    %get3A_1076 = vector.shape_cast %get3A_1075 : vector<1x5xf32> to vector<5xf32>
    %broadcast_in_dim3A_1077 = vector.shape_cast %get3A_1076 : vector<5xf32> to vector<1x5xf32>
    %add3A_1078 = vector.broadcast %broadcast_in_dim3A_1077 : vector<1x5xf32> to vector<64x5xf32>
    %add3A_1079 = arith.addf %dot_general3A_1072, %add3A_1078 : vector<64x5xf32>
    %reduce_max3A_1080 = arith.constant dense<0xFF800000> : vector<64xf32>
    %reduce_max3A_1081 = vector.multi_reduction <maximumf>, %add3A_1079, %reduce_max3A_1080 [1] : vector<64x5xf32> to vector<64xf32>
    %broadcast_in_dim3A_1082 = vector.shape_cast %reduce_max3A_1081 : vector<64xf32> to vector<64x1xf32>
    %sub3A_1083 = vector.broadcast %broadcast_in_dim3A_1082 : vector<64x1xf32> to vector<64x5xf32>
    %sub3A_1084 = arith.subf %add3A_1079, %sub3A_1083 : vector<64x5xf32>
    %exp3A_1085 = math.exp %sub3A_1084 : vector<64x5xf32>
    %reduce_sum3A_1086 = arith.constant dense<0.000000e+00> : vector<64xf32>
    %reduce_sum3A_1087 = vector.multi_reduction <add>, %exp3A_1085, %reduce_sum3A_1086 [1] : vector<64x5xf32> to vector<64xf32>
    %broadcast_in_dim3A_1088 = vector.shape_cast %reduce_sum3A_1087 : vector<64xf32> to vector<64x1xf32>
    %div3A_1089 = vector.broadcast %broadcast_in_dim3A_1088 : vector<64x1xf32> to vector<64x5xf32>
    %div3A_1090 = arith.divf %exp3A_1085, %div3A_1089 : vector<64x5xf32>
    %swap3A_1091 = arith.constant 2 : index
    %swap3A_1092 = arith.constant 0 : index
    %swap3A_1093 = arith.constant 0 : index
    %swap3A_1094 = arith.constant 0 : index
    %swap3A_1095 = vector.load %arg8[%swap3A_1091, %swap3A_1092, %swap3A_1093, %swap3A_1094] : memref<3x2x64x5xf32, #tpu.memory_space<vmem>>, vector<1x1x64x5xf32>
    %swap3A_1096 = vector.shape_cast %swap3A_1095 : vector<1x1x64x5xf32> to vector<64x5xf32>
    %swap3A_1097 = vector.shape_cast %div3A_1090 : vector<64x5xf32> to vector<1x1x64x5xf32>
    tpu.vector_store %arg8[%swap3A_1091, %swap3A_1092, %swap3A_1093, %swap3A_1094], %swap3A_1097 {strides = array<i32>} : memref<3x2x64x5xf32, #tpu.memory_space<vmem>>, vector<1x1x64x5xf32>,
    %concatenate3A_1098 = tpu.concatenate %mul3A_879, %mul3A_1005 in 1 : vector<64x128xf32>, vector<64x128xf32> -> vector<64x256xf32>
    %get3A_1099 = arith.constant 0 : index
    %get3A_1100 = arith.constant 0 : index
    %get3A_1101 = vector.load %arg6[%get3A_1099, %get3A_1100] : memref<256x5xf32, #tpu.memory_space<vmem>>, vector<256x5xf32>
    %dot_general3A_1102 = arith.constant dense<0.000000e+00> : vector<64x5xf32>
    %dot_general3A_1103 = tpu.matmul %concatenate3A_1098, %get3A_1101, %dot_general3A_1102 {dimension_numbers = #tpu.dot_dimension_numbers<[1], [0], [0], [1], [0, 0, 1, 1], [], []>, transpose_lhs_hint = false} : vector<64x256xf32>, vector<256x5xf32>, vector<64x5xf32> -> vector<64x5xf32>
    %get3A_1104 = arith.constant 0 : index
    %get3A_1105 = arith.constant 0 : index
    %get3A_1106 = vector.load %arg7[%get3A_1104, %get3A_1105] : memref<1x5xf32, #tpu.memory_space<vmem>>, vector<1x5xf32>
    %get3A_1107 = vector.shape_cast %get3A_1106 : vector<1x5xf32> to vector<5xf32>
    %broadcast_in_dim3A_1108 = vector.shape_cast %get3A_1107 : vector<5xf32> to vector<1x5xf32>
    %add3A_1109 = vector.broadcast %broadcast_in_dim3A_1108 : vector<1x5xf32> to vector<64x5xf32>
    %add3A_1110 = arith.addf %dot_general3A_1103, %add3A_1109 : vector<64x5xf32>
    %reduce_max3A_1111 = arith.constant dense<0xFF800000> : vector<64xf32>
    %reduce_max3A_1112 = vector.multi_reduction <maximumf>, %add3A_1110, %reduce_max3A_1111 [1] : vector<64x5xf32> to vector<64xf32>
    %broadcast_in_dim3A_1113 = vector.shape_cast %reduce_max3A_1112 : vector<64xf32> to vector<64x1xf32>
    %sub3A_1114 = vector.broadcast %broadcast_in_dim3A_1113 : vector<64x1xf32> to vector<64x5xf32>
    %sub3A_1115 = arith.subf %add3A_1110, %sub3A_1114 : vector<64x5xf32>
    %exp3A_1116 = math.exp %sub3A_1115 : vector<64x5xf32>
    %reduce_sum3A_1117 = arith.constant dense<0.000000e+00> : vector<64xf32>
    %reduce_sum3A_1118 = vector.multi_reduction <add>, %exp3A_1116, %reduce_sum3A_1117 [1] : vector<64x5xf32> to vector<64xf32>
    %broadcast_in_dim3A_1119 = vector.shape_cast %reduce_sum3A_1118 : vector<64xf32> to vector<64x1xf32>
    %div3A_1120 = vector.broadcast %broadcast_in_dim3A_1119 : vector<64x1xf32> to vector<64x5xf32>
    %div3A_1121 = arith.divf %exp3A_1116, %div3A_1120 : vector<64x5xf32>
    %swap3A_1122 = arith.constant 2 : index
    %swap3A_1123 = arith.constant 1 : index
    %swap3A_1124 = arith.constant 0 : index
    %swap3A_1125 = arith.constant 0 : index
    %swap3A_1126 = vector.load %arg8[%swap3A_1122, %swap3A_1123, %swap3A_1124, %swap3A_1125] : memref<3x2x64x5xf32, #tpu.memory_space<vmem>>, vector<1x1x64x5xf32>
    %swap3A_1127 = vector.shape_cast %swap3A_1126 : vector<1x1x64x5xf32> to vector<64x5xf32>
    %swap3A_1128 = vector.shape_cast %div3A_1121 : vector<64x5xf32> to vector<1x1x64x5xf32>
    tpu.vector_store %arg8[%swap3A_1122, %swap3A_1123, %swap3A_1124, %swap3A_1125], %swap3A_1128 {strides = array<i32>} : memref<3x2x64x5xf32, #tpu.memory_space<vmem>>, vector<1x1x64x5xf32>,
    return
  }
}

module attributes {stable_mosaic.version = 14 : i64} {
  func.func @_combine_body(%arg0: i32, %arg1: memref<4x64x256xf32, #tpu.memory_space<vmem>>, %arg2: memref<1x64xi32, #tpu.memory_space<vmem>>, %arg3: memref<192x5xf32, #tpu.memory_space<vmem>>, %arg4: memref<256x192xf32, #tpu.memory_space<vmem>>, %arg5: memref<1x192xf32, #tpu.memory_space<vmem>>) attributes {dimension_semantics = [#tpu.dimension_semantics<arbitrary>], iteration_bounds = array<i64: 40>, scalar_prefetch = 0 : i64, scratch_operands = 0 : i64, tpu.core_type = #tpu.core_type<tc>, window_params = [{transform_indices = @transform_0, window_bounds = array<i64: 4, 64, 256>}, {pipeline_mode = #tpu.pipeline_mode<synchronous>, transform_indices = @transform_1, window_bounds = array<i64: 1, 64>}, {pipeline_mode = #tpu.pipeline_mode<synchronous>, transform_indices = @transform_2, window_bounds = array<i64: 192, 5>}, {transform_indices = @transform_3, window_bounds = array<i64: 256, 192>}, {pipeline_mode = #tpu.pipeline_mode<synchronous>, transform_indices = @transform_4, window_bounds = array<i64: 1, 192>}]} {
    %mul3A = arith.constant 256 : i32
    %mul3A_0 = arith.muli %arg0, %mul3A : i32
    %iota3A = tpu.iota {dimensions = array<i32: 1>} : vector<64x256xi32>
    %add3A = vector.broadcast %mul3A_0 : i32 to vector<64x256xi32>
    %add3A_1 = arith.addi %add3A, %iota3A : vector<64x256xi32>
    %get3A = arith.constant 0 : index
    %get3A_2 = arith.constant 0 : index
    %get3A_3 = vector.load %arg2[%get3A, %get3A_2] : memref<1x64xi32, #tpu.memory_space<vmem>>, vector<1x64xi32>
    %get3A_4 = vector.shape_cast %get3A_3 : vector<1x64xi32> to vector<64xi32>
    %broadcast_in_dim3A = vector.shape_cast %get3A_4 : vector<64xi32> to vector<64x1xi32>
    %eq3A = vector.broadcast %broadcast_in_dim3A : vector<64x1xi32> to vector<64x256xi32>
    %eq3A_5 = arith.cmpi eq, %add3A_1, %eq3A : vector<64x256xi32>
    %jit3A = arith.constant 1.000000e+00 : f32
    %jit3A_6 = arith.constant 0.000000e+00 : f32
    %broadcast_in_dim3A_7 = vector.broadcast %jit3A : f32 to vector<64x256xf32>
    %broadcast_in_dim3A_8 = vector.broadcast %jit3A_6 : f32 to vector<64x256xf32>
    %select_n3A = arith.select %eq3A_5, %broadcast_in_dim3A_7, %broadcast_in_dim3A_8 : vector<64x256xi1>, vector<64x256xf32>
    %lt3A = arith.constant 10000 : i32
    %lt3A_9 = vector.broadcast %lt3A : i32 to vector<64x256xi32>
    %lt3A_10 = arith.cmpi slt, %add3A_1, %lt3A_9 : vector<64x256xi32>
    %eq3A_11 = arith.constant 0 : i32
    %eq3A_12 = arith.cmpi eq, %arg0, %eq3A_11 : i32
    %convert_element_type3A = arith.extui %eq3A_12 : i1 to i32
    %cond3A = arith.constant 0 : i32
    %cond3A_13 = arith.cmpi ne, %convert_element_type3A, %cond3A : i32
    scf.if %cond3A_13 {
      %broadcast_in_dim3A_241 = arith.constant 0.000000e+00 : f32
      %broadcast_in_dim3A_242 = vector.broadcast %broadcast_in_dim3A_241 : f32 to vector<1x192xf32>
      %swap3A_243 = arith.constant 0 : index
      %swap3A_244 = arith.constant 0 : index
      %swap3A_245 = vector.load %arg5[%swap3A_243, %swap3A_244] : memref<1x192xf32, #tpu.memory_space<vmem>>, vector<1x192xf32>
      tpu.vector_store %arg5[%swap3A_243, %swap3A_244], %broadcast_in_dim3A_242 {strides = array<i32>} : memref<1x192xf32, #tpu.memory_space<vmem>>, vector<1x192xf32>,
    } else {
    }
    %get3A_14 = arith.constant 0 : index
    %get3A_15 = arith.constant 4 : index
    %get3A_16 = vector.load %arg3[%get3A_14, %get3A_15] : memref<192x5xf32, #tpu.memory_space<vmem>>, vector<64x1xf32>
    %get3A_17 = vector.shape_cast %get3A_16 : vector<64x1xf32> to vector<64xf32>
    %broadcast_in_dim3A_18 = vector.shape_cast %get3A_17 : vector<64xf32> to vector<64x1xf32>
    %mul3A_19 = vector.broadcast %broadcast_in_dim3A_18 : vector<64x1xf32> to vector<64x256xf32>
    %mul3A_20 = arith.mulf %select_n3A, %mul3A_19 : vector<64x256xf32>
    %get3A_21 = arith.constant 0 : index
    %get3A_22 = arith.constant 0 : index
    %get3A_23 = arith.constant 0 : index
    %get3A_24 = vector.load %arg1[%get3A_21, %get3A_22, %get3A_23] : memref<4x64x256xf32, #tpu.memory_space<vmem>>, vector<1x64x256xf32>
    %get3A_25 = vector.shape_cast %get3A_24 : vector<1x64x256xf32> to vector<64x256xf32>
    %get3A_26 = arith.constant 0 : index
    %get3A_27 = arith.constant 0 : index
    %get3A_28 = vector.load %arg3[%get3A_26, %get3A_27] : memref<192x5xf32, #tpu.memory_space<vmem>>, vector<64x1xf32>
    %get3A_29 = vector.shape_cast %get3A_28 : vector<64x1xf32> to vector<64xf32>
    %broadcast_in_dim3A_30 = vector.shape_cast %get3A_29 : vector<64xf32> to vector<64x1xf32>
    %mul3A_31 = vector.broadcast %broadcast_in_dim3A_30 : vector<64x1xf32> to vector<64x256xf32>
    %mul3A_32 = arith.mulf %get3A_25, %mul3A_31 : vector<64x256xf32>
    %add3A_33 = arith.addf %mul3A_20, %mul3A_32 : vector<64x256xf32>
    %get3A_34 = arith.constant 1 : index
    %get3A_35 = arith.constant 0 : index
    %get3A_36 = arith.constant 0 : index
    %get3A_37 = vector.load %arg1[%get3A_34, %get3A_35, %get3A_36] : memref<4x64x256xf32, #tpu.memory_space<vmem>>, vector<1x64x256xf32>
    %get3A_38 = vector.shape_cast %get3A_37 : vector<1x64x256xf32> to vector<64x256xf32>
    %get3A_39 = arith.constant 0 : index
    %get3A_40 = arith.constant 1 : index
    %get3A_41 = vector.load %arg3[%get3A_39, %get3A_40] : memref<192x5xf32, #tpu.memory_space<vmem>>, vector<64x1xf32>
    %get3A_42 = vector.shape_cast %get3A_41 : vector<64x1xf32> to vector<64xf32>
    %broadcast_in_dim3A_43 = vector.shape_cast %get3A_42 : vector<64xf32> to vector<64x1xf32>
    %mul3A_44 = vector.broadcast %broadcast_in_dim3A_43 : vector<64x1xf32> to vector<64x256xf32>
    %mul3A_45 = arith.mulf %get3A_38, %mul3A_44 : vector<64x256xf32>
    %add3A_46 = arith.addf %add3A_33, %mul3A_45 : vector<64x256xf32>
    %get3A_47 = arith.constant 2 : index
    %get3A_48 = arith.constant 0 : index
    %get3A_49 = arith.constant 0 : index
    %get3A_50 = vector.load %arg1[%get3A_47, %get3A_48, %get3A_49] : memref<4x64x256xf32, #tpu.memory_space<vmem>>, vector<1x64x256xf32>
    %get3A_51 = vector.shape_cast %get3A_50 : vector<1x64x256xf32> to vector<64x256xf32>
    %get3A_52 = arith.constant 0 : index
    %get3A_53 = arith.constant 2 : index
    %get3A_54 = vector.load %arg3[%get3A_52, %get3A_53] : memref<192x5xf32, #tpu.memory_space<vmem>>, vector<64x1xf32>
    %get3A_55 = vector.shape_cast %get3A_54 : vector<64x1xf32> to vector<64xf32>
    %broadcast_in_dim3A_56 = vector.shape_cast %get3A_55 : vector<64xf32> to vector<64x1xf32>
    %mul3A_57 = vector.broadcast %broadcast_in_dim3A_56 : vector<64x1xf32> to vector<64x256xf32>
    %mul3A_58 = arith.mulf %get3A_51, %mul3A_57 : vector<64x256xf32>
    %add3A_59 = arith.addf %add3A_46, %mul3A_58 : vector<64x256xf32>
    %get3A_60 = arith.constant 3 : index
    %get3A_61 = arith.constant 0 : index
    %get3A_62 = arith.constant 0 : index
    %get3A_63 = vector.load %arg1[%get3A_60, %get3A_61, %get3A_62] : memref<4x64x256xf32, #tpu.memory_space<vmem>>, vector<1x64x256xf32>
    %get3A_64 = vector.shape_cast %get3A_63 : vector<1x64x256xf32> to vector<64x256xf32>
    %get3A_65 = arith.constant 0 : index
    %get3A_66 = arith.constant 3 : index
    %get3A_67 = vector.load %arg3[%get3A_65, %get3A_66] : memref<192x5xf32, #tpu.memory_space<vmem>>, vector<64x1xf32>
    %get3A_68 = vector.shape_cast %get3A_67 : vector<64x1xf32> to vector<64xf32>
    %broadcast_in_dim3A_69 = vector.shape_cast %get3A_68 : vector<64xf32> to vector<64x1xf32>
    %mul3A_70 = vector.broadcast %broadcast_in_dim3A_69 : vector<64x1xf32> to vector<64x256xf32>
    %mul3A_71 = arith.mulf %get3A_64, %mul3A_70 : vector<64x256xf32>
    %add3A_72 = arith.addf %add3A_59, %mul3A_71 : vector<64x256xf32>
    %abs3A = math.absf %add3A_72 : vector<64x256xf32>
    %jit3A_73 = arith.constant 0.000000e+00 : f32
    %broadcast_in_dim3A_74 = vector.broadcast %jit3A_73 : f32 to vector<64x256xf32>
    %select_n3A_75 = arith.select %lt3A_10, %abs3A, %broadcast_in_dim3A_74 : vector<64x256xi1>, vector<64x256xf32>
    %reduce_sum3A = arith.constant dense<0.000000e+00> : vector<64xf32>
    %reduce_sum3A_76 = vector.multi_reduction <add>, %select_n3A_75, %reduce_sum3A [1] : vector<64x256xf32> to vector<64xf32>
    %broadcast_in_dim3A_77 = vector.shape_cast %reduce_sum3A_76 : vector<64xf32> to vector<1x64xf32>
    %get3A_78 = arith.constant 0 : index
    %get3A_79 = arith.constant 0 : index
    %get3A_80 = vector.load %arg5[%get3A_78, %get3A_79] : memref<1x192xf32, #tpu.memory_space<vmem>>, vector<1x64xf32>
    %add3A_81 = arith.addf %get3A_80, %broadcast_in_dim3A_77 : vector<1x64xf32>
    %swap3A = arith.constant 0 : index
    %swap3A_82 = arith.constant 0 : index
    %swap3A_83 = vector.load %arg5[%swap3A, %swap3A_82] : memref<1x192xf32, #tpu.memory_space<vmem>>, vector<1x64xf32>
    tpu.vector_store %arg5[%swap3A, %swap3A_82], %add3A_81 {strides = array<i32>} : memref<1x192xf32, #tpu.memory_space<vmem>>, vector<1x64xf32>,
    %transpose3A = tpu.transpose %add3A_72, [1, 0] : vector<64x256xf32> -> vector<256x64xf32>
    %swap3A_84 = arith.constant 0 : index
    %swap3A_85 = arith.constant 0 : index
    %swap3A_86 = vector.load %arg4[%swap3A_84, %swap3A_85] : memref<256x192xf32, #tpu.memory_space<vmem>>, vector<256x64xf32>
    tpu.vector_store %arg4[%swap3A_84, %swap3A_85], %transpose3A {strides = array<i32>} : memref<256x192xf32, #tpu.memory_space<vmem>>, vector<256x64xf32>,
    %get3A_87 = arith.constant 64 : index
    %get3A_88 = arith.constant 4 : index
    %get3A_89 = vector.load %arg3[%get3A_87, %get3A_88] : memref<192x5xf32, #tpu.memory_space<vmem>>, vector<64x1xf32>
    %get3A_90 = vector.shape_cast %get3A_89 : vector<64x1xf32> to vector<64xf32>
    %broadcast_in_dim3A_91 = vector.shape_cast %get3A_90 : vector<64xf32> to vector<64x1xf32>
    %mul3A_92 = vector.broadcast %broadcast_in_dim3A_91 : vector<64x1xf32> to vector<64x256xf32>
    %mul3A_93 = arith.mulf %select_n3A, %mul3A_92 : vector<64x256xf32>
    %get3A_94 = arith.constant 0 : index
    %get3A_95 = arith.constant 0 : index
    %get3A_96 = arith.constant 0 : index
    %get3A_97 = vector.load %arg1[%get3A_94, %get3A_95, %get3A_96] : memref<4x64x256xf32, #tpu.memory_space<vmem>>, vector<1x64x256xf32>
    %get3A_98 = vector.shape_cast %get3A_97 : vector<1x64x256xf32> to vector<64x256xf32>
    %get3A_99 = arith.constant 64 : index
    %get3A_100 = arith.constant 0 : index
    %get3A_101 = vector.load %arg3[%get3A_99, %get3A_100] : memref<192x5xf32, #tpu.memory_space<vmem>>, vector<64x1xf32>
    %get3A_102 = vector.shape_cast %get3A_101 : vector<64x1xf32> to vector<64xf32>
    %broadcast_in_dim3A_103 = vector.shape_cast %get3A_102 : vector<64xf32> to vector<64x1xf32>
    %mul3A_104 = vector.broadcast %broadcast_in_dim3A_103 : vector<64x1xf32> to vector<64x256xf32>
    %mul3A_105 = arith.mulf %get3A_98, %mul3A_104 : vector<64x256xf32>
    %add3A_106 = arith.addf %mul3A_93, %mul3A_105 : vector<64x256xf32>
    %get3A_107 = arith.constant 1 : index
    %get3A_108 = arith.constant 0 : index
    %get3A_109 = arith.constant 0 : index
    %get3A_110 = vector.load %arg1[%get3A_107, %get3A_108, %get3A_109] : memref<4x64x256xf32, #tpu.memory_space<vmem>>, vector<1x64x256xf32>
    %get3A_111 = vector.shape_cast %get3A_110 : vector<1x64x256xf32> to vector<64x256xf32>
    %get3A_112 = arith.constant 64 : index
    %get3A_113 = arith.constant 1 : index
    %get3A_114 = vector.load %arg3[%get3A_112, %get3A_113] : memref<192x5xf32, #tpu.memory_space<vmem>>, vector<64x1xf32>
    %get3A_115 = vector.shape_cast %get3A_114 : vector<64x1xf32> to vector<64xf32>
    %broadcast_in_dim3A_116 = vector.shape_cast %get3A_115 : vector<64xf32> to vector<64x1xf32>
    %mul3A_117 = vector.broadcast %broadcast_in_dim3A_116 : vector<64x1xf32> to vector<64x256xf32>
    %mul3A_118 = arith.mulf %get3A_111, %mul3A_117 : vector<64x256xf32>
    %add3A_119 = arith.addf %add3A_106, %mul3A_118 : vector<64x256xf32>
    %get3A_120 = arith.constant 2 : index
    %get3A_121 = arith.constant 0 : index
    %get3A_122 = arith.constant 0 : index
    %get3A_123 = vector.load %arg1[%get3A_120, %get3A_121, %get3A_122] : memref<4x64x256xf32, #tpu.memory_space<vmem>>, vector<1x64x256xf32>
    %get3A_124 = vector.shape_cast %get3A_123 : vector<1x64x256xf32> to vector<64x256xf32>
    %get3A_125 = arith.constant 64 : index
    %get3A_126 = arith.constant 2 : index
    %get3A_127 = vector.load %arg3[%get3A_125, %get3A_126] : memref<192x5xf32, #tpu.memory_space<vmem>>, vector<64x1xf32>
    %get3A_128 = vector.shape_cast %get3A_127 : vector<64x1xf32> to vector<64xf32>
    %broadcast_in_dim3A_129 = vector.shape_cast %get3A_128 : vector<64xf32> to vector<64x1xf32>
    %mul3A_130 = vector.broadcast %broadcast_in_dim3A_129 : vector<64x1xf32> to vector<64x256xf32>
    %mul3A_131 = arith.mulf %get3A_124, %mul3A_130 : vector<64x256xf32>
    %add3A_132 = arith.addf %add3A_119, %mul3A_131 : vector<64x256xf32>
    %get3A_133 = arith.constant 3 : index
    %get3A_134 = arith.constant 0 : index
    %get3A_135 = arith.constant 0 : index
    %get3A_136 = vector.load %arg1[%get3A_133, %get3A_134, %get3A_135] : memref<4x64x256xf32, #tpu.memory_space<vmem>>, vector<1x64x256xf32>
    %get3A_137 = vector.shape_cast %get3A_136 : vector<1x64x256xf32> to vector<64x256xf32>
    %get3A_138 = arith.constant 64 : index
    %get3A_139 = arith.constant 3 : index
    %get3A_140 = vector.load %arg3[%get3A_138, %get3A_139] : memref<192x5xf32, #tpu.memory_space<vmem>>, vector<64x1xf32>
    %get3A_141 = vector.shape_cast %get3A_140 : vector<64x1xf32> to vector<64xf32>
    %broadcast_in_dim3A_142 = vector.shape_cast %get3A_141 : vector<64xf32> to vector<64x1xf32>
    %mul3A_143 = vector.broadcast %broadcast_in_dim3A_142 : vector<64x1xf32> to vector<64x256xf32>
    %mul3A_144 = arith.mulf %get3A_137, %mul3A_143 : vector<64x256xf32>
    %add3A_145 = arith.addf %add3A_132, %mul3A_144 : vector<64x256xf32>
    %abs3A_146 = math.absf %add3A_145 : vector<64x256xf32>
    %jit3A_147 = arith.constant 0.000000e+00 : f32
    %broadcast_in_dim3A_148 = vector.broadcast %jit3A_147 : f32 to vector<64x256xf32>
    %select_n3A_149 = arith.select %lt3A_10, %abs3A_146, %broadcast_in_dim3A_148 : vector<64x256xi1>, vector<64x256xf32>
    %reduce_sum3A_150 = arith.constant dense<0.000000e+00> : vector<64xf32>
    %reduce_sum3A_151 = vector.multi_reduction <add>, %select_n3A_149, %reduce_sum3A_150 [1] : vector<64x256xf32> to vector<64xf32>
    %broadcast_in_dim3A_152 = vector.shape_cast %reduce_sum3A_151 : vector<64xf32> to vector<1x64xf32>
    %get3A_153 = arith.constant 0 : index
    %get3A_154 = arith.constant 64 : index
    %get3A_155 = vector.load %arg5[%get3A_153, %get3A_154] : memref<1x192xf32, #tpu.memory_space<vmem>>, vector<1x64xf32>
    %add3A_156 = arith.addf %get3A_155, %broadcast_in_dim3A_152 : vector<1x64xf32>
    %swap3A_157 = arith.constant 0 : index
    %swap3A_158 = arith.constant 64 : index
    %swap3A_159 = vector.load %arg5[%swap3A_157, %swap3A_158] : memref<1x192xf32, #tpu.memory_space<vmem>>, vector<1x64xf32>
    tpu.vector_store %arg5[%swap3A_157, %swap3A_158], %add3A_156 {strides = array<i32>} : memref<1x192xf32, #tpu.memory_space<vmem>>, vector<1x64xf32>,
    %transpose3A_160 = tpu.transpose %add3A_145, [1, 0] : vector<64x256xf32> -> vector<256x64xf32>
    %swap3A_161 = arith.constant 0 : index
    %swap3A_162 = arith.constant 64 : index
    %swap3A_163 = vector.load %arg4[%swap3A_161, %swap3A_162] : memref<256x192xf32, #tpu.memory_space<vmem>>, vector<256x64xf32>
    tpu.vector_store %arg4[%swap3A_161, %swap3A_162], %transpose3A_160 {strides = array<i32>} : memref<256x192xf32, #tpu.memory_space<vmem>>, vector<256x64xf32>,
    %get3A_164 = arith.constant 128 : index
    %get3A_165 = arith.constant 4 : index
    %get3A_166 = vector.load %arg3[%get3A_164, %get3A_165] : memref<192x5xf32, #tpu.memory_space<vmem>>, vector<64x1xf32>
    %get3A_167 = vector.shape_cast %get3A_166 : vector<64x1xf32> to vector<64xf32>
    %broadcast_in_dim3A_168 = vector.shape_cast %get3A_167 : vector<64xf32> to vector<64x1xf32>
    %mul3A_169 = vector.broadcast %broadcast_in_dim3A_168 : vector<64x1xf32> to vector<64x256xf32>
    %mul3A_170 = arith.mulf %select_n3A, %mul3A_169 : vector<64x256xf32>
    %get3A_171 = arith.constant 0 : index
    %get3A_172 = arith.constant 0 : index
    %get3A_173 = arith.constant 0 : index
    %get3A_174 = vector.load %arg1[%get3A_171, %get3A_172, %get3A_173] : memref<4x64x256xf32, #tpu.memory_space<vmem>>, vector<1x64x256xf32>
    %get3A_175 = vector.shape_cast %get3A_174 : vector<1x64x256xf32> to vector<64x256xf32>
    %get3A_176 = arith.constant 128 : index
    %get3A_177 = arith.constant 0 : index
    %get3A_178 = vector.load %arg3[%get3A_176, %get3A_177] : memref<192x5xf32, #tpu.memory_space<vmem>>, vector<64x1xf32>
    %get3A_179 = vector.shape_cast %get3A_178 : vector<64x1xf32> to vector<64xf32>
    %broadcast_in_dim3A_180 = vector.shape_cast %get3A_179 : vector<64xf32> to vector<64x1xf32>
    %mul3A_181 = vector.broadcast %broadcast_in_dim3A_180 : vector<64x1xf32> to vector<64x256xf32>
    %mul3A_182 = arith.mulf %get3A_175, %mul3A_181 : vector<64x256xf32>
    %add3A_183 = arith.addf %mul3A_170, %mul3A_182 : vector<64x256xf32>
    %get3A_184 = arith.constant 1 : index
    %get3A_185 = arith.constant 0 : index
    %get3A_186 = arith.constant 0 : index
    %get3A_187 = vector.load %arg1[%get3A_184, %get3A_185, %get3A_186] : memref<4x64x256xf32, #tpu.memory_space<vmem>>, vector<1x64x256xf32>
    %get3A_188 = vector.shape_cast %get3A_187 : vector<1x64x256xf32> to vector<64x256xf32>
    %get3A_189 = arith.constant 128 : index
    %get3A_190 = arith.constant 1 : index
    %get3A_191 = vector.load %arg3[%get3A_189, %get3A_190] : memref<192x5xf32, #tpu.memory_space<vmem>>, vector<64x1xf32>
    %get3A_192 = vector.shape_cast %get3A_191 : vector<64x1xf32> to vector<64xf32>
    %broadcast_in_dim3A_193 = vector.shape_cast %get3A_192 : vector<64xf32> to vector<64x1xf32>
    %mul3A_194 = vector.broadcast %broadcast_in_dim3A_193 : vector<64x1xf32> to vector<64x256xf32>
    %mul3A_195 = arith.mulf %get3A_188, %mul3A_194 : vector<64x256xf32>
    %add3A_196 = arith.addf %add3A_183, %mul3A_195 : vector<64x256xf32>
    %get3A_197 = arith.constant 2 : index
    %get3A_198 = arith.constant 0 : index
    %get3A_199 = arith.constant 0 : index
    %get3A_200 = vector.load %arg1[%get3A_197, %get3A_198, %get3A_199] : memref<4x64x256xf32, #tpu.memory_space<vmem>>, vector<1x64x256xf32>
    %get3A_201 = vector.shape_cast %get3A_200 : vector<1x64x256xf32> to vector<64x256xf32>
    %get3A_202 = arith.constant 128 : index
    %get3A_203 = arith.constant 2 : index
    %get3A_204 = vector.load %arg3[%get3A_202, %get3A_203] : memref<192x5xf32, #tpu.memory_space<vmem>>, vector<64x1xf32>
    %get3A_205 = vector.shape_cast %get3A_204 : vector<64x1xf32> to vector<64xf32>
    %broadcast_in_dim3A_206 = vector.shape_cast %get3A_205 : vector<64xf32> to vector<64x1xf32>
    %mul3A_207 = vector.broadcast %broadcast_in_dim3A_206 : vector<64x1xf32> to vector<64x256xf32>
    %mul3A_208 = arith.mulf %get3A_201, %mul3A_207 : vector<64x256xf32>
    %add3A_209 = arith.addf %add3A_196, %mul3A_208 : vector<64x256xf32>
    %get3A_210 = arith.constant 3 : index
    %get3A_211 = arith.constant 0 : index
    %get3A_212 = arith.constant 0 : index
    %get3A_213 = vector.load %arg1[%get3A_210, %get3A_211, %get3A_212] : memref<4x64x256xf32, #tpu.memory_space<vmem>>, vector<1x64x256xf32>
    %get3A_214 = vector.shape_cast %get3A_213 : vector<1x64x256xf32> to vector<64x256xf32>
    %get3A_215 = arith.constant 128 : index
    %get3A_216 = arith.constant 3 : index
    %get3A_217 = vector.load %arg3[%get3A_215, %get3A_216] : memref<192x5xf32, #tpu.memory_space<vmem>>, vector<64x1xf32>
    %get3A_218 = vector.shape_cast %get3A_217 : vector<64x1xf32> to vector<64xf32>
    %broadcast_in_dim3A_219 = vector.shape_cast %get3A_218 : vector<64xf32> to vector<64x1xf32>
    %mul3A_220 = vector.broadcast %broadcast_in_dim3A_219 : vector<64x1xf32> to vector<64x256xf32>
    %mul3A_221 = arith.mulf %get3A_214, %mul3A_220 : vector<64x256xf32>
    %add3A_222 = arith.addf %add3A_209, %mul3A_221 : vector<64x256xf32>
    %abs3A_223 = math.absf %add3A_222 : vector<64x256xf32>
    %jit3A_224 = arith.constant 0.000000e+00 : f32
    %broadcast_in_dim3A_225 = vector.broadcast %jit3A_224 : f32 to vector<64x256xf32>
    %select_n3A_226 = arith.select %lt3A_10, %abs3A_223, %broadcast_in_dim3A_225 : vector<64x256xi1>, vector<64x256xf32>
    %reduce_sum3A_227 = arith.constant dense<0.000000e+00> : vector<64xf32>
    %reduce_sum3A_228 = vector.multi_reduction <add>, %select_n3A_226, %reduce_sum3A_227 [1] : vector<64x256xf32> to vector<64xf32>
    %broadcast_in_dim3A_229 = vector.shape_cast %reduce_sum3A_228 : vector<64xf32> to vector<1x64xf32>
    %get3A_230 = arith.constant 0 : index
    %get3A_231 = arith.constant 128 : index
    %get3A_232 = vector.load %arg5[%get3A_230, %get3A_231] : memref<1x192xf32, #tpu.memory_space<vmem>>, vector<1x64xf32>
    %add3A_233 = arith.addf %get3A_232, %broadcast_in_dim3A_229 : vector<1x64xf32>
    %swap3A_234 = arith.constant 0 : index
    %swap3A_235 = arith.constant 128 : index
    %swap3A_236 = vector.load %arg5[%swap3A_234, %swap3A_235] : memref<1x192xf32, #tpu.memory_space<vmem>>, vector<1x64xf32>
    tpu.vector_store %arg5[%swap3A_234, %swap3A_235], %add3A_233 {strides = array<i32>} : memref<1x192xf32, #tpu.memory_space<vmem>>, vector<1x64xf32>,
    %transpose3A_237 = tpu.transpose %add3A_222, [1, 0] : vector<64x256xf32> -> vector<256x64xf32>
    %swap3A_238 = arith.constant 0 : index
    %swap3A_239 = arith.constant 128 : index
    %swap3A_240 = vector.load %arg4[%swap3A_238, %swap3A_239] : memref<256x192xf32, #tpu.memory_space<vmem>>, vector<256x64xf32>
    tpu.vector_store %arg4[%swap3A_238, %swap3A_239], %transpose3A_237 {strides = array<i32>} : memref<256x192xf32, #tpu.memory_space<vmem>>, vector<256x64xf32>,
    return
  }
  func.func @transform_0(%arg0: i32) -> (i32, i32, i32) {
    %c0_i32 = arith.constant 0 : i32
    %c0_i32_0 = arith.constant 0 : i32
    %c0_i32_1 = arith.constant 0 : i32
    return %c0_i32, %c0_i32_0, %arg0 : i32, i32, i32
  }
  func.func @transform_1(%arg0: i32) -> (i32, i32) {
    %c0_i32 = arith.constant 0 : i32
    %c0_i32_0 = arith.constant 0 : i32
    %c0_i32_1 = arith.constant 0 : i32
    return %c0_i32, %c0_i32_0 : i32, i32
  }
  func.func @transform_2(%arg0: i32) -> (i32, i32) {
    %c0_i32 = arith.constant 0 : i32
    %c0_i32_0 = arith.constant 0 : i32
    %c0_i32_1 = arith.constant 0 : i32
    return %c0_i32, %c0_i32_0 : i32, i32
  }
  func.func @transform_3(%arg0: i32) -> (i32, i32) {
    %c0_i32 = arith.constant 0 : i32
    %c0_i32_0 = arith.constant 0 : i32
    return %arg0, %c0_i32 : i32, i32
  }
  func.func @transform_4(%arg0: i32) -> (i32, i32) {
    %c0_i32 = arith.constant 0 : i32
    %c0_i32_0 = arith.constant 0 : i32
    %c0_i32_1 = arith.constant 0 : i32
    return %c0_i32, %c0_i32_0 : i32, i32
  }
}

module attributes {stable_mosaic.version = 14 : i64} {
  func.func @_prop_body(%arg0: i32, %arg1: i32, %arg2: memref<1x200x10000xf32, #tpu.memory_space<vmem>>, %arg3: memref<10000x192xf32, #tpu.memory_space<vmem>>, %arg4: memref<1x1x192xf32, #tpu.memory_space<vmem>>, %arg5: memref<1x192xf32, #tpu.memory_space<vmem>>, %arg6: memref<1x192xf32, #tpu.memory_space<vmem>>, %arg7: memref<200x192xf32, #tpu.memory_space<vmem>>, %arg8: memref<1x192xf32, #tpu.memory_space<vmem>>) attributes {dimension_semantics = [#tpu.dimension_semantics<arbitrary>, #tpu.dimension_semantics<arbitrary>], iteration_bounds = array<i64: 50, 4>, scalar_prefetch = 0 : i64, scratch_operands = 0 : i64, tpu.core_type = #tpu.core_type<tc>, window_params = [{transform_indices = @transform_0, window_bounds = array<i64: 1, 200, 10000>}, {pipeline_mode = #tpu.pipeline_mode<synchronous>, transform_indices = @transform_1, window_bounds = array<i64: 10000, 192>}, {transform_indices = @transform_2, window_bounds = array<i64: 1, 1, 192>}, {pipeline_mode = #tpu.pipeline_mode<synchronous>, transform_indices = @transform_3, window_bounds = array<i64: 1, 192>}, {pipeline_mode = #tpu.pipeline_mode<synchronous>, transform_indices = @transform_4, window_bounds = array<i64: 1, 192>}, {transform_indices = @transform_5, window_bounds = array<i64: 200, 192>}, {pipeline_mode = #tpu.pipeline_mode<synchronous>, transform_indices = @transform_6, window_bounds = array<i64: 1, 192>}]} {
    %get3A = arith.constant 0 : index
    %get3A_0 = arith.constant 0 : index
    %get3A_1 = vector.load %arg6[%get3A, %get3A_0] : memref<1x192xf32, #tpu.memory_space<vmem>>, vector<1x192xf32>
    %get3A_2 = vector.shape_cast %get3A_1 : vector<1x192xf32> to vector<192xf32>
    %max3A = arith.constant 9.99999968E-21 : f32
    %max3A_3 = vector.broadcast %max3A : f32 to vector<192xf32>
    %max3A_4 = arith.maximumf %get3A_2, %max3A_3 : vector<192xf32>
    %div3A = arith.constant 1.000000e+00 : f32
    %div3A_5 = vector.broadcast %div3A : f32 to vector<192xf32>
    %div3A_6 = arith.divf %div3A_5, %max3A_4 : vector<192xf32>
    %get3A_7 = arith.constant 0 : index
    %get3A_8 = arith.constant 0 : index
    %get3A_9 = arith.constant 0 : index
    %get3A_10 = vector.load %arg4[%get3A_7, %get3A_8, %get3A_9] : memref<1x1x192xf32, #tpu.memory_space<vmem>>, vector<1x1x192xf32>
    %get3A_11 = vector.shape_cast %get3A_10 : vector<1x1x192xf32> to vector<192xf32>
    %mul3A = arith.mulf %get3A_11, %div3A_6 : vector<192xf32>
    %get3A_12 = arith.constant 0 : index
    %get3A_13 = arith.constant 0 : index
    %get3A_14 = arith.constant 0 : index
    %get3A_15 = vector.load %arg2[%get3A_12, %get3A_13, %get3A_14] : memref<1x200x10000xf32, #tpu.memory_space<vmem>>, vector<1x200x10000xf32>
    %get3A_16 = vector.shape_cast %get3A_15 : vector<1x200x10000xf32> to vector<200x10000xf32>
    %get3A_17 = arith.constant 0 : index
    %get3A_18 = arith.constant 0 : index
    %get3A_19 = vector.load %arg3[%get3A_17, %get3A_18] : memref<10000x192xf32, #tpu.memory_space<vmem>>, vector<10000x192xf32>
    %dot_general3A = arith.constant dense<0.000000e+00> : vector<200x192xf32>
    %dot_general3A_20 = tpu.matmul %get3A_16, %get3A_19, %dot_general3A {dimension_numbers = #tpu.dot_dimension_numbers<[1], [0], [0], [1], [0, 0, 1, 1], [], []>, transpose_lhs_hint = false} : vector<200x10000xf32>, vector<10000x192xf32>, vector<200x192xf32> -> vector<200x192xf32>
    %broadcast_in_dim3A = vector.shape_cast %mul3A : vector<192xf32> to vector<1x192xf32>
    %mul3A_21 = vector.broadcast %broadcast_in_dim3A : vector<1x192xf32> to vector<200x192xf32>
    %mul3A_22 = arith.mulf %dot_general3A_20, %mul3A_21 : vector<200x192xf32>
    %eq3A = arith.constant 0 : i32
    %eq3A_23 = arith.cmpi eq, %arg1, %eq3A : i32
    %convert_element_type3A = arith.extui %eq3A_23 : i1 to i32
    %cond3A = arith.constant 0 : i32
    %cond3A_24 = arith.cmpi ne, %convert_element_type3A, %cond3A : i32
    scf.if %cond3A_24 {
      %get3A_34 = arith.constant 0 : index
      %get3A_35 = arith.constant 0 : index
      %get3A_36 = vector.load %arg5[%get3A_34, %get3A_35] : memref<1x192xf32, #tpu.memory_space<vmem>>, vector<1x192xf32>
      %get3A_37 = vector.shape_cast %get3A_36 : vector<1x192xf32> to vector<192xf32>
      %mul3A_38 = arith.mulf %get3A_37, %div3A_6 : vector<192xf32>
      %mul3A_39 = arith.constant 200 : i32
      %mul3A_40 = arith.muli %arg0, %mul3A_39 : i32
      %get3A_41 = arith.index_cast %mul3A_40 : i32 to index
      %get3A_42 = arith.constant 0 : index
      %get3A_43 = vector.load %arg3[%get3A_41, %get3A_42] : memref<10000x192xf32, #tpu.memory_space<vmem>>, vector<200x192xf32>
      %broadcast_in_dim3A_44 = vector.shape_cast %mul3A_38 : vector<192xf32> to vector<1x192xf32>
      %mul3A_45 = vector.broadcast %broadcast_in_dim3A_44 : vector<1x192xf32> to vector<200x192xf32>
      %mul3A_46 = arith.mulf %get3A_43, %mul3A_45 : vector<200x192xf32>
      %add3A = arith.addf %mul3A_22, %mul3A_46 : vector<200x192xf32>
      %swap3A = arith.constant 0 : index
      %swap3A_47 = arith.constant 0 : index
      %swap3A_48 = vector.load %arg7[%swap3A, %swap3A_47] : memref<200x192xf32, #tpu.memory_space<vmem>>, vector<200x192xf32>
      tpu.vector_store %arg7[%swap3A, %swap3A_47], %add3A {strides = array<i32>} : memref<200x192xf32, #tpu.memory_space<vmem>>, vector<200x192xf32>,
    } else {
    }
    %gt3A = arith.constant 0 : i32
    %gt3A_25 = arith.cmpi sgt, %arg1, %gt3A : i32
    %convert_element_type3A_26 = arith.extui %gt3A_25 : i1 to i32
    %cond3A_27 = arith.constant 0 : i32
    %cond3A_28 = arith.cmpi ne, %convert_element_type3A_26, %cond3A_27 : i32
    scf.if %cond3A_28 {
      %get3A_34 = arith.constant 0 : index
      %get3A_35 = arith.constant 0 : index
      %get3A_36 = vector.load %arg7[%get3A_34, %get3A_35] : memref<200x192xf32, #tpu.memory_space<vmem>>, vector<200x192xf32>
      %add3A = arith.addf %get3A_36, %mul3A_22 : vector<200x192xf32>
      %swap3A = arith.constant 0 : index
      %swap3A_37 = arith.constant 0 : index
      %swap3A_38 = vector.load %arg7[%swap3A, %swap3A_37] : memref<200x192xf32, #tpu.memory_space<vmem>>, vector<200x192xf32>
      tpu.vector_store %arg7[%swap3A, %swap3A_37], %add3A {strides = array<i32>} : memref<200x192xf32, #tpu.memory_space<vmem>>, vector<200x192xf32>,
    } else {
    }
    %eq3A_29 = arith.constant 3 : i32
    %eq3A_30 = arith.cmpi eq, %arg1, %eq3A_29 : i32
    %convert_element_type3A_31 = arith.extui %eq3A_30 : i1 to i32
    %cond3A_32 = arith.constant 0 : i32
    %cond3A_33 = arith.cmpi ne, %convert_element_type3A_31, %cond3A_32 : i32
    scf.if %cond3A_33 {
      %get3A_34 = arith.constant 0 : index
      %get3A_35 = arith.constant 0 : index
      %get3A_36 = vector.load %arg7[%get3A_34, %get3A_35] : memref<200x192xf32, #tpu.memory_space<vmem>>, vector<200x192xf32>
      %abs3A = math.absf %get3A_36 : vector<200x192xf32>
      %reduce_sum3A = arith.constant dense<0.000000e+00> : vector<192xf32>
      %reduce_sum3A_37 = vector.multi_reduction <add>, %abs3A, %reduce_sum3A [0] : vector<200x192xf32> to vector<192xf32>
      %broadcast_in_dim3A_38 = vector.shape_cast %reduce_sum3A_37 : vector<192xf32> to vector<1x192xf32>
      %eq3A_39 = arith.constant 0 : i32
      %eq3A_40 = arith.cmpi eq, %arg0, %eq3A_39 : i32
      %convert_element_type3A_41 = arith.extui %eq3A_40 : i1 to i32
      %cond3A_42 = arith.constant 0 : i32
      %cond3A_43 = arith.cmpi ne, %convert_element_type3A_41, %cond3A_42 : i32
      scf.if %cond3A_43 {
        %swap3A = arith.constant 0 : index
        %swap3A_49 = arith.constant 0 : index
        %swap3A_50 = vector.load %arg8[%swap3A, %swap3A_49] : memref<1x192xf32, #tpu.memory_space<vmem>>, vector<1x192xf32>
        tpu.vector_store %arg8[%swap3A, %swap3A_49], %broadcast_in_dim3A_38 {strides = array<i32>} : memref<1x192xf32, #tpu.memory_space<vmem>>, vector<1x192xf32>,
      } else {
      }
      %gt3A_44 = arith.constant 0 : i32
      %gt3A_45 = arith.cmpi sgt, %arg0, %gt3A_44 : i32
      %convert_element_type3A_46 = arith.extui %gt3A_45 : i1 to i32
      %cond3A_47 = arith.constant 0 : i32
      %cond3A_48 = arith.cmpi ne, %convert_element_type3A_46, %cond3A_47 : i32
      scf.if %cond3A_48 {
        %get3A_49 = arith.constant 0 : index
        %get3A_50 = arith.constant 0 : index
        %get3A_51 = vector.load %arg8[%get3A_49, %get3A_50] : memref<1x192xf32, #tpu.memory_space<vmem>>, vector<1x192xf32>
        %add3A = arith.addf %get3A_51, %broadcast_in_dim3A_38 : vector<1x192xf32>
        %swap3A = arith.constant 0 : index
        %swap3A_52 = arith.constant 0 : index
        %swap3A_53 = vector.load %arg8[%swap3A, %swap3A_52] : memref<1x192xf32, #tpu.memory_space<vmem>>, vector<1x192xf32>
        tpu.vector_store %arg8[%swap3A, %swap3A_52], %add3A {strides = array<i32>} : memref<1x192xf32, #tpu.memory_space<vmem>>, vector<1x192xf32>,
      } else {
      }
    } else {
    }
    return
  }
  func.func @transform_0(%arg0: i32, %arg1: i32) -> (i32, i32, i32) {
    %c0_i32 = arith.constant 0 : i32
    %c0_i32_0 = arith.constant 0 : i32
    return %arg1, %arg0, %c0_i32 : i32, i32, i32
  }
  func.func @transform_1(%arg0: i32, %arg1: i32) -> (i32, i32) {
    %c0_i32 = arith.constant 0 : i32
    %c0_i32_0 = arith.constant 0 : i32
    %c0_i32_1 = arith.constant 0 : i32
    return %c0_i32, %c0_i32_0 : i32, i32
  }
  func.func @transform_2(%arg0: i32, %arg1: i32) -> (i32, i32, i32) {
    %c0_i32 = arith.constant 0 : i32
    %c0_i32_0 = arith.constant 0 : i32
    %c0_i32_1 = arith.constant 0 : i32
    return %arg1, %c0_i32, %c0_i32_0 : i32, i32, i32
  }
  func.func @transform_3(%arg0: i32, %arg1: i32) -> (i32, i32) {
    %c0_i32 = arith.constant 0 : i32
    %c0_i32_0 = arith.constant 0 : i32
    %c0_i32_1 = arith.constant 0 : i32
    return %c0_i32, %c0_i32_0 : i32, i32
  }
  func.func @transform_4(%arg0: i32, %arg1: i32) -> (i32, i32) {
    %c0_i32 = arith.constant 0 : i32
    %c0_i32_0 = arith.constant 0 : i32
    %c0_i32_1 = arith.constant 0 : i32
    return %c0_i32, %c0_i32_0 : i32, i32
  }
  func.func @transform_5(%arg0: i32, %arg1: i32) -> (i32, i32) {
    %c0_i32 = arith.constant 0 : i32
    %c0_i32_0 = arith.constant 0 : i32
    return %arg0, %c0_i32 : i32, i32
  }
  func.func @transform_6(%arg0: i32, %arg1: i32) -> (i32, i32) {
    %c0_i32 = arith.constant 0 : i32
    %c0_i32_0 = arith.constant 0 : i32
    %c0_i32_1 = arith.constant 0 : i32
    return %c0_i32, %c0_i32_0 : i32, i32
  }
}

module attributes {stable_mosaic.version = 14 : i64} {
  func.func @_epi_body(%arg0: i32, %arg1: memref<200x192xf32, #tpu.memory_space<vmem>>, %arg2: memref<1x192xf32, #tpu.memory_space<vmem>>, %arg3: memref<200x64xf32, #tpu.memory_space<vmem>>) attributes {dimension_semantics = [#tpu.dimension_semantics<arbitrary>], iteration_bounds = array<i64: 50>, scalar_prefetch = 0 : i64, scratch_operands = 0 : i64, tpu.core_type = #tpu.core_type<tc>, window_params = [{transform_indices = @transform_0, window_bounds = array<i64: 200, 192>}, {pipeline_mode = #tpu.pipeline_mode<synchronous>, transform_indices = @transform_1, window_bounds = array<i64: 1, 192>}, {transform_indices = @transform_2, window_bounds = array<i64: 200, 64>}]} {
    %get3A = arith.constant 0 : index
    %get3A_0 = arith.constant 0 : index
    %get3A_1 = vector.load %arg1[%get3A, %get3A_0] : memref<200x192xf32, #tpu.memory_space<vmem>>, vector<200x192xf32>
    %get3A_2 = arith.constant 0 : index
    %get3A_3 = arith.constant 0 : index
    %get3A_4 = vector.load %arg2[%get3A_2, %get3A_3] : memref<1x192xf32, #tpu.memory_space<vmem>>, vector<1x192xf32>
    %get3A_5 = vector.shape_cast %get3A_4 : vector<1x192xf32> to vector<192xf32>
    %max3A = arith.constant 9.99999968E-21 : f32
    %max3A_6 = vector.broadcast %max3A : f32 to vector<192xf32>
    %max3A_7 = arith.maximumf %get3A_5, %max3A_6 : vector<192xf32>
    %broadcast_in_dim3A = vector.shape_cast %max3A_7 : vector<192xf32> to vector<1x192xf32>
    %div3A = vector.broadcast %broadcast_in_dim3A : vector<1x192xf32> to vector<200x192xf32>
    %div3A_8 = arith.divf %get3A_1, %div3A : vector<200x192xf32>
    %slice3A = vector.extract_strided_slice %div3A_8 {offsets = [0, 0], sizes = [200, 64], strides = [1, 1]} : vector<200x192xf32> to vector<200x64xf32>
    %slice3A_9 = vector.extract_strided_slice %div3A_8 {offsets = [0, 64], sizes = [200, 64], strides = [1, 1]} : vector<200x192xf32> to vector<200x64xf32>
    %add3A = arith.addf %slice3A, %slice3A_9 : vector<200x64xf32>
    %slice3A_10 = vector.extract_strided_slice %div3A_8 {offsets = [0, 128], sizes = [200, 64], strides = [1, 1]} : vector<200x192xf32> to vector<200x64xf32>
    %add3A_11 = arith.addf %add3A, %slice3A_10 : vector<200x64xf32>
    %swap3A = arith.constant 0 : index
    %swap3A_12 = arith.constant 0 : index
    %swap3A_13 = vector.load %arg3[%swap3A, %swap3A_12] : memref<200x64xf32, #tpu.memory_space<vmem>>, vector<200x64xf32>
    tpu.vector_store %arg3[%swap3A, %swap3A_12], %add3A_11 {strides = array<i32>} : memref<200x64xf32, #tpu.memory_space<vmem>>, vector<200x64xf32>,
    return
  }
  func.func @transform_0(%arg0: i32) -> (i32, i32) {
    %c0_i32 = arith.constant 0 : i32
    %c0_i32_0 = arith.constant 0 : i32
    return %arg0, %c0_i32 : i32, i32
  }
  func.func @transform_1(%arg0: i32) -> (i32, i32) {
    %c0_i32 = arith.constant 0 : i32
    %c0_i32_0 = arith.constant 0 : i32
    %c0_i32_1 = arith.constant 0 : i32
    return %c0_i32, %c0_i32_0 : i32, i32
  }
  func.func @transform_2(%arg0: i32) -> (i32, i32) {
    %c0_i32 = arith.constant 0 : i32
    %c0_i32_0 = arith.constant 0 : i32
    return %arg0, %c0_i32 : i32, i32
  }
}

</mosaic_0001>

<sc_bundles>
// kernel: kernel.7.cloned.1.call-start
scs
__scs_entry_jumppad:
0x0: {  	(pc) =	sbr.rel $0x88, $3  }
0x1: {  	(tag) =	ssettag $0x0;
	lr =	simm.s32 $0x1  }
0x2: {  	[smem:$0x3F97] =	sst lr;
	_ =	strace $0xD0000000  }
0x3: {  	_ = 	snop  }
0x4: {  	_ = 	snop  }
0x5: {  	_ = 	snop  }
0x6: {  	_ = 	snop  }
0x7: {  	_ = 	snop  }
__scs_overlays_trampoline_lowered:
0x8: {  	[smem:$0x3FA6] =	sst s0  }
0x9: {  	[smem:$0x3FA7] =	sst s1  }
0xa: {  	[smem:$0x3FA8] =	sst s2  }
0xb: {  	[smem:$0x3FA9] =	sst s3  }
0xc: {  	[smem:$0x3FAA] =	sst s4  }
0xd: {  	[smem:$0x3FAB] =	sst s5  }
0xe: {  	[smem:$0x3FAC] =	sst s6  }
0xf: {  	[smem:$0x3FAD] =	sst s7  }
0x10: {  	[smem:$0x3FAE] =	sst s8  }
0x11: {  	[smem:$0x3FAF] =	sst s9;
	s0 =	simm.s32 @!p0 $0x0  }
0x12: {  	s1 =	sld [smem:$0x3F95];
	s0 =	simm.s32 @p0 $0x1  }
0x13: {  	[smem:$0x3FB0] =	sst s0;
	s0 =	simm.s32 @!p1 $0x0  }
0x14: {  	s2 =	sld [smem:$0x3F94];
	s0 =	simm.s32 @p1 $0x1  }
0x15: {  	[smem:$0x3FB1] =	sst s0;
	s0 =	simm.s32 @!p2 $0x0  }
0x16: {  	s3 =	sld [smem:$0x3FDB];
	s0 =	simm.s32 @p2 $0x1  }
0x17: {  	s4 =	simm.s32 $0x1BF5;
	[smem:$0x3FB3] =	sst s0  }
0x18: {  	s0 =	sld [smem:$0x3F96];
	_ =	swait.ge [sflag:s4], $0x0  }
0x19: {  	s7 =	sld [smem:$0x3F97]  }
0x1a: {  	s8 =	sadd.s32 $0xFFFFE003, lr  }
0x1b: {  	s9 =	sadd.s32 $0xFFFFFEF7, lr;
	s5 =	simm.s32 $0xFFFFFFFF;
	p2 =	slt.u32 s8, $0xFFFFF086  }
0x1c: {  	p1 =	slt.u32 s9, $0xF7A;
	s5 =	simm.s32 @!p2 $0x0  }
0x1d: {  	s5 =	simm.s32 @p1 $0x1;
	p0 =	seq.s32 s7, s2  }
0x1e: {  	s7 =	smul.u32 @!p0 $0xF7A, s2;
	p2 =	seq.s32 @!p0 s5, $0x0  }
0x1f: {  	s9 =	smul.u32 $0xF7A, s1;
	s8 =	simm.s32 @!p0 $0x1BF5;
	p2 =	por !p2, p0  }
0x20: {  	[sflag:s8] =	ssyncset.s32 @!p0 $0xFFFFF086;
	s6 =	sadd.s32 @!p0 s3, s7;
	s7 =	simm.s32 @!p0 $0x108  }
0x21: {  	s3 =	sadd.s32 s3, s9;
	s6 =	sadd.s32 @!p0 $0x88, s6;
	s7 =	simm.s32 @p2 $0x1082  }
0x22: {  	[simem:s7], [sflag:s8] =	dma.local @!p0 [hbm:s6], $0xF7A  }
0x23: {  	s9 =	sor.u32 $0xD0000000, s2;
	s6 =	simm.s32 $0x108;
	_ =	swait.ge @!p0 [sflag:s8], $0x0  }
0x24: {  	s3 =	sadd.s32 $0x88, s3;
	s6 =	simm.s32 @!p1 $0x1082;
	[sflag:s4] =	ssyncset.s32 $0xFFFFF086  }
0x25: {  	[simem:s6], [sflag:s4] =	dma.local [hbm:s3], $0xF7A  }
0x26: {  	[smem:$0x3F97] =	sst s1;
	(tag) =	ssettag s2;
	_ =	strace s9  }
0x27: {  	s1 =	sld [smem:$0x3FA7]  }
0x28: {  	s2 =	sld [smem:$0x3FA8]  }
0x29: {  	s4 =	sld [smem:$0x3FAA]  }
0x2a: {  	p0 =	seq.s32 s5, $0x0;
	s5 =	sld [smem:$0x3FAB]  }
0x2b: {  	s6 =	sld [smem:$0x3FAC]  }
0x2c: {  	s7 =	sld [smem:$0x3FAD]  }
0x2d: {  	s3 =	simm.s32 $0x108;
	s8 =	sld [smem:$0x3FAE]  }
0x2e: {  	s3 =	simm.s32 @!p0 $0x1082;
	s9 =	sld [smem:$0x3FAF]  }
0x2f: {  	lr =	sadd.s32 s0, s3;
	s0 =	sld [smem:$0x3FA6]  }
0x30: {  	s3 =	sld [smem:$0x3FA9]  }
0x31: {  	[smem:$0x3FB2] =	sst s10  }
0x32: {  	s10 =	sld [smem:$0x3FB0];
	_ =	sdelay $0x3  }
0x33: {  	p0 =	seq.s32 s10, $0x1;
	s10 =	sld [smem:$0x3FB2];
	_ =	sdelay $0x3  }
0x34: {  	[smem:$0x3FB2] =	sst s10  }
0x35: {  	s10 =	sld [smem:$0x3FB1];
	_ =	sdelay $0x3  }
0x36: {  	p1 =	seq.s32 s10, $0x1;
	s10 =	sld [smem:$0x3FB2];
	_ =	sdelay $0x3  }
0x37: {  	[smem:$0x3FB2] =	sst s10  }
0x38: {  	s10 =	sld [smem:$0x3FB3]  }
0x39: {  	_ = 	snop;
	(pc) =	sbr.ind lr, $3  }
0x3a: {  	_ = 	snop  }
0x3b: {  	_ = 	snop  }
0x3c: {  	p2 =	seq.s32 s10, $0x1;
	s10 =	sld [smem:$0x3FB2]  }
0x3d: {  	_ =	shalt  }
0x3e: {  	_ =	shalt  }
0x3f: {  	_ =	shalt  }
0x40: {  	_ =	shalt  }
0x41: {  	_ =	shalt  }
0x42: {  	_ =	shalt  }
0x43: {  	_ =	shalt  }
0x44: {  	_ =	shalt  }
0x45: {  	_ =	shalt  }
0x46: {  	_ =	shalt  }
0x47: {  	_ =	shalt  }
0x48: {  	_ =	shalt  }
0x49: {  	_ =	shalt  }
0x4a: {  	_ =	shalt  }
0x4b: {  	_ =	shalt  }
0x4c: {  	_ =	shalt  }
0x4d: {  	_ =	shalt  }
0x4e: {  	_ =	shalt  }
0x4f: {  	_ =	shalt  }
0x50: {  	_ =	shalt  }
0x51: {  	_ =	shalt  }
0x52: {  	_ =	shalt  }
0x53: {  	_ =	shalt  }
0x54: {  	_ =	shalt  }
0x55: {  	_ =	shalt  }
0x56: {  	_ =	shalt  }
0x57: {  	_ =	shalt  }
0x58: {  	_ =	shalt  }
0x59: {  	_ =	shalt  }
0x5a: {  	_ =	shalt  }
0x5b: {  	_ =	shalt  }
0x5c: {  	_ =	shalt  }
0x5d: {  	_ =	shalt  }
0x5e: {  	_ =	shalt  }
0x5f: {  	_ =	shalt  }
0x60: {  	_ =	shalt  }
0x61: {  	_ =	shalt  }
0x62: {  	_ =	shalt  }
0x63: {  	_ =	shalt  }
0x64: {  	_ =	shalt  }
0x65: {  	_ =	shalt  }
0x66: {  	_ =	shalt  }
0x67: {  	_ =	shalt  }
0x68: {  	_ =	shalt  }
0x69: {  	_ =	shalt  }
0x6a: {  	_ =	shalt  }
0x6b: {  	_ =	shalt  }
0x6c: {  	_ =	shalt  }
0x6d: {  	_ =	shalt  }
0x6e: {  	_ =	shalt  }
0x6f: {  	_ =	shalt  }
0x70: {  	_ =	shalt  }
0x71: {  	_ =	shalt  }
0x72: {  	_ =	shalt  }
0x73: {  	_ =	shalt  }
0x74: {  	_ =	shalt  }
0x75: {  	_ =	shalt  }
0x76: {  	_ =	shalt  }
0x77: {  	_ =	shalt  }
0x78: {  	_ =	shalt  }
0x79: {  	_ =	shalt  }
0x7a: {  	_ =	shalt  }
0x7b: {  	_ =	shalt  }
0x7c: {  	_ =	shalt  }
0x7d: {  	_ =	shalt  }
0x7e: {  	_ =	shalt  }
0x7f: {  	_ =	shalt  }
0x80: {  	_ =	shalt  }
0x81: {  	_ =	shalt  }
0x82: {  	_ =	shalt  }
0x83: {  	_ =	shalt  }
0x84: {  	_ =	shalt  }
0x85: {  	_ =	shalt  }
0x86: {  	_ =	shalt  }
0x87: {  	_ =	shalt  }
.Lfunc_end0:
.L_simem_size_0:
called_computation_lowered:
.L_overlay_start_0:
0x88: {  	s2 =	sld [smem:$0x3FD9]  }
0x89: {  	s3 =	sld [smem:$0x3FFE];
	_ =	sdelay $0x1  }
0x8a: {  	s1 =	srdreg.scid  }
0x8b: {  	s0 =	sand.u32 $0x1, s1  }
0x8c: {  	s17 =	sshll.u32 s0, $0xA;
	s2 =	sadd.s32 s3, s2  }
0x8d: {  	s2 =	sadd.s32 s2, s17  }
0x8e: {  	[smem:$0x3FBE] =	sst s2  }
0x8f: {  	_ = 	snop  }
0x90: {  	s2 =	sld [smem:$0x3FD0];
	(tm) =	ssettm $0x1  }
0x91: {  	s18 =	sld [smem:$0x3FFB];
	_ =	sdelay $0x3  }
0x92: {  	_ =	strace s18  }
0x93: {  	s3 =	sld [smem:$0x3FFC];
	_ =	sdelay $0x3  }
0x94: {  	_ =	strace s3  }
0x95: {  	s3 =	sld [smem:$0x3FFD];
	_ =	sdelay $0x3  }
0x96: {  	_ =	strace s3  }
0x97: {  	_ =	strace $0x8FFFFFFF  }
0x98: {  	s19 =	sld [smem:$0x3FDB];
	_ =	sdelay $0x1  }
0x99: {  	s4 =	simm.s32 $_scs_section_size  }
0x9a: {  	s5 =	simm.s32 $_size__tile_overlayer_lowered;
	s6 =	simm.s32 $_tile_overlayer_lowered  }
0x9b: {  	s22 =	simm.s32 $0x1BFF;
	s21 =	sshll.u32 s6, $0x1;
	s3 =	sadd.s32 s4, s19  }
0x9c: {  	s7 =	simm.s32 $0x0;
	s20 =	sshll.u32 s5, $0x1;
	s5 =	sadd.s32 s21, s3  }
0x9d: {  	[timem:s7], [sflag:s22] =	dma.local [hbm:s5], s20  }
0x9e: {  	_ =	swait.ge [sflag:s22], s20  }
0x9f: {  	s4 =	ssub.s32 $0x0, s20;
	[sflag:s22] =	ssyncset.done $0x0  }
0xa0: {  	[sflag:s22] =	ssyncadd.s32 s4;
	_ =	sdelay $0x1  }
0xa1: {  	s23 =	simm.s32 $0x1B8B  }
0xa2: {  	_ =	swait.ge [sflag:s23], $0x1  }
0xa3: {  	[sflag:s23] =	ssyncset.done $0x0  }
0xa4: {  	s25 =	simm.s32 $0x1B8E;
	s24 =	sld [smem:$0x3FFE];
	[sflag:s23] =	ssyncadd.s32 $0xFFFFFFFF  }
0xa5: {  	s26 =	simm.s32 $execute0_lowered;
	[smem:$0x3FD2] =	sst s25  }
0xa6: {  	s5 =	sshll.u32 s26, $0x1;
	_ =	strace $0x80000046;
	[dreg:$0x1] =	wrdreg $0xFFFFFFFF  }
0xa7: {  	s28 =	simm.s32 $_size_execute0_lowered;
	s3 =	sadd.s32 s3, s5;
	[dreg:$0x0] =	wrdreg $0x0  }
0xa8: {  	s5 =	sshll.u32 s28, $0x1;
	[dreg:$0x2] =	wrdreg s3  }
0xa9: {  	[dreg:$0x3] =	wrdreg s5  }
0xaa: {  	[dreg:$0x4] =	wrdreg $0xC0  }
0xab: {  	_ =	task [dreg:s7], $0x5FFFF  }
0xac: {  	[dreg:$0x1] =	wrdreg $0xFFFFFFFF  }
0xad: {  	[dreg:$0x0] =	wrdreg $0x60  }
0xae: {  	[dreg:$0x2] =	wrdreg s2  }
0xaf: {  	[dreg:$0x3] =	wrdreg s24  }
0xb0: {  	[dreg:$0x4] =	wrdreg $0x9  }
0xb1: {  	_ =	task.clear_ibuf [dreg:s7], $0x5FFFF;
	_ =	strace $0x90000046  }
0xb2: {  	s29 =	simm.s32 $0x9;
	_ =	strace $0x80000048  }
0xb3: {  	_ =	swait.ge [sflag:s29], $0x1  }
0xb4: {  	[sflag:s29] =	ssyncadd.s32 $0xFFFFFFFF  }
0xb5: {  	_ =	strace $0x90000048  }
0xb6: {  	_ =	sfence  }
0xb7: {  	s30 =	sld [smem:$0x0];
	_ =	sdelay $0x2  }
0xb8: {  	s31 =	sshll.u32 s1, $0xD;
	s1 =	sshrl.u32 s1, $0x2  }
0xb9: {  	s3 =	sand.u32 $0x4000, s31;
	s1 =	sadd.s32 s1, s30  }
0xba: {  	s0 =	sor.u32 s3, s0;
	s1 =	sshll.u32 s1, $0x11  }
0xbb: {  	s0 =	sor.u32 s1, s0  }
0xbc: {  	s0 =	sadd.s32 $0x8F2B, s0  }
0xbd: {  	[sflag:s0] =	ssyncadd.remote.s32 $0x1  }
0xbe: {  	_ =	sfence.sel $0xFFFF  }
0xbf: {  	[dreg:$0x0] =	wrdreg $0xFFFFFFFF;
	(pc) =	sbr.abs _section_cstart, $3  }
0xc0: {  	[dreg:$0x1] =	wrdreg $0xFFFFFFFF  }
0xc1: {  	_ =	task.clear_ibuf [dreg:s7], $0x2FFFF;
	_ =	strace $0x9FFFFFFF  }
0xc2: {  	(tm) =	ssettm $0x7FFFFFFF  }
0xc3: {  	_ =	shalt  }
tec
execute0_lowered:
.L_overlay_start_1:
0x0: {  	(tag) =	ssettag $0x1  }
0x1: {  	s18 =	rddreg [dreg:$0x0]  }
0x2: {  	s4 =	rddreg [dreg:$0x1]  }
0x3: {  	s0 =	rddreg [dreg:$0x2];
	s2 =	simm.s32 $0x0;
	s5 =	srdreg.scid  }
0x4: {  	s1 =	stileid.u32;
	[smem:$0x7FF] =	sst s2;
	s3 =	sadd.s32 $0x1C00, s4  }
0x5: {  	s5 =	sand.u32 $0x1, s5;
	s6 =	sshll.u32 s1, $0x4;
	s8 =	sshrl.u32 s1, $0x2  }
0x6: {  	s19 =	sadd.s32 $0x2FB0E00, s4;
	_ =	strace $0x80000047;
	s7 =	sshll.u32 s5, $0x3  }
0x7: {  	s6 =	sand.u32 $0x30, s6;
	s5 =	ssub.s32 $0x2, s5;
	s17 =	smul.u32 $0xA0000, s8  }
0x8: {  	v0 =	vlaneseq.u32;
	s24 =	smul.u32 $0x5F5E100, s8;
	s14 =	sor.u32 s7, s6;
	s11 =	sshrl.u32 s5, $0x1  }
0x9: {  	v0 =	vmul.u32 $0x2710, v0;
	s7 =	sshll.u32 s14, $0x1;
	s9 =	smul.u32 $0x2800, s14;
	s20 =	ssub.s32 s5, s11  }
0xa: {  	s13 =	sor.u32 $0x1, s14;
	s21 =	sor.u32 $0x2, s14;
	s10 =	sor.u32 $0x3, s14  }
0xb: {  	s25 =	sor.u32 $0x4, s14;
	v0 =	vadd.s32 s24, v0;
	s24 =	simm.s32 $0x1;
	s16 =	smul.u32 $0x2800, s13  }
0xc: {  	s4 =	sadd.s32 s18, s7;
	s15 =	sshll.u32 s13, $0x1;
	s22 =	smul.u32 $0x2800, s21  }
0xd: {  	s11 =	sshll.u32 s21, $0x1;
	s13 =	smul.u32 $0x2800, s25;
	s21 =	sor.u32 $0x6, s14  }
0xe: {  	s20 =	smax.u32 s20, $0x1;
	s12 =	sadd.s32 s17, s9;
	s6 =	sadd.s32 s18, s15  }
0xf: {  	s15 =	sor.u32 $0x5, s14;
	s28 =	sshll.u32 s21, $0x1;
	s5 =	sshrl.u32 s12, $0x3  }
0x10: {  	s8 =	sadd.s32 s17, s16;
	s12 =	smul.u32 $0x2800, s10;
	s9 =	sadd.s32 s17, s22  }
0x11: {  	s10 =	sshll.u32 s10, $0x1;
	s13 =	sadd.s32 s17, s13;
	s16 =	smul.u32 $0x2800, s15  }
0x12: {  	s15 =	sshll.u32 s15, $0x1;
	s22 =	smul.u32 $0x2800, s21;
	s5 =	sadd.s32 s19, s5  }
0x13: {  	s8 =	sshrl.u32 s8, $0x3;
	s9 =	sshrl.u32 s9, $0x3;
	s10 =	sadd.s32 s18, s10  }
0x14: {  	s13 =	sshrl.u32 s13, $0x3;
	s7 =	sadd.s32 s19, s8;
	s8 =	sadd.s32 s18, s11  }
0x15: {  	s23 =	sadd.s32 s17, s12;
	s9 =	sadd.s32 s19, s9;
	s12 =	sshll.u32 s25, $0x1  }
0x16: {  	s13 =	sadd.s32 s19, s13;
	s16 =	sadd.s32 s17, s16;
	s29 =	sadd.s32 s17, s22  }
0x17: {  	s11 =	sshrl.u32 s23, $0x3;
	s12 =	sadd.s32 s18, s12;
	s23 =	sor.u32 $0x7, s14  }
0x18: {  	s14 =	sadd.s32 s18, s15;
	s26 =	sshrl.u32 s16, $0x3;
	s16 =	sadd.s32 s18, s28  }
0x19: {  	s21 =	sshrl.u32 s29, $0x3;
	s11 =	sadd.s32 s19, s11;
	s25 =	smul.u32 $0x2800, s23  }
0x1a: {  	s15 =	sadd.s32 s19, s26;
	s31 =	sshll.u32 s23, $0x1;
	s23 =	simm.s32 $0x2720  }
0x1b: {  	s26 =	simm.s32 $0x0;
	s18 =	sadd.s32 s18, s31;
	s30 =	sadd.s32 s17, s25  }
0x1c: {  	s17 =	sadd.s32 s19, s21;
	s21 =	simm.s32 $0x2;
	s22 =	sshrl.u32 s30, $0x3  }
0x1d: {  	s25 =	simm.s32 $0x10;
	s19 =	sadd.s32 s19, s22;
	s22 =	simm.s32 $0x2710  }
.LBB2_1:
0x1e: {  	[tilespmem:s2], [sflag:$0x2] =	stream.linear.gather [hbm4b:s4+s2], $0x10, $0x38;
	[tilespmem:$0x4E30] =	vst v63  }
0x1f: {  	_ =	swait.ge [sflag:s21], $0x10  }
0x20: {  	[sflag:s21] =	ssyncset.done $0x0  }
0x21: {  	[sflag:s21] =	ssyncadd.s32 $0xFFFFFFF0  }
0x22: {  	v1 =	vld [tilespmem:$0x0]  }
0x23: {  	v2 =	vmov s2  }
0x24: {  	v2 =	vmul.u32 $0x2710, v2;
	_ =	sdelay $0x1  }
0x25: {  	v2 =	vbroadcast v2, $0x0  }
0x26: {  	v1 =	vadd.s32 v1, v0  }
0x27: {  	s28 =	simm.s32 $0x10;
	s29 =	simm.s32 $0x10;
	v2 =	vadd.s32 v2, v1  }
.LBB2_2:
0x28: {  	v3 =	vmov s28;
	p0 =	sne.s32 s28, $0x2700;
	s28 =	sadd.s32 $0x10, s28;
	[tilespmem:s29+$0x0] =	vst v2  }
.Ltmp0:
0x29: {  	v2 =	vmul.u32 $0x2710, v3;
	(pc) =	sbr.rel @p0 .LBB2_2-.Ltmp0, $3  }
0x2a: {  	_ = 	snop  }
0x2b: {  	v2 =	vbroadcast v2, $0x0;
	_ =	sdelay $0x1  }
0x2c: {  	s29 =	sadd.s32 $0x10, s29;
	v2 =	vadd.s32 v2, v1  }
0x2d: {  	[tilespmem:s29+$0x0] =	vst v2;
	s28 =	simm.s32 $0x10  }
0x2e: {  	[tilespmem:s23], [sflag:$0x1] =	stream.indirect.gather [hbm4b:s3+s22], $0x1, s28, s22, $0xb8;
	[tilespmem:$0x4E30] =	vst v63  }
0x2f: {  	_ =	swait.ge [sflag:s24], $0x2710  }
0x30: {  	[sflag:s24] =	ssyncset.done $0x0  }
0x31: {  	s29 =	simm.s32 $0x0;
	[sflag:s24] =	ssyncadd.s32 $0xFFFFD8F0  }
0x32: {  	[hbm4b:s5+s29] =	stream.linear.scatter [tilespmem:s23], [sflag:$0x2], $0x2710, $0x38;
	[tilespmem:$0x4E30] =	vst v63  }
0x33: {  	_ =	swait.ge [sflag:s21], $0x2710  }
0x34: {  	[sflag:s21] =	ssyncset.done $0x0  }
0x35: {  	[sflag:s21] =	ssyncadd.s32 $0xFFFFD8F0  }
0x36: {  	[tilespmem:s29], [sflag:$0x2] =	stream.linear.gather [hbm4b:s6+s29], $0x10, $0x38;
	[tilespmem:$0x4E30] =	vst v63  }
0x37: {  	_ =	swait.ge [sflag:s21], $0x10  }
0x38: {  	[sflag:s21] =	ssyncset.done $0x0  }
0x39: {  	[sflag:s21] =	ssyncadd.s32 $0xFFFFFFF0  }
0x3a: {  	v1 =	vld [tilespmem:$0x0]  }
0x3b: {  	v2 =	vmov s29  }
0x3c: {  	v2 =	vmul.u32 $0x2710, v2;
	_ =	sdelay $0x1  }
0x3d: {  	v2 =	vbroadcast v2, $0x0  }
0x3e: {  	v1 =	vadd.s32 v1, v0  }
0x3f: {  	s29 =	simm.s32 $0x10;
	v2 =	vadd.s32 v2, v1  }
.LBB2_4:
0x40: {  	v3 =	vmov s29;
	p0 =	sne.s32 s29, $0x2700;
	s29 =	sadd.s32 $0x10, s29;
	[tilespmem:s28+$0x0] =	vst v2  }
.Ltmp1:
0x41: {  	v2 =	vmul.u32 $0x2710, v3;
	(pc) =	sbr.rel @p0 .LBB2_4-.Ltmp1, $3  }
0x42: {  	_ = 	snop  }
0x43: {  	v2 =	vbroadcast v2, $0x0;
	_ =	sdelay $0x1  }
0x44: {  	s28 =	sadd.s32 $0x10, s28;
	v2 =	vadd.s32 v2, v1  }
0x45: {  	[tilespmem:s28+$0x0] =	vst v2;
	s28 =	simm.s32 $0x10  }
0x46: {  	[tilespmem:s23], [sflag:$0x1] =	stream.indirect.gather [hbm4b:s3+s22], $0x1, s28, s22, $0xb8;
	[tilespmem:$0x4E30] =	vst v63  }
0x47: {  	_ =	swait.ge [sflag:s24], $0x2710  }
0x48: {  	[sflag:s24] =	ssyncset.done $0x0  }
0x49: {  	s29 =	simm.s32 $0x0;
	[sflag:s24] =	ssyncadd.s32 $0xFFFFD8F0  }
0x4a: {  	[hbm4b:s7+s29] =	stream.linear.scatter [tilespmem:s23], [sflag:$0x2], $0x2710, $0x38;
	[tilespmem:$0x4E30] =	vst v63  }
0x4b: {  	_ =	swait.ge [sflag:s21], $0x2710  }
0x4c: {  	[sflag:s21] =	ssyncset.done $0x0  }
0x4d: {  	[sflag:s21] =	ssyncadd.s32 $0xFFFFD8F0  }
0x4e: {  	[tilespmem:s29], [sflag:$0x2] =	stream.linear.gather [hbm4b:s8+s29], $0x10, $0x38;
	[tilespmem:$0x4E30] =	vst v63  }
0x4f: {  	_ =	swait.ge [sflag:s21], $0x10  }
0x50: {  	[sflag:s21] =	ssyncset.done $0x0  }
0x51: {  	[sflag:s21] =	ssyncadd.s32 $0xFFFFFFF0  }
0x52: {  	v1 =	vld [tilespmem:$0x0]  }
0x53: {  	v2 =	vmov s29  }
0x54: {  	v2 =	vmul.u32 $0x2710, v2;
	_ =	sdelay $0x1  }
0x55: {  	v2 =	vbroadcast v2, $0x0  }
0x56: {  	v1 =	vadd.s32 v1, v0  }
0x57: {  	s29 =	simm.s32 $0x10;
	v2 =	vadd.s32 v2, v1  }
.LBB2_6:
0x58: {  	v3 =	vmov s29;
	p0 =	sne.s32 s29, $0x2700;
	s29 =	sadd.s32 $0x10, s29;
	[tilespmem:s28+$0x0] =	vst v2  }
.Ltmp2:
0x59: {  	v2 =	vmul.u32 $0x2710, v3;
	(pc) =	sbr.rel @p0 .LBB2_6-.Ltmp2, $3  }
0x5a: {  	_ = 	snop  }
0x5b: {  	v2 =	vbroadcast v2, $0x0;
	_ =	sdelay $0x1  }
0x5c: {  	s28 =	sadd.s32 $0x10, s28;
	v2 =	vadd.s32 v2, v1  }
0x5d: {  	[tilespmem:s28+$0x0] =	vst v2;
	s28 =	simm.s32 $0x10  }
0x5e: {  	[tilespmem:s23], [sflag:$0x1] =	stream.indirect.gather [hbm4b:s3+s22], $0x1, s28, s22, $0xb8;
	[tilespmem:$0x4E30] =	vst v63  }
0x5f: {  	_ =	swait.ge [sflag:s24], $0x2710  }
0x60: {  	[sflag:s24] =	ssyncset.done $0x0  }
0x61: {  	s29 =	simm.s32 $0x0;
	[sflag:s24] =	ssyncadd.s32 $0xFFFFD8F0  }
0x62: {  	[hbm4b:s9+s29] =	stream.linear.scatter [tilespmem:s23], [sflag:$0x2], $0x2710, $0x38;
	[tilespmem:$0x4E30] =	vst v63  }
0x63: {  	_ =	swait.ge [sflag:s21], $0x2710  }
0x64: {  	[sflag:s21] =	ssyncset.done $0x0  }
0x65: {  	[sflag:s21] =	ssyncadd.s32 $0xFFFFD8F0  }
0x66: {  	[tilespmem:s29], [sflag:$0x2] =	stream.linear.gather [hbm4b:s10+s29], $0x10, $0x38;
	[tilespmem:$0x4E30] =	vst v63  }
0x67: {  	_ =	swait.ge [sflag:s21], $0x10  }
0x68: {  	[sflag:s21] =	ssyncset.done $0x0  }
0x69: {  	[sflag:s21] =	ssyncadd.s32 $0xFFFFFFF0  }
0x6a: {  	v1 =	vld [tilespmem:$0x0]  }
0x6b: {  	v2 =	vmov s29  }
0x6c: {  	v2 =	vmul.u32 $0x2710, v2;
	_ =	sdelay $0x1  }
0x6d: {  	v2 =	vbroadcast v2, $0x0  }
0x6e: {  	v1 =	vadd.s32 v1, v0  }
0x6f: {  	s29 =	simm.s32 $0x10;
	v2 =	vadd.s32 v2, v1  }
.LBB2_8:
0x70: {  	v3 =	vmov s29;
	p0 =	sne.s32 s29, $0x2700;
	s29 =	sadd.s32 $0x10, s29;
	[tilespmem:s28+$0x0] =	vst v2  }
.Ltmp3:
0x71: {  	v2 =	vmul.u32 $0x2710, v3;
	(pc) =	sbr.rel @p0 .LBB2_8-.Ltmp3, $3  }
0x72: {  	_ = 	snop  }
0x73: {  	v2 =	vbroadcast v2, $0x0;
	_ =	sdelay $0x1  }
0x74: {  	s28 =	sadd.s32 $0x10, s28;
	v2 =	vadd.s32 v2, v1  }
0x75: {  	[tilespmem:s28+$0x0] =	vst v2;
	s28 =	simm.s32 $0x10  }
0x76: {  	[tilespmem:s23], [sflag:$0x1] =	stream.indirect.gather [hbm4b:s3+s22], $0x1, s28, s22, $0xb8;
	[tilespmem:$0x4E30] =	vst v63  }
0x77: {  	_ =	swait.ge [sflag:s24], $0x2710  }
0x78: {  	[sflag:s24] =	ssyncset.done $0x0  }
0x79: {  	s29 =	simm.s32 $0x0;
	[sflag:s24] =	ssyncadd.s32 $0xFFFFD8F0  }
0x7a: {  	[hbm4b:s11+s29] =	stream.linear.scatter [tilespmem:s23], [sflag:$0x2], $0x2710, $0x38;
	[tilespmem:$0x4E30] =	vst v63  }
0x7b: {  	_ =	swait.ge [sflag:s21], $0x2710  }
0x7c: {  	[sflag:s21] =	ssyncset.done $0x0  }
0x7d: {  	[sflag:s21] =	ssyncadd.s32 $0xFFFFD8F0  }
0x7e: {  	[tilespmem:s29], [sflag:$0x2] =	stream.linear.gather [hbm4b:s12+s29], $0x10, $0x38;
	[tilespmem:$0x4E30] =	vst v63  }
0x7f: {  	_ =	swait.ge [sflag:s21], $0x10  }
0x80: {  	[sflag:s21] =	ssyncset.done $0x0  }
0x81: {  	[sflag:s21] =	ssyncadd.s32 $0xFFFFFFF0  }
0x82: {  	v1 =	vld [tilespmem:$0x0]  }
0x83: {  	v2 =	vmov s29  }
0x84: {  	v2 =	vmul.u32 $0x2710, v2;
	_ =	sdelay $0x1  }
0x85: {  	v2 =	vbroadcast v2, $0x0  }
0x86: {  	v1 =	vadd.s32 v1, v0  }
0x87: {  	s29 =	simm.s32 $0x10;
	v2 =	vadd.s32 v2, v1  }
.LBB2_10:
0x88: {  	v3 =	vmov s29;
	p0 =	sne.s32 s29, $0x2700;
	s29 =	sadd.s32 $0x10, s29;
	[tilespmem:s28+$0x0] =	vst v2  }
.Ltmp4:
0x89: {  	v2 =	vmul.u32 $0x2710, v3;
	(pc) =	sbr.rel @p0 .LBB2_10-.Ltmp4, $3  }
0x8a: {  	_ = 	snop  }
0x8b: {  	v2 =	vbroadcast v2, $0x0;
	_ =	sdelay $0x1  }
0x8c: {  	s28 =	sadd.s32 $0x10, s28;
	v2 =	vadd.s32 v2, v1  }
0x8d: {  	[tilespmem:s28+$0x0] =	vst v2;
	s28 =	simm.s32 $0x10  }
0x8e: {  	[tilespmem:s23], [sflag:$0x1] =	stream.indirect.gather [hbm4b:s3+s22], $0x1, s28, s22, $0xb8;
	[tilespmem:$0x4E30] =	vst v63  }
0x8f: {  	_ =	swait.ge [sflag:s24], $0x2710  }
0x90: {  	[sflag:s24] =	ssyncset.done $0x0  }
0x91: {  	s29 =	simm.s32 $0x0;
	[sflag:s24] =	ssyncadd.s32 $0xFFFFD8F0  }
0x92: {  	[hbm4b:s13+s29] =	stream.linear.scatter [tilespmem:s23], [sflag:$0x2], $0x2710, $0x38;
	[tilespmem:$0x4E30] =	vst v63  }
0x93: {  	_ =	swait.ge [sflag:s21], $0x2710  }
0x94: {  	[sflag:s21] =	ssyncset.done $0x0  }
0x95: {  	[sflag:s21] =	ssyncadd.s32 $0xFFFFD8F0  }
0x96: {  	[tilespmem:s29], [sflag:$0x2] =	stream.linear.gather [hbm4b:s14+s29], $0x10, $0x38;
	[tilespmem:$0x4E30] =	vst v63  }
0x97: {  	_ =	swait.ge [sflag:s21], $0x10  }
0x98: {  	[sflag:s21] =	ssyncset.done $0x0  }
0x99: {  	[sflag:s21] =	ssyncadd.s32 $0xFFFFFFF0  }
0x9a: {  	v1 =	vld [tilespmem:$0x0]  }
0x9b: {  	v2 =	vmov s29  }
0x9c: {  	v2 =	vmul.u32 $0x2710, v2;
	_ =	sdelay $0x1  }
0x9d: {  	v2 =	vbroadcast v2, $0x0  }
0x9e: {  	v1 =	vadd.s32 v1, v0  }
0x9f: {  	s29 =	simm.s32 $0x10;
	v2 =	vadd.s32 v2, v1  }
.LBB2_12:
0xa0: {  	v3 =	vmov s29;
	p0 =	sne.s32 s29, $0x2700;
	s29 =	sadd.s32 $0x10, s29;
	[tilespmem:s28+$0x0] =	vst v2  }
.Ltmp5:
0xa1: {  	v2 =	vmul.u32 $0x2710, v3;
	(pc) =	sbr.rel @p0 .LBB2_12-.Ltmp5, $3  }
0xa2: {  	_ = 	snop  }
0xa3: {  	v2 =	vbroadcast v2, $0x0;
	_ =	sdelay $0x1  }
0xa4: {  	s28 =	sadd.s32 $0x10, s28;
	v2 =	vadd.s32 v2, v1  }
0xa5: {  	[tilespmem:s28+$0x0] =	vst v2;
	s28 =	simm.s32 $0x10  }
0xa6: {  	[tilespmem:s23], [sflag:$0x1] =	stream.indirect.gather [hbm4b:s3+s22], $0x1, s28, s22, $0xb8;
	[tilespmem:$0x4E30] =	vst v63  }
0xa7: {  	_ =	swait.ge [sflag:s24], $0x2710  }
0xa8: {  	[sflag:s24] =	ssyncset.done $0x0  }
0xa9: {  	s29 =	simm.s32 $0x0;
	[sflag:s24] =	ssyncadd.s32 $0xFFFFD8F0  }
0xaa: {  	[hbm4b:s15+s29] =	stream.linear.scatter [tilespmem:s23], [sflag:$0x2], $0x2710, $0x38;
	[tilespmem:$0x4E30] =	vst v63  }
0xab: {  	_ =	swait.ge [sflag:s21], $0x2710  }
0xac: {  	[sflag:s21] =	ssyncset.done $0x0  }
0xad: {  	[sflag:s21] =	ssyncadd.s32 $0xFFFFD8F0  }
0xae: {  	[tilespmem:s29], [sflag:$0x2] =	stream.linear.gather [hbm4b:s16+s29], $0x10, $0x38;
	[tilespmem:$0x4E30] =	vst v63  }
0xaf: {  	_ =	swait.ge [sflag:s21], $0x10  }
0xb0: {  	[sflag:s21] =	ssyncset.done $0x0  }
0xb1: {  	[sflag:s21] =	ssyncadd.s32 $0xFFFFFFF0  }
0xb2: {  	v1 =	vld [tilespmem:$0x0]  }
0xb3: {  	v2 =	vmov s29  }
0xb4: {  	v2 =	vmul.u32 $0x2710, v2;
	_ =	sdelay $0x1  }
0xb5: {  	v2 =	vbroadcast v2, $0x0  }
0xb6: {  	v1 =	vadd.s32 v1, v0  }
0xb7: {  	s29 =	simm.s32 $0x10;
	v2 =	vadd.s32 v2, v1  }
.LBB2_14:
0xb8: {  	v3 =	vmov s29;
	p0 =	sne.s32 s29, $0x2700;
	s29 =	sadd.s32 $0x10, s29;
	[tilespmem:s28+$0x0] =	vst v2  }
.Ltmp6:
0xb9: {  	v2 =	vmul.u32 $0x2710, v3;
	(pc) =	sbr.rel @p0 .LBB2_14-.Ltmp6, $3  }
0xba: {  	_ = 	snop  }
0xbb: {  	v2 =	vbroadcast v2, $0x0;
	_ =	sdelay $0x1  }
0xbc: {  	s28 =	sadd.s32 $0x10, s28;
	v2 =	vadd.s32 v2, v1  }
0xbd: {  	[tilespmem:s28+$0x0] =	vst v2;
	s28 =	simm.s32 $0x10  }
0xbe: {  	[tilespmem:s23], [sflag:$0x1] =	stream.indirect.gather [hbm4b:s3+s22], $0x1, s28, s22, $0xb8;
	[tilespmem:$0x4E30] =	vst v63  }
0xbf: {  	_ =	swait.ge [sflag:s24], $0x2710  }
0xc0: {  	[sflag:s24] =	ssyncset.done $0x0  }
0xc1: {  	s29 =	simm.s32 $0x0;
	[sflag:s24] =	ssyncadd.s32 $0xFFFFD8F0  }
0xc2: {  	[hbm4b:s17+s29] =	stream.linear.scatter [tilespmem:s23], [sflag:$0x2], $0x2710, $0x38;
	[tilespmem:$0x4E30] =	vst v63  }
0xc3: {  	_ =	swait.ge [sflag:s21], $0x2710  }
0xc4: {  	[sflag:s21] =	ssyncset.done $0x0  }
0xc5: {  	[sflag:s21] =	ssyncadd.s32 $0xFFFFD8F0  }
0xc6: {  	[tilespmem:s29], [sflag:$0x2] =	stream.linear.gather [hbm4b:s18+s29], $0x10, $0x38;
	[tilespmem:$0x4E30] =	vst v63  }
0xc7: {  	_ =	swait.ge [sflag:s21], $0x10  }
0xc8: {  	[sflag:s21] =	ssyncset.done $0x0  }
0xc9: {  	[sflag:s21] =	ssyncadd.s32 $0xFFFFFFF0  }
0xca: {  	v1 =	vld [tilespmem:$0x0]  }
0xcb: {  	v2 =	vmov s29  }
0xcc: {  	v2 =	vmul.u32 $0x2710, v2;
	_ =	sdelay $0x1  }
0xcd: {  	v2 =	vbroadcast v2, $0x0  }
0xce: {  	v1 =	vadd.s32 v1, v0  }
0xcf: {  	s29 =	simm.s32 $0x10;
	v2 =	vadd.s32 v2, v1  }
.LBB2_16:
0xd0: {  	v3 =	vmov s29;
	p0 =	sne.s32 s29, $0x2700;
	s29 =	sadd.s32 $0x10, s29;
	[tilespmem:s28+$0x0] =	vst v2  }
.Ltmp7:
0xd1: {  	v2 =	vmul.u32 $0x2710, v3;
	(pc) =	sbr.rel @p0 .LBB2_16-.Ltmp7, $3  }
0xd2: {  	_ = 	snop  }
0xd3: {  	v2 =	vbroadcast v2, $0x0;
	_ =	sdelay $0x1  }
0xd4: {  	s28 =	sadd.s32 $0x10, s28;
	v2 =	vadd.s32 v2, v1  }
0xd5: {  	[tilespmem:s28+$0x0] =	vst v2  }
0xd6: {  	[tilespmem:s23], [sflag:$0x1] =	stream.indirect.gather [hbm4b:s3+s22], $0x1, s25, s22, $0xb8;
	[tilespmem:$0x4E30] =	vst v63  }
0xd7: {  	s26 =	sadd.s32 $0x1, s26;
	_ =	swait.ge [sflag:s24], $0x2710  }
0xd8: {  	p0 =	sne.s32 s26, s20;
	[sflag:s24] =	ssyncset.done $0x0  }
.Ltmp8:
0xd9: {  	[sflag:s24] =	ssyncadd.s32 $0xFFFFD8F0;
	(pc) =	sbr.rel @p0 .LBB2_1-.Ltmp8, $4  }
0xda: {  	[hbm4b:s19+s2] =	stream.linear.scatter [tilespmem:s23], [sflag:$0x2], $0x2710, $0x38;
	[tilespmem:$0x4E30] =	vst v63  }
0xdb: {  	_ =	swait.ge [sflag:s21], $0x2710  }
0xdc: {  	[sflag:s21] =	ssyncset.done $0x0  }
0xdd: {  	[sflag:s21] =	ssyncadd.s32 $0xFFFFD8F0  }
0xde: {  	_ =	sfence.sel $0x180000  }
0xdf: {  	[bflag:$0x0] =	sbarrier.arrive $0xFFFF  }
0xe0: {  	p0 =	sne.s32 s1, $0x0;
	_ =	strace $0x90000047  }
0xe1: {  	s0 =	sadd.s32 @!p0 $0x100000, s0;
	[bflag:$0x2] =	sbarrier.arrive $0xFFFF  }
0xe2: {  	[sflag:s0] =	ssyncadd.tile.s32 @!p0 $0x1;
	_ =	shalt  }
.Lfunc_end2:
_tile_overlayer_lowered:
.L_overlay_start_2:
0xe3: {  	(tag) =	ssettag $0x2  }
0xe4: {  	s0 =	rddreg [dreg:$0x0];
	s2 =	stileid.u32  }
0xe5: {  	s1 =	rddreg [dreg:$0x1];
	p0 =	sne.s32 s2, $0x0  }
0xe6: {  	s3 =	rddreg [dreg:$0x2];
	[bflag:$0x3] =	sbarrier.arrive $0xFFFF;
	s2 =	simm.s32 @!p0 $0x1C02  }
0xe7: {  	[timem:s3], [sflag:s2] =	dma.local @!p0 [hbm:s0], s1  }
0xe8: {  	s0 =	simm.s32 @!p0 $0x2  }
0xe9: {  	_ =	swait.ge @!p0 [sflag:s0], s1  }
0xea: {  	s1 =	ssub.s32 @!p0 $0x0, s1;
	[sflag:s0] =	ssyncset.done @!p0 $0x0  }
0xeb: {  	[sflag:s0] =	ssyncadd.s32 @!p0 s1  }
0xec: {  	[bflag:$0x3] =	sbarrier.arrive $0xFFFF  }
0xed: {  	_ =	shalt  }

</sc_bundles>
